<compile_context>
chip_gen: v7x
topology: tpu7x:2x2x1
jax: 0.10.2.dev20260603
libtpu: 0.0.44.dev20260713+nightly
codegen_flags: <defaults>
</compile_context>

<pallas_src>
import functools

import jax
import jax.numpy as jnp
from jax import lax
from jax.experimental import pallas as pl
from jax.experimental.pallas import tpu as pltpu
from jax.experimental.pallas import tpu_sc as plsc

_NC = 2
_NS = 16
_NW = _NC * _NS
_CH = 128
_KB = 8
_BR = 1000


def _cdiv(a, b):
    return (a + b - 1) // b


def _sc_segsum_rows(xl, src3, dst3, zrows, zdeg, ones, n_pad, rpt, nch, d):
    mesh = plsc.VectorSubcoreMesh(core_axis_name="c", subcore_axis_name="s",
                                  num_cores=_NC, num_subcores=_NS)
    nblk = nch // _KB

    @functools.partial(
        pl.kernel,
        out_type=[jax.ShapeDtypeStruct((_NC, n_pad, d), jnp.float32),
                  jax.ShapeDtypeStruct((_NC, n_pad), jnp.float32)],
        mesh=mesh,
        scratch_types=[
            pltpu.VMEM((_KB, _CH), jnp.int32),
            pltpu.VMEM((_KB, _CH), jnp.int32),
            pltpu.VMEM((_KB, _CH), jnp.int32),
            pltpu.VMEM((_KB, _CH), jnp.int32),
            pltpu.VMEM((_CH, d), jnp.float32),
            pltpu.VMEM((_CH, d), jnp.float32),
            pltpu.VMEM((_CH,), jnp.float32),
            pltpu.VMEM((rpt,), jnp.float32),
            pltpu.VMEM_SHARED((n_pad, d), jnp.float32),
            pltpu.VMEM_SHARED((n_pad,), jnp.float32),
            pltpu.SemaphoreType.DMA,
            pltpu.SemaphoreType.DMA,
            pltpu.SemaphoreType.DMA,
            pltpu.SemaphoreType.DMA,
            pltpu.SemaphoreType.DMA,
            pltpu.SemaphoreType.DMA,
            pltpu.SemaphoreType.DMA,
            pltpu.SemaphoreType.DMA,
        ],
    )
    def k(xl_hbm, src_hbm, dst_hbm, zrows_hbm, zdeg_hbm, ones_hbm,
          acc_out, deg_out, srci0, srci1, dsti0, dsti1, rows0_v, rows1_v,
          ones_v, degb_v, acc_sh, deg_sh, i0, i1, g0, g1, s0, s1, d0, d1):
        srci = (srci0, srci1)
        dsti = (dsti0, dsti1)
        rows = (rows0_v, rows1_v)
        isem = (i0, i1)
        gsem = (g0, g1)
        ssem = (s0, s1)
        dsem = (d0, d1)
        c = lax.axis_index("c")
        s = lax.axis_index("s")
        w = c * _NS + s
        pltpu.sync_copy(zrows_hbm, rows0_v)
        for t in range(rpt // _CH):
            pltpu.sync_copy(rows0_v, acc_sh.at[pl.ds(s * rpt + t * _CH, _CH)])
        pltpu.sync_copy(zdeg_hbm, degb_v)
        pltpu.sync_copy(degb_v, deg_sh.at[pl.ds(s * rpt, rpt)])
        pltpu.sync_copy(ones_hbm, ones_v)
        for b in range(2):
            pltpu.async_copy(src_hbm.at[w, pl.ds(b * _KB, _KB)], srci[b],
                             isem[b])
            pltpu.async_copy(dst_hbm.at[w, pl.ds(b * _KB, _KB)], dsti[b],
                             isem[b])
        plsc.subcore_barrier()

        def blockpair(it, carry):
            for b in range(2):
                bk = it * 2 + b
                pltpu.make_async_copy(
                    src_hbm.at[w, pl.ds(bk * _KB, _KB)], srci[b],
                    isem[b]).wait()
                pltpu.make_async_copy(
                    dst_hbm.at[w, pl.ds(bk * _KB, _KB)], dsti[b],
                    isem[b]).wait()
                for rb in range(2):
                    pltpu.async_copy(xl_hbm.at[srci[b].at[rb]], rows[rb],
                                     gsem[rb])
                for j in range(_KB):
                    rb = j % 2
                    pltpu.async_copy(ones_v, deg_sh.at[dsti[b].at[j]],
                                     dsem[rb], add=True)
                    pltpu.make_async_copy(
                        xl_hbm.at[srci[b].at[j]], rows[rb], gsem[rb]).wait()
                    pltpu.async_copy(rows[rb], acc_sh.at[dsti[b].at[j]],
                                     ssem[rb], add=True)
                    pltpu.make_async_copy(
                        rows[rb], acc_sh.at[dsti[b].at[j]], ssem[rb]).wait()
                    if j + 2 < _KB:
                        pltpu.async_copy(xl_hbm.at[srci[b].at[j + 2]],
                                         rows[rb], gsem[rb])
                    pltpu.make_async_copy(
                        ones_v, deg_sh.at[dsti[b].at[j]], dsem[rb]).wait()
                pltpu.async_copy(src_hbm.at[w, pl.ds((bk + 2) * _KB, _KB)],
                                 srci[b], isem[b])
                pltpu.async_copy(dst_hbm.at[w, pl.ds((bk + 2) * _KB, _KB)],
                                 dsti[b], isem[b])
            return carry

        lax.fori_loop(0, nblk // 2, blockpair, 0)
        for b in range(2):
            pltpu.make_async_copy(
                src_hbm.at[w, pl.ds(b * _KB, _KB)], srci[b], isem[b]).wait()
            pltpu.make_async_copy(
                dst_hbm.at[w, pl.ds(b * _KB, _KB)], dsti[b], isem[b]).wait()
        plsc.subcore_barrier()
        for t in range(rpt // _CH):
            pltpu.sync_copy(acc_sh.at[pl.ds(s * rpt + t * _CH, _CH)], rows0_v)
            pltpu.sync_copy(rows0_v,
                            acc_out.at[c, pl.ds(s * rpt + t * _CH, _CH)])
        pltpu.sync_copy(deg_sh.at[pl.ds(s * rpt, rpt)], degb_v)
        pltpu.sync_copy(degb_v, deg_out.at[c, pl.ds(s * rpt, rpt)])

    return k(xl, src3, dst3, zrows, zdeg, ones)


def _sc_segsum_scalar(z, src3, dst3, zdeg, n_pad, rpt, nch):
    mesh = plsc.VectorSubcoreMesh(core_axis_name="c", subcore_axis_name="s",
                                  num_cores=_NC, num_subcores=_NS)
    nrow = nch + 2 * _KB

    @functools.partial(
        pl.kernel,
        out_type=jax.ShapeDtypeStruct((_NC, n_pad), jnp.float32),
        mesh=mesh,
        scratch_types=[
            pltpu.VMEM((nrow, _CH), jnp.int32),
            pltpu.VMEM((nrow, _CH), jnp.int32),
            pltpu.VMEM((_CH,), jnp.float32),
            pltpu.VMEM((_CH,), jnp.float32),
            pltpu.VMEM((rpt,), jnp.float32),
            pltpu.VMEM_SHARED((n_pad,), jnp.float32),
            pltpu.SemaphoreType.DMA,
            pltpu.SemaphoreType.DMA,
            pltpu.SemaphoreType.DMA,
            pltpu.SemaphoreType.DMA,
        ],
    )
    def k(z_hbm, src_hbm, dst_hbm, zdeg_hbm,
          agg_out, src_v, dst_v, val0_v, val1_v, zb_v, acc_sh,
          g0, g1, s0, s1):
        vals = (val0_v, val1_v)
        gsem = (g0, g1)
        ssem = (s0, s1)
        c = lax.axis_index("c")
        s = lax.axis_index("s")
        pltpu.sync_copy(zdeg_hbm, zb_v)
        pltpu.sync_copy(zb_v, acc_sh.at[pl.ds(s * rpt, rpt)])
        pltpu.sync_copy(src_hbm.at[c * _NS + s], src_v)
        pltpu.sync_copy(dst_hbm.at[c * _NS + s], dst_v)
        for b in range(2):
            pltpu.async_copy(z_hbm.at[src_v.at[b]], vals[b], gsem[b])
        plsc.subcore_barrier()

        def pair(jh, carry):
            j = jh * 2
            for b in range(2):
                jj = j + b
                pltpu.make_async_copy(
                    z_hbm.at[src_v.at[jj]], vals[b], gsem[b]).wait()
                pltpu.async_copy(vals[b], acc_sh.at[dst_v.at[jj]], ssem[b],
                                 add=True)
                pltpu.make_async_copy(
                    vals[b], acc_sh.at[dst_v.at[jj]], ssem[b]).wait()
                pltpu.async_copy(z_hbm.at[src_v.at[jj + 2]], vals[b],
                                 gsem[b])
            return carry

        lax.fori_loop(0, nch // 2, pair, 0)
        for b in range(2):
            pltpu.make_async_copy(
                z_hbm.at[src_v.at[b]], vals[b], gsem[b]).wait()
        plsc.subcore_barrier()
        pltpu.sync_copy(acc_sh.at[pl.ds(s * rpt, rpt)], zb_v)
        pltpu.sync_copy(zb_v, agg_out.at[c, pl.ds(s * rpt, rpt)])

    return k(z, src3, dst3, zdeg)


def _tc_lin1(x, wlr):
    n, d = x.shape
    g = n // _BR

    def body(x_ref, w_ref, xl_ref, xr_ref):
        xb = x_ref[...]
        xl_ref[...] = jnp.dot(xb, w_ref[0], preferred_element_type=jnp.float32)
        xr_ref[...] = jnp.dot(xb, w_ref[1], preferred_element_type=jnp.float32)

    return pl.pallas_call(
        body,
        grid=(g,),
        in_specs=[pl.BlockSpec((_BR, d), lambda i: (i, 0)),
                  pl.BlockSpec((2, d, d), lambda i: (0, 0, 0))],
        out_specs=[pl.BlockSpec((_BR, d), lambda i: (i, 0)),
                   pl.BlockSpec((_BR, d), lambda i: (i, 0))],
        out_shape=[jax.ShapeDtypeStruct((n, d), jnp.float32),
                   jax.ShapeDtypeStruct((n, d), jnp.float32)],
    )(x, wlr)


def _tc_mid(accp, degp, xr, b1r, w2p, n):
    d = xr.shape[1]
    g = n // _BR

    def body(acc_ref, deg_ref, xr_ref, b1_ref, w2_ref, zhr_ref, degs_ref):
        aggsum = acc_ref[0] + acc_ref[1]
        deg = jnp.maximum(deg_ref[0] + deg_ref[1], 1.0)
        h = jnp.maximum(aggsum / deg + b1_ref[...] + xr_ref[...], 0.0)
        zhr_ref[...] = jnp.dot(h, w2_ref[...], preferred_element_type=jnp.float32)
        degs_ref[...] = deg

    return pl.pallas_call(
        body,
        grid=(g,),
        in_specs=[pl.BlockSpec((_NC, _BR, d), lambda i: (0, i, 0)),
                  pl.BlockSpec((_NC, _BR, 1), lambda i: (0, i, 0)),
                  pl.BlockSpec((_BR, d), lambda i: (i, 0)),
                  pl.BlockSpec((1, d), lambda i: (0, 0)),
                  pl.BlockSpec((d, 8), lambda i: (0, 0))],
        out_specs=[pl.BlockSpec((_BR, 8), lambda i: (i, 0)),
                   pl.BlockSpec((_BR, 1), lambda i: (i, 0))],
        out_shape=[jax.ShapeDtypeStruct((n, 8), jnp.float32),
                   jax.ShapeDtypeStruct((n, 1), jnp.float32)],
    )(accp, degp, xr, b1r, w2p)


def _tc_out(aggzp, degs, zhr, b2r, n):
    g = n // _BR

    def body(aggz_ref, deg_ref, zhr_ref, b2_ref, out_ref, sig_ref):
        aggz = jnp.sum(aggz_ref[...], axis=0)
        hr = zhr_ref[:, 1:2]
        o = aggz / deg_ref[...] + b2_ref[0, 0] + hr
        out_ref[...] = o
        sig_ref[...] = jax.nn.sigmoid(o)

    return pl.pallas_call(
        body,
        grid=(g,),
        in_specs=[pl.BlockSpec((_NC, _BR, 1), lambda i: (0, i, 0)),
                  pl.BlockSpec((_BR, 1), lambda i: (i, 0)),
                  pl.BlockSpec((_BR, 8), lambda i: (i, 0)),
                  pl.BlockSpec((1, 1), lambda i: (0, 0))],
        out_specs=[pl.BlockSpec((_BR, 1), lambda i: (i, 0)),
                   pl.BlockSpec((_BR, 1), lambda i: (i, 0))],
        out_shape=[jax.ShapeDtypeStruct((n, 1), jnp.float32),
                   jax.ShapeDtypeStruct((n, 1), jnp.float32)],
    )(aggzp, degs, zhr, b2r)


def kernel(x, edge_index, W1_l, b1, W1_r, W2_l, b2, W2_r):
    n, d = x.shape
    e = edge_index.shape[1]
    nch = _KB * _cdiv(e, _NW * _CH * _KB)
    ept = nch * _CH
    e_pad = ept * _NW
    rpt = _CH * _cdiv(n + 1, _NS * _CH)
    n_pad = rpt * _NS

    pad = e_pad - e
    pidx = jnp.arange(pad, dtype=jnp.int32)
    src_pad = pidx % jnp.int32(n)
    dst_pad = jnp.int32(n) + pidx % jnp.int32(n_pad - n)
    src2 = jnp.concatenate([edge_index[0], src_pad]).reshape(_NW, ept)
    dst2 = jnp.concatenate([edge_index[1], dst_pad]).reshape(_NW, ept)
    src3 = src2.reshape(_NW, nch, _CH)
    dst3 = dst2.reshape(_NW, nch, _CH)
    src3 = jnp.concatenate(
        [src3, jnp.zeros((_NW, 2 * _KB, _CH), jnp.int32)], axis=1)
    dst3 = jnp.concatenate(
        [dst3, jnp.full((_NW, 2 * _KB, _CH), n, jnp.int32)], axis=1)
    zrows = jnp.zeros((_CH, d), jnp.float32)
    zdeg = jnp.zeros((rpt,), jnp.float32)
    ones = jnp.ones((_CH,), jnp.float32)

    xl, xr = _tc_lin1(x, jnp.stack([W1_l, W1_r]))
    accp, degp = _sc_segsum_rows(xl, src3, dst3, zrows, zdeg, ones,
                                 n_pad, rpt, nch, d)
    degp3 = degp.reshape(_NC, n_pad, 1)
    b1r = b1.reshape(1, d)
    w2p = jnp.zeros((d, 8), jnp.float32)
    w2p = w2p.at[:, 0].set(W2_l[:, 0]).at[:, 1].set(W2_r[:, 0])
    zhr, degs = _tc_mid(accp, degp3, xr, b1r, w2p, n)
    z = jnp.concatenate([zhr[:, 0], jnp.zeros((n_pad - n,), jnp.float32)])
    aggzp = _sc_segsum_scalar(z, src3, dst3, zdeg, n_pad, rpt, nch)
    aggzp = aggzp.reshape(_NC, n_pad, 1)
    b2r = b2.reshape(1, 1)
    out, sig = _tc_out(aggzp, degs, zhr, b2r, n)
    return (out, sig)

# --- scband reference (transcript-rebuilt; emitter-appended) ---
"""Pipeline reference for scband-susagebin-35485019799946 (READ-ONLY COPY).

The authoritative reference and input builder live on the scoring server;
editing this copy changes nothing except your own understanding.
"""

import jax, jax.numpy as jnp
import numpy as np

N = 10000
E = 320000
DIN = 128
DH = 128
DOUT = 1


def setup_inputs(seed: int = 0) -> dict:
    key = jax.random.key(seed)
    ks = jax.random.split(key, 8)
    x = jax.random.normal(ks[0], (N, DIN), dtype=jnp.float32)
    edge_index = jax.random.randint(ks[1], (2, E), 0, N, dtype=jnp.int32)
    s1 = 1.0 / np.sqrt(DIN)
    s2 = 1.0 / np.sqrt(DH)
    W1_l = jax.random.uniform(ks[2], (DIN, DH), dtype=jnp.float32, minval=-s1, maxval=s1)
    W1_r = jax.random.uniform(ks[3], (DIN, DH), dtype=jnp.float32, minval=-s1, maxval=s1)
    b1 = jnp.zeros((DH,), dtype=jnp.float32)
    W2_l = jax.random.uniform(ks[4], (DH, DOUT), dtype=jnp.float32, minval=-s2, maxval=s2)
    W2_r = jax.random.uniform(ks[5], (DH, DOUT), dtype=jnp.float32, minval=-s2, maxval=s2)
    b2 = jnp.zeros((DOUT,), dtype=jnp.float32)
    return {"x": x, "edge_index": edge_index, "W1_l": W1_l, "b1": b1, "W1_r": W1_r, "W2_l": W2_l, "b2": b2, "W2_r": W2_r}


def _sage_conv(h, edge_index, Wl, bl, Wr):
    # PyG SAGEConv with mean aggregation:
    #   out = lin_l(mean_{j in N(i)} x_j) + lin_r(x_i)
    src = edge_index[0]
    dst = edge_index[1]
    msg = jnp.take(h, src, axis=0)
    agg = jax.ops.segment_sum(msg, dst, num_segments=N)
    deg = jax.ops.segment_sum(jnp.ones((msg.shape[0], 1), dtype=h.dtype), dst, num_segments=N)
    agg = agg / jnp.clip(deg, 1.0, None)
    return agg @ Wl + bl + h @ Wr


def reference(x, edge_index, W1_l, b1, W1_r, W2_l, b2, W2_r):
    h = _sage_conv(x, edge_index, W1_l, b1, W1_r)
    # not last layer: relu + dropout (dropout is identity in eval/deterministic mode)
    h = jax.nn.relu(h)
    h = _sage_conv(h, edge_index, W2_l, b2, W2_r)
    return (h, jax.nn.sigmoid(h))

if __name__ == "__main__":
    import jax
    _d = setup_inputs()
    print(jax.jit(kernel)(*tuple(_d.values())))

</pallas_src>

<mosaic_0001>
#map = affine_map<(d0, d1) -> (0)>
#map1 = affine_map<(d0, d1) -> (0, 0, 0)>
#map2 = affine_map<(d0, d1) -> (0, 0)>
module attributes {stable_mosaic.version = 14 : i64} {
  func.func @k(%arg0: i32, %arg1: i32, %arg2: memref<10240xf32, #tpu.memory_space<hbm>>, %arg3: memref<32x96x128xi32, #tpu.memory_space<hbm>>, %arg4: memref<32x96x128xi32, #tpu.memory_space<hbm>>, %arg5: memref<640xf32, #tpu.memory_space<hbm>>, %arg6: memref<2x10240xf32, #tpu.memory_space<hbm>>, %arg7: memref<96x128xi32, #tpu.memory_space<vmem>>, %arg8: memref<96x128xi32, #tpu.memory_space<vmem>>, %arg9: memref<128xf32, #tpu.memory_space<vmem>>, %arg10: memref<128xf32, #tpu.memory_space<vmem>>, %arg11: memref<640xf32, #tpu.memory_space<vmem>>, %arg12: memref<10240xf32, #tpu.memory_space<vmem_shared>>, %arg13: memref<!tpu.dma_semaphore, #tpu.memory_space<semaphore_mem>>, %arg14: memref<!tpu.dma_semaphore, #tpu.memory_space<semaphore_mem>>, %arg15: memref<!tpu.dma_semaphore, #tpu.memory_space<semaphore_mem>>, %arg16: memref<!tpu.dma_semaphore, #tpu.memory_space<semaphore_mem>>) attributes {dimension_semantics = [#tpu.dimension_semantics<core_parallel>, #tpu.dimension_semantics<subcore_parallel>], iteration_bounds = array<i64: 2, 16>, scalar_prefetch = 0 : i64, scratch_operands = 10 : i64, tpu.core_type = #tpu.core_type<sc_vector_subcore>, window_params = [{transform_indices = #map}, {transform_indices = #map1}, {transform_indices = #map1}, {transform_indices = #map}, {transform_indices = #map2}]} {
    "tpu.region"() ({
      %run_scoped3A = tpu.sem_alloc : memref<!tpu.dma_semaphore, #tpu.memory_space<semaphore_mem>>
      tpu.enqueue_dma source(%arg5 : memref<640xf32, #tpu.memory_space<hbm>>) target(%arg11 : memref<640xf32, #tpu.memory_space<vmem>>) target_semaphore(%run_scoped3A : memref<!tpu.dma_semaphore, #tpu.memory_space<semaphore_mem>>)
      tpu.wait_dma2 semaphore(%run_scoped3A : memref<!tpu.dma_semaphore, #tpu.memory_space<semaphore_mem>>) src(%arg5 : memref<640xf32, #tpu.memory_space<hbm>>) dst(%arg11 : memref<640xf32, #tpu.memory_space<vmem>>)
      tpu.yield
    }) : () -> ()
    %mul3A = arith.constant 640 : i32
    %mul3A_0 = arith.muli %arg1, %mul3A : i32
    "tpu.region"() ({
      %run_scoped3A = tpu.sem_alloc : memref<!tpu.dma_semaphore, #tpu.memory_space<semaphore_mem>>
      %dma_start3A_38 = tpu.memref_slice %arg12[%mul3A_0] : memref<10240xf32, #tpu.memory_space<vmem_shared>> -> memref<640xf32, #tpu.memory_space<vmem_shared>>
      %dma_start3A_39 = tpu.memref_slice %arg12[%mul3A_0] : memref<10240xf32, #tpu.memory_space<vmem_shared>> -> memref<640xf32, #tpu.memory_space<vmem_shared>>
      tpu.enqueue_dma source(%arg11 : memref<640xf32, #tpu.memory_space<vmem>>) target(%dma_start3A_39 : memref<640xf32, #tpu.memory_space<vmem_shared>>) target_semaphore(%run_scoped3A : memref<!tpu.dma_semaphore, #tpu.memory_space<semaphore_mem>>)
      %dma_wait3A_40 = tpu.memref_slice %arg12[%mul3A_0] : memref<10240xf32, #tpu.memory_space<vmem_shared>> -> memref<640xf32, #tpu.memory_space<vmem_shared>>
      %dma_wait3A_41 = tpu.memref_slice %arg12[%mul3A_0] : memref<10240xf32, #tpu.memory_space<vmem_shared>> -> memref<640xf32, #tpu.memory_space<vmem_shared>>
      tpu.wait_dma2 semaphore(%run_scoped3A : memref<!tpu.dma_semaphore, #tpu.memory_space<semaphore_mem>>) src(%arg11 : memref<640xf32, #tpu.memory_space<vmem>>) dst(%dma_wait3A_41 : memref<640xf32, #tpu.memory_space<vmem_shared>>)
      tpu.yield
    }) : () -> ()
    %mul3A_1 = arith.constant 16 : i32
    %mul3A_2 = arith.muli %arg0, %mul3A_1 : i32
    %add3A = arith.addi %mul3A_2, %arg1 : i32
    "tpu.region"() ({
      %run_scoped3A = tpu.sem_alloc : memref<!tpu.dma_semaphore, #tpu.memory_space<semaphore_mem>>
      %dma_start3A_38 = arith.constant 0 : i32
      %dma_start3A_39 = arith.constant 0 : i32
      %dma_start3A_40 = tpu.memref_slice %arg3[%add3A, %dma_start3A_38, %dma_start3A_39] : memref<32x96x128xi32, #tpu.memory_space<hbm>> -> memref<1x96x128xi32, #tpu.memory_space<hbm>>
      %dma_start3A_41 = tpu.memref_squeeze %dma_start3A_40 : memref<1x96x128xi32, #tpu.memory_space<hbm>> -> memref<96x128xi32, #tpu.memory_space<hbm>>
      %dma_start3A_42 = arith.constant 0 : i32
      %dma_start3A_43 = arith.constant 0 : i32
      %dma_start3A_44 = tpu.memref_slice %arg3[%add3A, %dma_start3A_42, %dma_start3A_43] : memref<32x96x128xi32, #tpu.memory_space<hbm>> -> memref<1x96x128xi32, #tpu.memory_space<hbm>>
      %dma_start3A_45 = tpu.memref_squeeze %dma_start3A_44 : memref<1x96x128xi32, #tpu.memory_space<hbm>> -> memref<96x128xi32, #tpu.memory_space<hbm>>
      tpu.enqueue_dma source(%dma_start3A_45 : memref<96x128xi32, #tpu.memory_space<hbm>>) target(%arg7 : memref<96x128xi32, #tpu.memory_space<vmem>>) target_semaphore(%run_scoped3A : memref<!tpu.dma_semaphore, #tpu.memory_space<semaphore_mem>>)
      %dma_wait3A_46 = arith.constant 0 : i32
      %dma_wait3A_47 = arith.constant 0 : i32
      %dma_wait3A_48 = tpu.memref_slice %arg3[%add3A, %dma_wait3A_46, %dma_wait3A_47] : memref<32x96x128xi32, #tpu.memory_space<hbm>> -> memref<1x96x128xi32, #tpu.memory_space<hbm>>
      %dma_wait3A_49 = tpu.memref_squeeze %dma_wait3A_48 : memref<1x96x128xi32, #tpu.memory_space<hbm>> -> memref<96x128xi32, #tpu.memory_space<hbm>>
      %dma_wait3A_50 = arith.constant 0 : i32
      %dma_wait3A_51 = arith.constant 0 : i32
      %dma_wait3A_52 = tpu.memref_slice %arg3[%add3A, %dma_wait3A_50, %dma_wait3A_51] : memref<32x96x128xi32, #tpu.memory_space<hbm>> -> memref<1x96x128xi32, #tpu.memory_space<hbm>>
      %dma_wait3A_53 = tpu.memref_squeeze %dma_wait3A_52 : memref<1x96x128xi32, #tpu.memory_space<hbm>> -> memref<96x128xi32, #tpu.memory_space<hbm>>
      tpu.wait_dma2 semaphore(%run_scoped3A : memref<!tpu.dma_semaphore, #tpu.memory_space<semaphore_mem>>) src(%dma_wait3A_53 : memref<96x128xi32, #tpu.memory_space<hbm>>) dst(%arg7 : memref<96x128xi32, #tpu.memory_space<vmem>>)
      tpu.yield
    }) : () -> ()
    %mul3A_3 = arith.constant 16 : i32
    %mul3A_4 = arith.muli %arg0, %mul3A_3 : i32
    %add3A_5 = arith.addi %mul3A_4, %arg1 : i32
    "tpu.region"() ({
      %run_scoped3A = tpu.sem_alloc : memref<!tpu.dma_semaphore, #tpu.memory_space<semaphore_mem>>
      %dma_start3A_38 = arith.constant 0 : i32
      %dma_start3A_39 = arith.constant 0 : i32
      %dma_start3A_40 = tpu.memref_slice %arg4[%add3A_5, %dma_start3A_38, %dma_start3A_39] : memref<32x96x128xi32, #tpu.memory_space<hbm>> -> memref<1x96x128xi32, #tpu.memory_space<hbm>>
      %dma_start3A_41 = tpu.memref_squeeze %dma_start3A_40 : memref<1x96x128xi32, #tpu.memory_space<hbm>> -> memref<96x128xi32, #tpu.memory_space<hbm>>
      %dma_start3A_42 = arith.constant 0 : i32
      %dma_start3A_43 = arith.constant 0 : i32
      %dma_start3A_44 = tpu.memref_slice %arg4[%add3A_5, %dma_start3A_42, %dma_start3A_43] : memref<32x96x128xi32, #tpu.memory_space<hbm>> -> memref<1x96x128xi32, #tpu.memory_space<hbm>>
      %dma_start3A_45 = tpu.memref_squeeze %dma_start3A_44 : memref<1x96x128xi32, #tpu.memory_space<hbm>> -> memref<96x128xi32, #tpu.memory_space<hbm>>
      tpu.enqueue_dma source(%dma_start3A_45 : memref<96x128xi32, #tpu.memory_space<hbm>>) target(%arg8 : memref<96x128xi32, #tpu.memory_space<vmem>>) target_semaphore(%run_scoped3A : memref<!tpu.dma_semaphore, #tpu.memory_space<semaphore_mem>>)
      %dma_wait3A_46 = arith.constant 0 : i32
      %dma_wait3A_47 = arith.constant 0 : i32
      %dma_wait3A_48 = tpu.memref_slice %arg4[%add3A_5, %dma_wait3A_46, %dma_wait3A_47] : memref<32x96x128xi32, #tpu.memory_space<hbm>> -> memref<1x96x128xi32, #tpu.memory_space<hbm>>
      %dma_wait3A_49 = tpu.memref_squeeze %dma_wait3A_48 : memref<1x96x128xi32, #tpu.memory_space<hbm>> -> memref<96x128xi32, #tpu.memory_space<hbm>>
      %dma_wait3A_50 = arith.constant 0 : i32
      %dma_wait3A_51 = arith.constant 0 : i32
      %dma_wait3A_52 = tpu.memref_slice %arg4[%add3A_5, %dma_wait3A_50, %dma_wait3A_51] : memref<32x96x128xi32, #tpu.memory_space<hbm>> -> memref<1x96x128xi32, #tpu.memory_space<hbm>>
      %dma_wait3A_53 = tpu.memref_squeeze %dma_wait3A_52 : memref<1x96x128xi32, #tpu.memory_space<hbm>> -> memref<96x128xi32, #tpu.memory_space<hbm>>
      tpu.wait_dma2 semaphore(%run_scoped3A : memref<!tpu.dma_semaphore, #tpu.memory_space<semaphore_mem>>) src(%dma_wait3A_53 : memref<96x128xi32, #tpu.memory_space<hbm>>) dst(%arg8 : memref<96x128xi32, #tpu.memory_space<vmem>>)
      tpu.yield
    }) : () -> ()
    %dma_start3A = arith.constant 0 : i32
    %dma_start3A_6 = arith.constant 0 : i32
    %dma_start3A_7 = tpu.memref_slice %arg7[%dma_start3A, %dma_start3A_6] : memref<96x128xi32, #tpu.memory_space<vmem>> -> memref<1x128xi32, #tpu.memory_space<vmem>>
    %dma_start3A_8 = tpu.memref_squeeze %dma_start3A_7 : memref<1x128xi32, #tpu.memory_space<vmem>> -> memref<128xi32, #tpu.memory_space<vmem>>
    %dma_start3A_9 = arith.constant 0 : i32
    %dma_start3A_10 = tpu.memref_slice %arg2[%dma_start3A_9] : memref<10240xf32, #tpu.memory_space<hbm>> -> memref<10240xf32, #tpu.memory_space<hbm>>
    tpu.enqueue_indirect_dma source(%dma_start3A_10 : memref<10240xf32, #tpu.memory_space<hbm>>) target(%arg9 : memref<128xf32, #tpu.memory_space<vmem>>) offsets(%dma_start3A_8 : memref<128xi32, #tpu.memory_space<vmem>>) semaphore(%arg13 : memref<!tpu.dma_semaphore, #tpu.memory_space<semaphore_mem>>)
    %dma_start3A_11 = arith.constant 1 : i32
    %dma_start3A_12 = arith.constant 0 : i32
    %dma_start3A_13 = tpu.memref_slice %arg7[%dma_start3A_11, %dma_start3A_12] : memref<96x128xi32, #tpu.memory_space<vmem>> -> memref<1x128xi32, #tpu.memory_space<vmem>>
    %dma_start3A_14 = tpu.memref_squeeze %dma_start3A_13 : memref<1x128xi32, #tpu.memory_space<vmem>> -> memref<128xi32, #tpu.memory_space<vmem>>
    %dma_start3A_15 = arith.constant 0 : i32
    %dma_start3A_16 = tpu.memref_slice %arg2[%dma_start3A_15] : memref<10240xf32, #tpu.memory_space<hbm>> -> memref<10240xf32, #tpu.memory_space<hbm>>
    tpu.enqueue_indirect_dma source(%dma_start3A_16 : memref<10240xf32, #tpu.memory_space<hbm>>) target(%arg10 : memref<128xf32, #tpu.memory_space<vmem>>) offsets(%dma_start3A_14 : memref<128xi32, #tpu.memory_space<vmem>>) semaphore(%arg14 : memref<!tpu.dma_semaphore, #tpu.memory_space<semaphore_mem>>)
    %barrier3A = arith.constant 0 : index
    tpu.barrier barrier_id(%barrier3A)
    %scan3A = arith.constant 0 : i32
    %scan3A_17 = arith.constant 0 : i32
    %scan3A_18 = arith.constant 40 : i32
    %scan3A_19 = arith.addi %scan3A_17, %scan3A_18 : i32
    %scan3A_20 = arith.constant 1 : i32
    scf.for %scan3A_38 = %scan3A_17 to %scan3A_19 step %scan3A_20  : i32 {
      %mul3A_39 = arith.constant 2 : i32
      %mul3A_40 = arith.muli %scan3A_38, %mul3A_39 : i32
      %add3A_41 = arith.constant 0 : i32
      %add3A_42 = arith.addi %mul3A_40, %add3A_41 : i32
      %dma_wait3A_43 = arith.constant 0 : i32
      %dma_wait3A_44 = tpu.memref_slice %arg7[%add3A_42, %dma_wait3A_43] : memref<96x128xi32, #tpu.memory_space<vmem>> -> memref<1x128xi32, #tpu.memory_space<vmem>>
      %dma_wait3A_45 = tpu.memref_squeeze %dma_wait3A_44 : memref<1x128xi32, #tpu.memory_space<vmem>> -> memref<128xi32, #tpu.memory_space<vmem>>
      %dma_wait3A_46 = arith.constant 0 : i32
      %dma_wait3A_47 = tpu.memref_slice %arg2[%dma_wait3A_46] : memref<10240xf32, #tpu.memory_space<hbm>> -> memref<10240xf32, #tpu.memory_space<hbm>>
      tpu.wait_indirect_dma semaphore(%arg13 : memref<!tpu.dma_semaphore, #tpu.memory_space<semaphore_mem>>) src(%dma_wait3A_47 : memref<10240xf32, #tpu.memory_space<hbm>>) dst(%arg9 : memref<128xf32, #tpu.memory_space<vmem>>)
      %dma_start3A_48 = arith.constant 0 : i32
      %dma_start3A_49 = tpu.memref_slice %arg8[%add3A_42, %dma_start3A_48] : memref<96x128xi32, #tpu.memory_space<vmem>> -> memref<1x128xi32, #tpu.memory_space<vmem>>
      %dma_start3A_50 = tpu.memref_squeeze %dma_start3A_49 : memref<1x128xi32, #tpu.memory_space<vmem>> -> memref<128xi32, #tpu.memory_space<vmem>>
      %dma_start3A_51 = arith.constant 0 : i32
      %dma_start3A_52 = tpu.memref_slice %arg12[%dma_start3A_51] : memref<10240xf32, #tpu.memory_space<vmem_shared>> -> memref<10240xf32, #tpu.memory_space<vmem_shared>>
      tpu.enqueue_indirect_dma source(%arg9 : memref<128xf32, #tpu.memory_space<vmem>>) target(%dma_start3A_52 : memref<10240xf32, #tpu.memory_space<vmem_shared>>) offsets(%dma_start3A_50 : memref<128xi32, #tpu.memory_space<vmem>>) semaphore(%arg15 : memref<!tpu.dma_semaphore, #tpu.memory_space<semaphore_mem>>) {add = true}
      %dma_wait3A_53 = arith.constant 0 : i32
      %dma_wait3A_54 = tpu.memref_slice %arg8[%add3A_42, %dma_wait3A_53] : memref<96x128xi32, #tpu.memory_space<vmem>> -> memref<1x128xi32, #tpu.memory_space<vmem>>
      %dma_wait3A_55 = tpu.memref_squeeze %dma_wait3A_54 : memref<1x128xi32, #tpu.memory_space<vmem>> -> memref<128xi32, #tpu.memory_space<vmem>>
      %dma_wait3A_56 = arith.constant 0 : i32
      %dma_wait3A_57 = tpu.memref_slice %arg12[%dma_wait3A_56] : memref<10240xf32, #tpu.memory_space<vmem_shared>> -> memref<10240xf32, #tpu.memory_space<vmem_shared>>
      tpu.wait_indirect_dma semaphore(%arg15 : memref<!tpu.dma_semaphore, #tpu.memory_space<semaphore_mem>>) src(%arg9 : memref<128xf32, #tpu.memory_space<vmem>>) dst(%dma_wait3A_57 : memref<10240xf32, #tpu.memory_space<vmem_shared>>)
      %add3A_58 = arith.constant 2 : i32
      %add3A_59 = arith.addi %add3A_42, %add3A_58 : i32
      %dma_start3A_60 = arith.constant 0 : i32
      %dma_start3A_61 = tpu.memref_slice %arg7[%add3A_59, %dma_start3A_60] : memref<96x128xi32, #tpu.memory_space<vmem>> -> memref<1x128xi32, #tpu.memory_space<vmem>>
      %dma_start3A_62 = tpu.memref_squeeze %dma_start3A_61 : memref<1x128xi32, #tpu.memory_space<vmem>> -> memref<128xi32, #tpu.memory_space<vmem>>
      %dma_start3A_63 = arith.constant 0 : i32
      %dma_start3A_64 = tpu.memref_slice %arg2[%dma_start3A_63] : memref<10240xf32, #tpu.memory_space<hbm>> -> memref<10240xf32, #tpu.memory_space<hbm>>
      tpu.enqueue_indirect_dma source(%dma_start3A_64 : memref<10240xf32, #tpu.memory_space<hbm>>) target(%arg9 : memref<128xf32, #tpu.memory_space<vmem>>) offsets(%dma_start3A_62 : memref<128xi32, #tpu.memory_space<vmem>>) semaphore(%arg13 : memref<!tpu.dma_semaphore, #tpu.memory_space<semaphore_mem>>)
      %add3A_65 = arith.constant 1 : i32
      %add3A_66 = arith.addi %mul3A_40, %add3A_65 : i32
      %dma_wait3A_67 = arith.constant 0 : i32
      %dma_wait3A_68 = tpu.memref_slice %arg7[%add3A_66, %dma_wait3A_67] : memref<96x128xi32, #tpu.memory_space<vmem>> -> memref<1x128xi32, #tpu.memory_space<vmem>>
      %dma_wait3A_69 = tpu.memref_squeeze %dma_wait3A_68 : memref<1x128xi32, #tpu.memory_space<vmem>> -> memref<128xi32, #tpu.memory_space<vmem>>
      %dma_wait3A_70 = arith.constant 0 : i32
      %dma_wait3A_71 = tpu.memref_slice %arg2[%dma_wait3A_70] : memref<10240xf32, #tpu.memory_space<hbm>> -> memref<10240xf32, #tpu.memory_space<hbm>>
      tpu.wait_indirect_dma semaphore(%arg14 : memref<!tpu.dma_semaphore, #tpu.memory_space<semaphore_mem>>) src(%dma_wait3A_71 : memref<10240xf32, #tpu.memory_space<hbm>>) dst(%arg10 : memref<128xf32, #tpu.memory_space<vmem>>)
      %dma_start3A_72 = arith.constant 0 : i32
      %dma_start3A_73 = tpu.memref_slice %arg8[%add3A_66, %dma_start3A_72] : memref<96x128xi32, #tpu.memory_space<vmem>> -> memref<1x128xi32, #tpu.memory_space<vmem>>
      %dma_start3A_74 = tpu.memref_squeeze %dma_start3A_73 : memref<1x128xi32, #tpu.memory_space<vmem>> -> memref<128xi32, #tpu.memory_space<vmem>>
      %dma_start3A_75 = arith.constant 0 : i32
      %dma_start3A_76 = tpu.memref_slice %arg12[%dma_start3A_75] : memref<10240xf32, #tpu.memory_space<vmem_shared>> -> memref<10240xf32, #tpu.memory_space<vmem_shared>>
      tpu.enqueue_indirect_dma source(%arg10 : memref<128xf32, #tpu.memory_space<vmem>>) target(%dma_start3A_76 : memref<10240xf32, #tpu.memory_space<vmem_shared>>) offsets(%dma_start3A_74 : memref<128xi32, #tpu.memory_space<vmem>>) semaphore(%arg16 : memref<!tpu.dma_semaphore, #tpu.memory_space<semaphore_mem>>) {add = true}
      %dma_wait3A_77 = arith.constant 0 : i32
      %dma_wait3A_78 = tpu.memref_slice %arg8[%add3A_66, %dma_wait3A_77] : memref<96x128xi32, #tpu.memory_space<vmem>> -> memref<1x128xi32, #tpu.memory_space<vmem>>
      %dma_wait3A_79 = tpu.memref_squeeze %dma_wait3A_78 : memref<1x128xi32, #tpu.memory_space<vmem>> -> memref<128xi32, #tpu.memory_space<vmem>>
      %dma_wait3A_80 = arith.constant 0 : i32
      %dma_wait3A_81 = tpu.memref_slice %arg12[%dma_wait3A_80] : memref<10240xf32, #tpu.memory_space<vmem_shared>> -> memref<10240xf32, #tpu.memory_space<vmem_shared>>
      tpu.wait_indirect_dma semaphore(%arg16 : memref<!tpu.dma_semaphore, #tpu.memory_space<semaphore_mem>>) src(%arg10 : memref<128xf32, #tpu.memory_space<vmem>>) dst(%dma_wait3A_81 : memref<10240xf32, #tpu.memory_space<vmem_shared>>)
      %add3A_82 = arith.constant 2 : i32
      %add3A_83 = arith.addi %add3A_66, %add3A_82 : i32
      %dma_start3A_84 = arith.constant 0 : i32
      %dma_start3A_85 = tpu.memref_slice %arg7[%add3A_83, %dma_start3A_84] : memref<96x128xi32, #tpu.memory_space<vmem>> -> memref<1x128xi32, #tpu.memory_space<vmem>>
      %dma_start3A_86 = tpu.memref_squeeze %dma_start3A_85 : memref<1x128xi32, #tpu.memory_space<vmem>> -> memref<128xi32, #tpu.memory_space<vmem>>
      %dma_start3A_87 = arith.constant 0 : i32
      %dma_start3A_88 = tpu.memref_slice %arg2[%dma_start3A_87] : memref<10240xf32, #tpu.memory_space<hbm>> -> memref<10240xf32, #tpu.memory_space<hbm>>
      tpu.enqueue_indirect_dma source(%dma_start3A_88 : memref<10240xf32, #tpu.memory_space<hbm>>) target(%arg10 : memref<128xf32, #tpu.memory_space<vmem>>) offsets(%dma_start3A_86 : memref<128xi32, #tpu.memory_space<vmem>>) semaphore(%arg14 : memref<!tpu.dma_semaphore, #tpu.memory_space<semaphore_mem>>)
    }
    %scan3A_21 = arith.constant 40 : i32
    %dma_wait3A = arith.constant 0 : i32
    %dma_wait3A_22 = arith.constant 0 : i32
    %dma_wait3A_23 = tpu.memref_slice %arg7[%dma_wait3A, %dma_wait3A_22] : memref<96x128xi32, #tpu.memory_space<vmem>> -> memref<1x128xi32, #tpu.memory_space<vmem>>
    %dma_wait3A_24 = tpu.memref_squeeze %dma_wait3A_23 : memref<1x128xi32, #tpu.memory_space<vmem>> -> memref<128xi32, #tpu.memory_space<vmem>>
    %dma_wait3A_25 = arith.constant 0 : i32
    %dma_wait3A_26 = tpu.memref_slice %arg2[%dma_wait3A_25] : memref<10240xf32, #tpu.memory_space<hbm>> -> memref<10240xf32, #tpu.memory_space<hbm>>
    tpu.wait_indirect_dma semaphore(%arg13 : memref<!tpu.dma_semaphore, #tpu.memory_space<semaphore_mem>>) src(%dma_wait3A_26 : memref<10240xf32, #tpu.memory_space<hbm>>) dst(%arg9 : memref<128xf32, #tpu.memory_space<vmem>>)
    %dma_wait3A_27 = arith.constant 1 : i32
    %dma_wait3A_28 = arith.constant 0 : i32
    %dma_wait3A_29 = tpu.memref_slice %arg7[%dma_wait3A_27, %dma_wait3A_28] : memref<96x128xi32, #tpu.memory_space<vmem>> -> memref<1x128xi32, #tpu.memory_space<vmem>>
    %dma_wait3A_30 = tpu.memref_squeeze %dma_wait3A_29 : memref<1x128xi32, #tpu.memory_space<vmem>> -> memref<128xi32, #tpu.memory_space<vmem>>
    %dma_wait3A_31 = arith.constant 0 : i32
    %dma_wait3A_32 = tpu.memref_slice %arg2[%dma_wait3A_31] : memref<10240xf32, #tpu.memory_space<hbm>> -> memref<10240xf32, #tpu.memory_space<hbm>>
    tpu.wait_indirect_dma semaphore(%arg14 : memref<!tpu.dma_semaphore, #tpu.memory_space<semaphore_mem>>) src(%dma_wait3A_32 : memref<10240xf32, #tpu.memory_space<hbm>>) dst(%arg10 : memref<128xf32, #tpu.memory_space<vmem>>)
    %barrier3A_33 = arith.constant 0 : index
    tpu.barrier barrier_id(%barrier3A_33)
    %mul3A_34 = arith.constant 640 : i32
    %mul3A_35 = arith.muli %arg1, %mul3A_34 : i32
    "tpu.region"() ({
      %run_scoped3A = tpu.sem_alloc : memref<!tpu.dma_semaphore, #tpu.memory_space<semaphore_mem>>
      %dma_start3A_38 = tpu.memref_slice %arg12[%mul3A_35] : memref<10240xf32, #tpu.memory_space<vmem_shared>> -> memref<640xf32, #tpu.memory_space<vmem_shared>>
      %dma_start3A_39 = tpu.memref_slice %arg12[%mul3A_35] : memref<10240xf32, #tpu.memory_space<vmem_shared>> -> memref<640xf32, #tpu.memory_space<vmem_shared>>
      tpu.enqueue_dma source(%dma_start3A_39 : memref<640xf32, #tpu.memory_space<vmem_shared>>) target(%arg11 : memref<640xf32, #tpu.memory_space<vmem>>) target_semaphore(%run_scoped3A : memref<!tpu.dma_semaphore, #tpu.memory_space<semaphore_mem>>)
      %dma_wait3A_40 = tpu.memref_slice %arg12[%mul3A_35] : memref<10240xf32, #tpu.memory_space<vmem_shared>> -> memref<640xf32, #tpu.memory_space<vmem_shared>>
      %dma_wait3A_41 = tpu.memref_slice %arg12[%mul3A_35] : memref<10240xf32, #tpu.memory_space<vmem_shared>> -> memref<640xf32, #tpu.memory_space<vmem_shared>>
      tpu.wait_dma2 semaphore(%run_scoped3A : memref<!tpu.dma_semaphore, #tpu.memory_space<semaphore_mem>>) src(%dma_wait3A_41 : memref<640xf32, #tpu.memory_space<vmem_shared>>) dst(%arg11 : memref<640xf32, #tpu.memory_space<vmem>>)
      tpu.yield
    }) : () -> ()
    %mul3A_36 = arith.constant 640 : i32
    %mul3A_37 = arith.muli %arg1, %mul3A_36 : i32
    "tpu.region"() ({
      %run_scoped3A = tpu.sem_alloc : memref<!tpu.dma_semaphore, #tpu.memory_space<semaphore_mem>>
      %dma_start3A_38 = tpu.memref_slice %arg6[%arg0, %mul3A_37] : memref<2x10240xf32, #tpu.memory_space<hbm>> -> memref<1x640xf32, #tpu.memory_space<hbm>>
      %dma_start3A_39 = tpu.memref_squeeze %dma_start3A_38 : memref<1x640xf32, #tpu.memory_space<hbm>> -> memref<640xf32, #tpu.memory_space<hbm>>
      %dma_start3A_40 = tpu.memref_slice %arg6[%arg0, %mul3A_37] : memref<2x10240xf32, #tpu.memory_space<hbm>> -> memref<1x640xf32, #tpu.memory_space<hbm>>
      %dma_start3A_41 = tpu.memref_squeeze %dma_start3A_40 : memref<1x640xf32, #tpu.memory_space<hbm>> -> memref<640xf32, #tpu.memory_space<hbm>>
      tpu.enqueue_dma source(%arg11 : memref<640xf32, #tpu.memory_space<vmem>>) target(%dma_start3A_41 : memref<640xf32, #tpu.memory_space<hbm>>) target_semaphore(%run_scoped3A : memref<!tpu.dma_semaphore, #tpu.memory_space<semaphore_mem>>)
      %dma_wait3A_42 = tpu.memref_slice %arg6[%arg0, %mul3A_37] : memref<2x10240xf32, #tpu.memory_space<hbm>> -> memref<1x640xf32, #tpu.memory_space<hbm>>
      %dma_wait3A_43 = tpu.memref_squeeze %dma_wait3A_42 : memref<1x640xf32, #tpu.memory_space<hbm>> -> memref<640xf32, #tpu.memory_space<hbm>>
      %dma_wait3A_44 = tpu.memref_slice %arg6[%arg0, %mul3A_37] : memref<2x10240xf32, #tpu.memory_space<hbm>> -> memref<1x640xf32, #tpu.memory_space<hbm>>
      %dma_wait3A_45 = tpu.memref_squeeze %dma_wait3A_44 : memref<1x640xf32, #tpu.memory_space<hbm>> -> memref<640xf32, #tpu.memory_space<hbm>>
      tpu.wait_dma2 semaphore(%run_scoped3A : memref<!tpu.dma_semaphore, #tpu.memory_space<semaphore_mem>>) src(%arg11 : memref<640xf32, #tpu.memory_space<vmem>>) dst(%dma_wait3A_45 : memref<640xf32, #tpu.memory_space<hbm>>)
      tpu.yield
    }) : () -> ()
    return
  }
}

#map = affine_map<(d0, d1) -> (0, 0)>
#map1 = affine_map<(d0, d1) -> (0, 0, 0)>
#map2 = affine_map<(d0, d1) -> (0)>
module attributes {stable_mosaic.version = 14 : i64} {
  func.func @k(%arg0: i32, %arg1: i32, %arg2: memref<10000x128xf32, #tpu.memory_space<hbm>>, %arg3: memref<32x96x128xi32, #tpu.memory_space<hbm>>, %arg4: memref<32x96x128xi32, #tpu.memory_space<hbm>>, %arg5: memref<128x128xf32, #tpu.memory_space<hbm>>, %arg6: memref<640xf32, #tpu.memory_space<hbm>>, %arg7: memref<128xf32, #tpu.memory_space<hbm>>, %arg8: memref<2x10240x128xf32, #tpu.memory_space<hbm>>, %arg9: memref<2x10240xf32, #tpu.memory_space<hbm>>, %arg10: memref<8x128xi32, #tpu.memory_space<vmem>>, %arg11: memref<8x128xi32, #tpu.memory_space<vmem>>, %arg12: memref<8x128xi32, #tpu.memory_space<vmem>>, %arg13: memref<8x128xi32, #tpu.memory_space<vmem>>, %arg14: memref<128x128xf32, #tpu.memory_space<vmem>>, %arg15: memref<128x128xf32, #tpu.memory_space<vmem>>, %arg16: memref<128xf32, #tpu.memory_space<vmem>>, %arg17: memref<640xf32, #tpu.memory_space<vmem>>, %arg18: memref<10240x128xf32, #tpu.memory_space<vmem_shared>>, %arg19: memref<10240xf32, #tpu.memory_space<vmem_shared>>, %arg20: memref<!tpu.dma_semaphore, #tpu.memory_space<semaphore_mem>>, %arg21: memref<!tpu.dma_semaphore, #tpu.memory_space<semaphore_mem>>, %arg22: memref<!tpu.dma_semaphore, #tpu.memory_space<semaphore_mem>>, %arg23: memref<!tpu.dma_semaphore, #tpu.memory_space<semaphore_mem>>, %arg24: memref<!tpu.dma_semaphore, #tpu.memory_space<semaphore_mem>>, %arg25: memref<!tpu.dma_semaphore, #tpu.memory_space<semaphore_mem>>, %arg26: memref<!tpu.dma_semaphore, #tpu.memory_space<semaphore_mem>>, %arg27: memref<!tpu.dma_semaphore, #tpu.memory_space<semaphore_mem>>) attributes {dimension_semantics = [#tpu.dimension_semantics<core_parallel>, #tpu.dimension_semantics<subcore_parallel>], iteration_bounds = array<i64: 2, 16>, scalar_prefetch = 0 : i64, scratch_operands = 18 : i64, tpu.core_type = #tpu.core_type<sc_vector_subcore>, window_params = [{transform_indices = #map}, {transform_indices = #map1}, {transform_indices = #map1}, {transform_indices = #map}, {transform_indices = #map2}, {transform_indices = #map2}, {transform_indices = #map1}, {transform_indices = #map}]} {
    %mul3A = arith.constant 16 : i32
    %mul3A_0 = arith.muli %arg0, %mul3A : i32
    %add3A = arith.addi %mul3A_0, %arg1 : i32
    "tpu.region"() ({
      %run_scoped3A = tpu.sem_alloc : memref<!tpu.dma_semaphore, #tpu.memory_space<semaphore_mem>>
      tpu.enqueue_dma source(%arg5 : memref<128x128xf32, #tpu.memory_space<hbm>>) target(%arg14 : memref<128x128xf32, #tpu.memory_space<vmem>>) target_semaphore(%run_scoped3A : memref<!tpu.dma_semaphore, #tpu.memory_space<semaphore_mem>>)
      tpu.wait_dma2 semaphore(%run_scoped3A : memref<!tpu.dma_semaphore, #tpu.memory_space<semaphore_mem>>) src(%arg5 : memref<128x128xf32, #tpu.memory_space<hbm>>) dst(%arg14 : memref<128x128xf32, #tpu.memory_space<vmem>>)
      tpu.yield
    }) : () -> ()
    %mul3A_1 = arith.constant 640 : i32
    %mul3A_2 = arith.muli %arg1, %mul3A_1 : i32
    %add3A_3 = arith.constant 0 : i32
    %add3A_4 = arith.addi %mul3A_2, %add3A_3 : i32
    "tpu.region"() ({
      %run_scoped3A = tpu.sem_alloc : memref<!tpu.dma_semaphore, #tpu.memory_space<semaphore_mem>>
      %dma_start3A_135 = arith.constant 0 : i32
      %dma_start3A_136 = tpu.memref_slice %arg18[%add3A_4, %dma_start3A_135] : memref<10240x128xf32, #tpu.memory_space<vmem_shared>> -> memref<128x128xf32, #tpu.memory_space<vmem_shared>>
      %dma_start3A_137 = arith.constant 0 : i32
      %dma_start3A_138 = tpu.memref_slice %arg18[%add3A_4, %dma_start3A_137] : memref<10240x128xf32, #tpu.memory_space<vmem_shared>> -> memref<128x128xf32, #tpu.memory_space<vmem_shared>>
      tpu.enqueue_dma source(%arg14 : memref<128x128xf32, #tpu.memory_space<vmem>>) target(%dma_start3A_138 : memref<128x128xf32, #tpu.memory_space<vmem_shared>>) target_semaphore(%run_scoped3A : memref<!tpu.dma_semaphore, #tpu.memory_space<semaphore_mem>>)
      %dma_wait3A_139 = arith.constant 0 : i32
      %dma_wait3A_140 = tpu.memref_slice %arg18[%add3A_4, %dma_wait3A_139] : memref<10240x128xf32, #tpu.memory_space<vmem_shared>> -> memref<128x128xf32, #tpu.memory_space<vmem_shared>>
      %dma_wait3A_141 = arith.constant 0 : i32
      %dma_wait3A_142 = tpu.memref_slice %arg18[%add3A_4, %dma_wait3A_141] : memref<10240x128xf32, #tpu.memory_space<vmem_shared>> -> memref<128x128xf32, #tpu.memory_space<vmem_shared>>
      tpu.wait_dma2 semaphore(%run_scoped3A : memref<!tpu.dma_semaphore, #tpu.memory_space<semaphore_mem>>) src(%arg14 : memref<128x128xf32, #tpu.memory_space<vmem>>) dst(%dma_wait3A_142 : memref<128x128xf32, #tpu.memory_space<vmem_shared>>)
      tpu.yield
    }) : () -> ()
    %mul3A_5 = arith.constant 640 : i32
    %mul3A_6 = arith.muli %arg1, %mul3A_5 : i32
    %add3A_7 = arith.constant 128 : i32
    %add3A_8 = arith.addi %mul3A_6, %add3A_7 : i32
    "tpu.region"() ({
      %run_scoped3A = tpu.sem_alloc : memref<!tpu.dma_semaphore, #tpu.memory_space<semaphore_mem>>
      %dma_start3A_135 = arith.constant 0 : i32
      %dma_start3A_136 = tpu.memref_slice %arg18[%add3A_8, %dma_start3A_135] : memref<10240x128xf32, #tpu.memory_space<vmem_shared>> -> memref<128x128xf32, #tpu.memory_space<vmem_shared>>
      %dma_start3A_137 = arith.constant 0 : i32
      %dma_start3A_138 = tpu.memref_slice %arg18[%add3A_8, %dma_start3A_137] : memref<10240x128xf32, #tpu.memory_space<vmem_shared>> -> memref<128x128xf32, #tpu.memory_space<vmem_shared>>
      tpu.enqueue_dma source(%arg14 : memref<128x128xf32, #tpu.memory_space<vmem>>) target(%dma_start3A_138 : memref<128x128xf32, #tpu.memory_space<vmem_shared>>) target_semaphore(%run_scoped3A : memref<!tpu.dma_semaphore, #tpu.memory_space<semaphore_mem>>)
      %dma_wait3A_139 = arith.constant 0 : i32
      %dma_wait3A_140 = tpu.memref_slice %arg18[%add3A_8, %dma_wait3A_139] : memref<10240x128xf32, #tpu.memory_space<vmem_shared>> -> memref<128x128xf32, #tpu.memory_space<vmem_shared>>
      %dma_wait3A_141 = arith.constant 0 : i32
      %dma_wait3A_142 = tpu.memref_slice %arg18[%add3A_8, %dma_wait3A_141] : memref<10240x128xf32, #tpu.memory_space<vmem_shared>> -> memref<128x128xf32, #tpu.memory_space<vmem_shared>>
      tpu.wait_dma2 semaphore(%run_scoped3A : memref<!tpu.dma_semaphore, #tpu.memory_space<semaphore_mem>>) src(%arg14 : memref<128x128xf32, #tpu.memory_space<vmem>>) dst(%dma_wait3A_142 : memref<128x128xf32, #tpu.memory_space<vmem_shared>>)
      tpu.yield
    }) : () -> ()
    %mul3A_9 = arith.constant 640 : i32
    %mul3A_10 = arith.muli %arg1, %mul3A_9 : i32
    %add3A_11 = arith.constant 256 : i32
    %add3A_12 = arith.addi %mul3A_10, %add3A_11 : i32
    "tpu.region"() ({
      %run_scoped3A = tpu.sem_alloc : memref<!tpu.dma_semaphore, #tpu.memory_space<semaphore_mem>>
      %dma_start3A_135 = arith.constant 0 : i32
      %dma_start3A_136 = tpu.memref_slice %arg18[%add3A_12, %dma_start3A_135] : memref<10240x128xf32, #tpu.memory_space<vmem_shared>> -> memref<128x128xf32, #tpu.memory_space<vmem_shared>>
      %dma_start3A_137 = arith.constant 0 : i32
      %dma_start3A_138 = tpu.memref_slice %arg18[%add3A_12, %dma_start3A_137] : memref<10240x128xf32, #tpu.memory_space<vmem_shared>> -> memref<128x128xf32, #tpu.memory_space<vmem_shared>>
      tpu.enqueue_dma source(%arg14 : memref<128x128xf32, #tpu.memory_space<vmem>>) target(%dma_start3A_138 : memref<128x128xf32, #tpu.memory_space<vmem_shared>>) target_semaphore(%run_scoped3A : memref<!tpu.dma_semaphore, #tpu.memory_space<semaphore_mem>>)
      %dma_wait3A_139 = arith.constant 0 : i32
      %dma_wait3A_140 = tpu.memref_slice %arg18[%add3A_12, %dma_wait3A_139] : memref<10240x128xf32, #tpu.memory_space<vmem_shared>> -> memref<128x128xf32, #tpu.memory_space<vmem_shared>>
      %dma_wait3A_141 = arith.constant 0 : i32
      %dma_wait3A_142 = tpu.memref_slice %arg18[%add3A_12, %dma_wait3A_141] : memref<10240x128xf32, #tpu.memory_space<vmem_shared>> -> memref<128x128xf32, #tpu.memory_space<vmem_shared>>
      tpu.wait_dma2 semaphore(%run_scoped3A : memref<!tpu.dma_semaphore, #tpu.memory_space<semaphore_mem>>) src(%arg14 : memref<128x128xf32, #tpu.memory_space<vmem>>) dst(%dma_wait3A_142 : memref<128x128xf32, #tpu.memory_space<vmem_shared>>)
      tpu.yield
    }) : () -> ()
    %mul3A_13 = arith.constant 640 : i32
    %mul3A_14 = arith.muli %arg1, %mul3A_13 : i32
    %add3A_15 = arith.constant 384 : i32
    %add3A_16 = arith.addi %mul3A_14, %add3A_15 : i32
    "tpu.region"() ({
      %run_scoped3A = tpu.sem_alloc : memref<!tpu.dma_semaphore, #tpu.memory_space<semaphore_mem>>
      %dma_start3A_135 = arith.constant 0 : i32
      %dma_start3A_136 = tpu.memref_slice %arg18[%add3A_16, %dma_start3A_135] : memref<10240x128xf32, #tpu.memory_space<vmem_shared>> -> memref<128x128xf32, #tpu.memory_space<vmem_shared>>
      %dma_start3A_137 = arith.constant 0 : i32
      %dma_start3A_138 = tpu.memref_slice %arg18[%add3A_16, %dma_start3A_137] : memref<10240x128xf32, #tpu.memory_space<vmem_shared>> -> memref<128x128xf32, #tpu.memory_space<vmem_shared>>
      tpu.enqueue_dma source(%arg14 : memref<128x128xf32, #tpu.memory_space<vmem>>) target(%dma_start3A_138 : memref<128x128xf32, #tpu.memory_space<vmem_shared>>) target_semaphore(%run_scoped3A : memref<!tpu.dma_semaphore, #tpu.memory_space<semaphore_mem>>)
      %dma_wait3A_139 = arith.constant 0 : i32
      %dma_wait3A_140 = tpu.memref_slice %arg18[%add3A_16, %dma_wait3A_139] : memref<10240x128xf32, #tpu.memory_space<vmem_shared>> -> memref<128x128xf32, #tpu.memory_space<vmem_shared>>
      %dma_wait3A_141 = arith.constant 0 : i32
      %dma_wait3A_142 = tpu.memref_slice %arg18[%add3A_16, %dma_wait3A_141] : memref<10240x128xf32, #tpu.memory_space<vmem_shared>> -> memref<128x128xf32, #tpu.memory_space<vmem_shared>>
      tpu.wait_dma2 semaphore(%run_scoped3A : memref<!tpu.dma_semaphore, #tpu.memory_space<semaphore_mem>>) src(%arg14 : memref<128x128xf32, #tpu.memory_space<vmem>>) dst(%dma_wait3A_142 : memref<128x128xf32, #tpu.memory_space<vmem_shared>>)
      tpu.yield
    }) : () -> ()
    %mul3A_17 = arith.constant 640 : i32
    %mul3A_18 = arith.muli %arg1, %mul3A_17 : i32
    %add3A_19 = arith.constant 512 : i32
    %add3A_20 = arith.addi %mul3A_18, %add3A_19 : i32
    "tpu.region"() ({
      %run_scoped3A = tpu.sem_alloc : memref<!tpu.dma_semaphore, #tpu.memory_space<semaphore_mem>>
      %dma_start3A_135 = arith.constant 0 : i32
      %dma_start3A_136 = tpu.memref_slice %arg18[%add3A_20, %dma_start3A_135] : memref<10240x128xf32, #tpu.memory_space<vmem_shared>> -> memref<128x128xf32, #tpu.memory_space<vmem_shared>>
      %dma_start3A_137 = arith.constant 0 : i32
      %dma_start3A_138 = tpu.memref_slice %arg18[%add3A_20, %dma_start3A_137] : memref<10240x128xf32, #tpu.memory_space<vmem_shared>> -> memref<128x128xf32, #tpu.memory_space<vmem_shared>>
      tpu.enqueue_dma source(%arg14 : memref<128x128xf32, #tpu.memory_space<vmem>>) target(%dma_start3A_138 : memref<128x128xf32, #tpu.memory_space<vmem_shared>>) target_semaphore(%run_scoped3A : memref<!tpu.dma_semaphore, #tpu.memory_space<semaphore_mem>>)
      %dma_wait3A_139 = arith.constant 0 : i32
      %dma_wait3A_140 = tpu.memref_slice %arg18[%add3A_20, %dma_wait3A_139] : memref<10240x128xf32, #tpu.memory_space<vmem_shared>> -> memref<128x128xf32, #tpu.memory_space<vmem_shared>>
      %dma_wait3A_141 = arith.constant 0 : i32
      %dma_wait3A_142 = tpu.memref_slice %arg18[%add3A_20, %dma_wait3A_141] : memref<10240x128xf32, #tpu.memory_space<vmem_shared>> -> memref<128x128xf32, #tpu.memory_space<vmem_shared>>
      tpu.wait_dma2 semaphore(%run_scoped3A : memref<!tpu.dma_semaphore, #tpu.memory_space<semaphore_mem>>) src(%arg14 : memref<128x128xf32, #tpu.memory_space<vmem>>) dst(%dma_wait3A_142 : memref<128x128xf32, #tpu.memory_space<vmem_shared>>)
      tpu.yield
    }) : () -> ()
    "tpu.region"() ({
      %run_scoped3A = tpu.sem_alloc : memref<!tpu.dma_semaphore, #tpu.memory_space<semaphore_mem>>
      tpu.enqueue_dma source(%arg6 : memref<640xf32, #tpu.memory_space<hbm>>) target(%arg17 : memref<640xf32, #tpu.memory_space<vmem>>) target_semaphore(%run_scoped3A : memref<!tpu.dma_semaphore, #tpu.memory_space<semaphore_mem>>)
      tpu.wait_dma2 semaphore(%run_scoped3A : memref<!tpu.dma_semaphore, #tpu.memory_space<semaphore_mem>>) src(%arg6 : memref<640xf32, #tpu.memory_space<hbm>>) dst(%arg17 : memref<640xf32, #tpu.memory_space<vmem>>)
      tpu.yield
    }) : () -> ()
    %mul3A_21 = arith.constant 640 : i32
    %mul3A_22 = arith.muli %arg1, %mul3A_21 : i32
    "tpu.region"() ({
      %run_scoped3A = tpu.sem_alloc : memref<!tpu.dma_semaphore, #tpu.memory_space<semaphore_mem>>
      %dma_start3A_135 = tpu.memref_slice %arg19[%mul3A_22] : memref<10240xf32, #tpu.memory_space<vmem_shared>> -> memref<640xf32, #tpu.memory_space<vmem_shared>>
      %dma_start3A_136 = tpu.memref_slice %arg19[%mul3A_22] : memref<10240xf32, #tpu.memory_space<vmem_shared>> -> memref<640xf32, #tpu.memory_space<vmem_shared>>
      tpu.enqueue_dma source(%arg17 : memref<640xf32, #tpu.memory_space<vmem>>) target(%dma_start3A_136 : memref<640xf32, #tpu.memory_space<vmem_shared>>) target_semaphore(%run_scoped3A : memref<!tpu.dma_semaphore, #tpu.memory_space<semaphore_mem>>)
      %dma_wait3A_137 = tpu.memref_slice %arg19[%mul3A_22] : memref<10240xf32, #tpu.memory_space<vmem_shared>> -> memref<640xf32, #tpu.memory_space<vmem_shared>>
      %dma_wait3A_138 = tpu.memref_slice %arg19[%mul3A_22] : memref<10240xf32, #tpu.memory_space<vmem_shared>> -> memref<640xf32, #tpu.memory_space<vmem_shared>>
      tpu.wait_dma2 semaphore(%run_scoped3A : memref<!tpu.dma_semaphore, #tpu.memory_space<semaphore_mem>>) src(%arg17 : memref<640xf32, #tpu.memory_space<vmem>>) dst(%dma_wait3A_138 : memref<640xf32, #tpu.memory_space<vmem_shared>>)
      tpu.yield
    }) : () -> ()
    "tpu.region"() ({
      %run_scoped3A = tpu.sem_alloc : memref<!tpu.dma_semaphore, #tpu.memory_space<semaphore_mem>>
      tpu.enqueue_dma source(%arg7 : memref<128xf32, #tpu.memory_space<hbm>>) target(%arg16 : memref<128xf32, #tpu.memory_space<vmem>>) target_semaphore(%run_scoped3A : memref<!tpu.dma_semaphore, #tpu.memory_space<semaphore_mem>>)
      tpu.wait_dma2 semaphore(%run_scoped3A : memref<!tpu.dma_semaphore, #tpu.memory_space<semaphore_mem>>) src(%arg7 : memref<128xf32, #tpu.memory_space<hbm>>) dst(%arg16 : memref<128xf32, #tpu.memory_space<vmem>>)
      tpu.yield
    }) : () -> ()
    %dma_start3A = arith.constant 0 : i32
    %dma_start3A_23 = arith.constant 0 : i32
    %dma_start3A_24 = tpu.memref_slice %arg3[%add3A, %dma_start3A, %dma_start3A_23] : memref<32x96x128xi32, #tpu.memory_space<hbm>> -> memref<1x8x128xi32, #tpu.memory_space<hbm>>
    %dma_start3A_25 = tpu.memref_squeeze %dma_start3A_24 : memref<1x8x128xi32, #tpu.memory_space<hbm>> -> memref<8x128xi32, #tpu.memory_space<hbm>>
    %dma_start3A_26 = arith.constant 0 : i32
    %dma_start3A_27 = arith.constant 0 : i32
    %dma_start3A_28 = tpu.memref_slice %arg3[%add3A, %dma_start3A_26, %dma_start3A_27] : memref<32x96x128xi32, #tpu.memory_space<hbm>> -> memref<1x8x128xi32, #tpu.memory_space<hbm>>
    %dma_start3A_29 = tpu.memref_squeeze %dma_start3A_28 : memref<1x8x128xi32, #tpu.memory_space<hbm>> -> memref<8x128xi32, #tpu.memory_space<hbm>>
    tpu.enqueue_dma source(%dma_start3A_29 : memref<8x128xi32, #tpu.memory_space<hbm>>) target(%arg10 : memref<8x128xi32, #tpu.memory_space<vmem>>) target_semaphore(%arg20 : memref<!tpu.dma_semaphore, #tpu.memory_space<semaphore_mem>>)
    %dma_start3A_30 = arith.constant 0 : i32
    %dma_start3A_31 = arith.constant 0 : i32
    %dma_start3A_32 = tpu.memref_slice %arg4[%add3A, %dma_start3A_30, %dma_start3A_31] : memref<32x96x128xi32, #tpu.memory_space<hbm>> -> memref<1x8x128xi32, #tpu.memory_space<hbm>>
    %dma_start3A_33 = tpu.memref_squeeze %dma_start3A_32 : memref<1x8x128xi32, #tpu.memory_space<hbm>> -> memref<8x128xi32, #tpu.memory_space<hbm>>
    %dma_start3A_34 = arith.constant 0 : i32
    %dma_start3A_35 = arith.constant 0 : i32
    %dma_start3A_36 = tpu.memref_slice %arg4[%add3A, %dma_start3A_34, %dma_start3A_35] : memref<32x96x128xi32, #tpu.memory_space<hbm>> -> memref<1x8x128xi32, #tpu.memory_space<hbm>>
    %dma_start3A_37 = tpu.memref_squeeze %dma_start3A_36 : memref<1x8x128xi32, #tpu.memory_space<hbm>> -> memref<8x128xi32, #tpu.memory_space<hbm>>
    tpu.enqueue_dma source(%dma_start3A_37 : memref<8x128xi32, #tpu.memory_space<hbm>>) target(%arg12 : memref<8x128xi32, #tpu.memory_space<vmem>>) target_semaphore(%arg20 : memref<!tpu.dma_semaphore, #tpu.memory_space<semaphore_mem>>)
    %dma_start3A_38 = arith.constant 8 : i32
    %dma_start3A_39 = arith.constant 0 : i32
    %dma_start3A_40 = tpu.memref_slice %arg3[%add3A, %dma_start3A_38, %dma_start3A_39] : memref<32x96x128xi32, #tpu.memory_space<hbm>> -> memref<1x8x128xi32, #tpu.memory_space<hbm>>
    %dma_start3A_41 = tpu.memref_squeeze %dma_start3A_40 : memref<1x8x128xi32, #tpu.memory_space<hbm>> -> memref<8x128xi32, #tpu.memory_space<hbm>>
    %dma_start3A_42 = arith.constant 8 : i32
    %dma_start3A_43 = arith.constant 0 : i32
    %dma_start3A_44 = tpu.memref_slice %arg3[%add3A, %dma_start3A_42, %dma_start3A_43] : memref<32x96x128xi32, #tpu.memory_space<hbm>> -> memref<1x8x128xi32, #tpu.memory_space<hbm>>
    %dma_start3A_45 = tpu.memref_squeeze %dma_start3A_44 : memref<1x8x128xi32, #tpu.memory_space<hbm>> -> memref<8x128xi32, #tpu.memory_space<hbm>>
    tpu.enqueue_dma source(%dma_start3A_45 : memref<8x128xi32, #tpu.memory_space<hbm>>) target(%arg11 : memref<8x128xi32, #tpu.memory_space<vmem>>) target_semaphore(%arg21 : memref<!tpu.dma_semaphore, #tpu.memory_space<semaphore_mem>>)
    %dma_start3A_46 = arith.constant 8 : i32
    %dma_start3A_47 = arith.constant 0 : i32
    %dma_start3A_48 = tpu.memref_slice %arg4[%add3A, %dma_start3A_46, %dma_start3A_47] : memref<32x96x128xi32, #tpu.memory_space<hbm>> -> memref<1x8x128xi32, #tpu.memory_space<hbm>>
    %dma_start3A_49 = tpu.memref_squeeze %dma_start3A_48 : memref<1x8x128xi32, #tpu.memory_space<hbm>> -> memref<8x128xi32, #tpu.memory_space<hbm>>
    %dma_start3A_50 = arith.constant 8 : i32
    %dma_start3A_51 = arith.constant 0 : i32
    %dma_start3A_52 = tpu.memref_slice %arg4[%add3A, %dma_start3A_50, %dma_start3A_51] : memref<32x96x128xi32, #tpu.memory_space<hbm>> -> memref<1x8x128xi32, #tpu.memory_space<hbm>>
    %dma_start3A_53 = tpu.memref_squeeze %dma_start3A_52 : memref<1x8x128xi32, #tpu.memory_space<hbm>> -> memref<8x128xi32, #tpu.memory_space<hbm>>
    tpu.enqueue_dma source(%dma_start3A_53 : memref<8x128xi32, #tpu.memory_space<hbm>>) target(%arg13 : memref<8x128xi32, #tpu.memory_space<vmem>>) target_semaphore(%arg21 : memref<!tpu.dma_semaphore, #tpu.memory_space<semaphore_mem>>)
    %barrier3A = arith.constant 0 : index
    tpu.barrier barrier_id(%barrier3A)
    %scan3A = arith.constant 0 : i32
    %scan3A_54 = arith.constant 0 : i32
    %scan3A_55 = arith.constant 5 : i32
    %scan3A_56 = arith.addi %scan3A_54, %scan3A_55 : i32
    %scan3A_57 = arith.constant 1 : i32
    scf.for %scan3A_135 = %scan3A_54 to %scan3A_56 step %scan3A_57  : i32 {
      %mul3A_136 = arith.constant 2 : i32
      %mul3A_137 = arith.muli %scan3A_135, %mul3A_136 : i32
      %add3A_138 = arith.constant 0 : i32
      %add3A_139 = arith.addi %mul3A_137, %add3A_138 : i32
      %mul3A_140 = arith.constant 8 : i32
      %mul3A_141 = arith.muli %add3A_139, %mul3A_140 : i32
      %dma_wait3A_142 = arith.constant 0 : i32
      %dma_wait3A_143 = tpu.memref_slice %arg3[%add3A, %mul3A_141, %dma_wait3A_142] : memref<32x96x128xi32, #tpu.memory_space<hbm>> -> memref<1x8x128xi32, #tpu.memory_space<hbm>>
      %dma_wait3A_144 = tpu.memref_squeeze %dma_wait3A_143 : memref<1x8x128xi32, #tpu.memory_space<hbm>> -> memref<8x128xi32, #tpu.memory_space<hbm>>
      %dma_wait3A_145 = arith.constant 0 : i32
      %dma_wait3A_146 = tpu.memref_slice %arg3[%add3A, %mul3A_141, %dma_wait3A_145] : memref<32x96x128xi32, #tpu.memory_space<hbm>> -> memref<1x8x128xi32, #tpu.memory_space<hbm>>
      %dma_wait3A_147 = tpu.memref_squeeze %dma_wait3A_146 : memref<1x8x128xi32, #tpu.memory_space<hbm>> -> memref<8x128xi32, #tpu.memory_space<hbm>>
      tpu.wait_dma2 semaphore(%arg20 : memref<!tpu.dma_semaphore, #tpu.memory_space<semaphore_mem>>) src(%dma_wait3A_147 : memref<8x128xi32, #tpu.memory_space<hbm>>) dst(%arg10 : memref<8x128xi32, #tpu.memory_space<vmem>>)
      %mul3A_148 = arith.constant 8 : i32
      %mul3A_149 = arith.muli %add3A_139, %mul3A_148 : i32
      %dma_wait3A_150 = arith.constant 0 : i32
      %dma_wait3A_151 = tpu.memref_slice %arg4[%add3A, %mul3A_149, %dma_wait3A_150] : memref<32x96x128xi32, #tpu.memory_space<hbm>> -> memref<1x8x128xi32, #tpu.memory_space<hbm>>
      %dma_wait3A_152 = tpu.memref_squeeze %dma_wait3A_151 : memref<1x8x128xi32, #tpu.memory_space<hbm>> -> memref<8x128xi32, #tpu.memory_space<hbm>>
      %dma_wait3A_153 = arith.constant 0 : i32
      %dma_wait3A_154 = tpu.memref_slice %arg4[%add3A, %mul3A_149, %dma_wait3A_153] : memref<32x96x128xi32, #tpu.memory_space<hbm>> -> memref<1x8x128xi32, #tpu.memory_space<hbm>>
      %dma_wait3A_155 = tpu.memref_squeeze %dma_wait3A_154 : memref<1x8x128xi32, #tpu.memory_space<hbm>> -> memref<8x128xi32, #tpu.memory_space<hbm>>
      tpu.wait_dma2 semaphore(%arg20 : memref<!tpu.dma_semaphore, #tpu.memory_space<semaphore_mem>>) src(%dma_wait3A_155 : memref<8x128xi32, #tpu.memory_space<hbm>>) dst(%arg12 : memref<8x128xi32, #tpu.memory_space<vmem>>)
      %dma_start3A_156 = arith.constant 0 : i32
      %dma_start3A_157 = arith.constant 0 : i32
      %dma_start3A_158 = tpu.memref_slice %arg10[%dma_start3A_156, %dma_start3A_157] : memref<8x128xi32, #tpu.memory_space<vmem>> -> memref<1x128xi32, #tpu.memory_space<vmem>>
      %dma_start3A_159 = tpu.memref_squeeze %dma_start3A_158 : memref<1x128xi32, #tpu.memory_space<vmem>> -> memref<128xi32, #tpu.memory_space<vmem>>
      %dma_start3A_160 = arith.constant 0 : i32
      %dma_start3A_161 = arith.constant 0 : i32
      %dma_start3A_162 = tpu.memref_slice %arg2[%dma_start3A_160, %dma_start3A_161] : memref<10000x128xf32, #tpu.memory_space<hbm>> -> memref<10000x128xf32, #tpu.memory_space<hbm>>
      tpu.enqueue_indirect_dma source(%dma_start3A_162 : memref<10000x128xf32, #tpu.memory_space<hbm>>) target(%arg14 : memref<128x128xf32, #tpu.memory_space<vmem>>) offsets(%dma_start3A_159 : memref<128xi32, #tpu.memory_space<vmem>>) semaphore(%arg22 : memref<!tpu.dma_semaphore, #tpu.memory_space<semaphore_mem>>)
      %dma_start3A_163 = arith.constant 1 : i32
      %dma_start3A_164 = arith.constant 0 : i32
      %dma_start3A_165 = tpu.memref_slice %arg10[%dma_start3A_163, %dma_start3A_164] : memref<8x128xi32, #tpu.memory_space<vmem>> -> memref<1x128xi32, #tpu.memory_space<vmem>>
      %dma_start3A_166 = tpu.memref_squeeze %dma_start3A_165 : memref<1x128xi32, #tpu.memory_space<vmem>> -> memref<128xi32, #tpu.memory_space<vmem>>
      %dma_start3A_167 = arith.constant 0 : i32
      %dma_start3A_168 = arith.constant 0 : i32
      %dma_start3A_169 = tpu.memref_slice %arg2[%dma_start3A_167, %dma_start3A_168] : memref<10000x128xf32, #tpu.memory_space<hbm>> -> memref<10000x128xf32, #tpu.memory_space<hbm>>
      tpu.enqueue_indirect_dma source(%dma_start3A_169 : memref<10000x128xf32, #tpu.memory_space<hbm>>) target(%arg15 : memref<128x128xf32, #tpu.memory_space<vmem>>) offsets(%dma_start3A_166 : memref<128xi32, #tpu.memory_space<vmem>>) semaphore(%arg23 : memref<!tpu.dma_semaphore, #tpu.memory_space<semaphore_mem>>)
      %dma_start3A_170 = arith.constant 0 : i32
      %dma_start3A_171 = arith.constant 0 : i32
      %dma_start3A_172 = tpu.memref_slice %arg12[%dma_start3A_170, %dma_start3A_171] : memref<8x128xi32, #tpu.memory_space<vmem>> -> memref<1x128xi32, #tpu.memory_space<vmem>>
      %dma_start3A_173 = tpu.memref_squeeze %dma_start3A_172 : memref<1x128xi32, #tpu.memory_space<vmem>> -> memref<128xi32, #tpu.memory_space<vmem>>
      %dma_start3A_174 = arith.constant 0 : i32
      %dma_start3A_175 = tpu.memref_slice %arg19[%dma_start3A_174] : memref<10240xf32, #tpu.memory_space<vmem_shared>> -> memref<10240xf32, #tpu.memory_space<vmem_shared>>
      tpu.enqueue_indirect_dma source(%arg16 : memref<128xf32, #tpu.memory_space<vmem>>) target(%dma_start3A_175 : memref<10240xf32, #tpu.memory_space<vmem_shared>>) offsets(%dma_start3A_173 : memref<128xi32, #tpu.memory_space<vmem>>) semaphore(%arg26 : memref<!tpu.dma_semaphore, #tpu.memory_space<semaphore_mem>>) {add = true}
      %dma_wait3A_176 = arith.constant 0 : i32
      %dma_wait3A_177 = arith.constant 0 : i32
      %dma_wait3A_178 = tpu.memref_slice %arg10[%dma_wait3A_176, %dma_wait3A_177] : memref<8x128xi32, #tpu.memory_space<vmem>> -> memref<1x128xi32, #tpu.memory_space<vmem>>
      %dma_wait3A_179 = tpu.memref_squeeze %dma_wait3A_178 : memref<1x128xi32, #tpu.memory_space<vmem>> -> memref<128xi32, #tpu.memory_space<vmem>>
      %dma_wait3A_180 = arith.constant 0 : i32
      %dma_wait3A_181 = arith.constant 0 : i32
      %dma_wait3A_182 = tpu.memref_slice %arg2[%dma_wait3A_180, %dma_wait3A_181] : memref<10000x128xf32, #tpu.memory_space<hbm>> -> memref<10000x128xf32, #tpu.memory_space<hbm>>
      tpu.wait_indirect_dma semaphore(%arg22 : memref<!tpu.dma_semaphore, #tpu.memory_space<semaphore_mem>>) src(%dma_wait3A_182 : memref<10000x128xf32, #tpu.memory_space<hbm>>) dst(%arg14 : memref<128x128xf32, #tpu.memory_space<vmem>>)
      %dma_start3A_183 = arith.constant 0 : i32
      %dma_start3A_184 = arith.constant 0 : i32
      %dma_start3A_185 = tpu.memref_slice %arg12[%dma_start3A_183, %dma_start3A_184] : memref<8x128xi32, #tpu.memory_space<vmem>> -> memref<1x128xi32, #tpu.memory_space<vmem>>
      %dma_start3A_186 = tpu.memref_squeeze %dma_start3A_185 : memref<1x128xi32, #tpu.memory_space<vmem>> -> memref<128xi32, #tpu.memory_space<vmem>>
      %dma_start3A_187 = arith.constant 0 : i32
      %dma_start3A_188 = arith.constant 0 : i32
      %dma_start3A_189 = tpu.memref_slice %arg18[%dma_start3A_187, %dma_start3A_188] : memref<10240x128xf32, #tpu.memory_space<vmem_shared>> -> memref<10240x128xf32, #tpu.memory_space<vmem_shared>>
      tpu.enqueue_indirect_dma source(%arg14 : memref<128x128xf32, #tpu.memory_space<vmem>>) target(%dma_start3A_189 : memref<10240x128xf32, #tpu.memory_space<vmem_shared>>) offsets(%dma_start3A_186 : memref<128xi32, #tpu.memory_space<vmem>>) semaphore(%arg24 : memref<!tpu.dma_semaphore, #tpu.memory_space<semaphore_mem>>) {add = true}
      %dma_wait3A_190 = arith.constant 0 : i32
      %dma_wait3A_191 = arith.constant 0 : i32
      %dma_wait3A_192 = tpu.memref_slice %arg12[%dma_wait3A_190, %dma_wait3A_191] : memref<8x128xi32, #tpu.memory_space<vmem>> -> memref<1x128xi32, #tpu.memory_space<vmem>>
      %dma_wait3A_193 = tpu.memref_squeeze %dma_wait3A_192 : memref<1x128xi32, #tpu.memory_space<vmem>> -> memref<128xi32, #tpu.memory_space<vmem>>
      %dma_wait3A_194 = arith.constant 0 : i32
      %dma_wait3A_195 = arith.constant 0 : i32
      %dma_wait3A_196 = tpu.memref_slice %arg18[%dma_wait3A_194, %dma_wait3A_195] : memref<10240x128xf32, #tpu.memory_space<vmem_shared>> -> memref<10240x128xf32, #tpu.memory_space<vmem_shared>>
      tpu.wait_indirect_dma semaphore(%arg24 : memref<!tpu.dma_semaphore, #tpu.memory_space<semaphore_mem>>) src(%arg14 : memref<128x128xf32, #tpu.memory_space<vmem>>) dst(%dma_wait3A_196 : memref<10240x128xf32, #tpu.memory_space<vmem_shared>>)
      %dma_start3A_197 = arith.constant 2 : i32
      %dma_start3A_198 = arith.constant 0 : i32
      %dma_start3A_199 = tpu.memref_slice %arg10[%dma_start3A_197, %dma_start3A_198] : memref<8x128xi32, #tpu.memory_space<vmem>> -> memref<1x128xi32, #tpu.memory_space<vmem>>
      %dma_start3A_200 = tpu.memref_squeeze %dma_start3A_199 : memref<1x128xi32, #tpu.memory_space<vmem>> -> memref<128xi32, #tpu.memory_space<vmem>>
      %dma_start3A_201 = arith.constant 0 : i32
      %dma_start3A_202 = arith.constant 0 : i32
      %dma_start3A_203 = tpu.memref_slice %arg2[%dma_start3A_201, %dma_start3A_202] : memref<10000x128xf32, #tpu.memory_space<hbm>> -> memref<10000x128xf32, #tpu.memory_space<hbm>>
      tpu.enqueue_indirect_dma source(%dma_start3A_203 : memref<10000x128xf32, #tpu.memory_space<hbm>>) target(%arg14 : memref<128x128xf32, #tpu.memory_space<vmem>>) offsets(%dma_start3A_200 : memref<128xi32, #tpu.memory_space<vmem>>) semaphore(%arg22 : memref<!tpu.dma_semaphore, #tpu.memory_space<semaphore_mem>>)
      %dma_wait3A_204 = arith.constant 0 : i32
      %dma_wait3A_205 = arith.constant 0 : i32
      %dma_wait3A_206 = tpu.memref_slice %arg12[%dma_wait3A_204, %dma_wait3A_205] : memref<8x128xi32, #tpu.memory_space<vmem>> -> memref<1x128xi32, #tpu.memory_space<vmem>>
      %dma_wait3A_207 = tpu.memref_squeeze %dma_wait3A_206 : memref<1x128xi32, #tpu.memory_space<vmem>> -> memref<128xi32, #tpu.memory_space<vmem>>
      %dma_wait3A_208 = arith.constant 0 : i32
      %dma_wait3A_209 = tpu.memref_slice %arg19[%dma_wait3A_208] : memref<10240xf32, #tpu.memory_space<vmem_shared>> -> memref<10240xf32, #tpu.memory_space<vmem_shared>>
      tpu.wait_indirect_dma semaphore(%arg26 : memref<!tpu.dma_semaphore, #tpu.memory_space<semaphore_mem>>) src(%arg16 : memref<128xf32, #tpu.memory_space<vmem>>) dst(%dma_wait3A_209 : memref<10240xf32, #tpu.memory_space<vmem_shared>>)
      %dma_start3A_210 = arith.constant 1 : i32
      %dma_start3A_211 = arith.constant 0 : i32
      %dma_start3A_212 = tpu.memref_slice %arg12[%dma_start3A_210, %dma_start3A_211] : memref<8x128xi32, #tpu.memory_space<vmem>> -> memref<1x128xi32, #tpu.memory_space<vmem>>
      %dma_start3A_213 = tpu.memref_squeeze %dma_start3A_212 : memref<1x128xi32, #tpu.memory_space<vmem>> -> memref<128xi32, #tpu.memory_space<vmem>>
      %dma_start3A_214 = arith.constant 0 : i32
      %dma_start3A_215 = tpu.memref_slice %arg19[%dma_start3A_214] : memref<10240xf32, #tpu.memory_space<vmem_shared>> -> memref<10240xf32, #tpu.memory_space<vmem_shared>>
      tpu.enqueue_indirect_dma source(%arg16 : memref<128xf32, #tpu.memory_space<vmem>>) target(%dma_start3A_215 : memref<10240xf32, #tpu.memory_space<vmem_shared>>) offsets(%dma_start3A_213 : memref<128xi32, #tpu.memory_space<vmem>>) semaphore(%arg27 : memref<!tpu.dma_semaphore, #tpu.memory_space<semaphore_mem>>) {add = true}
      %dma_wait3A_216 = arith.constant 1 : i32
      %dma_wait3A_217 = arith.constant 0 : i32
      %dma_wait3A_218 = tpu.memref_slice %arg10[%dma_wait3A_216, %dma_wait3A_217] : memref<8x128xi32, #tpu.memory_space<vmem>> -> memref<1x128xi32, #tpu.memory_space<vmem>>
      %dma_wait3A_219 = tpu.memref_squeeze %dma_wait3A_218 : memref<1x128xi32, #tpu.memory_space<vmem>> -> memref<128xi32, #tpu.memory_space<vmem>>
      %dma_wait3A_220 = arith.constant 0 : i32
      %dma_wait3A_221 = arith.constant 0 : i32
      %dma_wait3A_222 = tpu.memref_slice %arg2[%dma_wait3A_220, %dma_wait3A_221] : memref<10000x128xf32, #tpu.memory_space<hbm>> -> memref<10000x128xf32, #tpu.memory_space<hbm>>
      tpu.wait_indirect_dma semaphore(%arg23 : memref<!tpu.dma_semaphore, #tpu.memory_space<semaphore_mem>>) src(%dma_wait3A_222 : memref<10000x128xf32, #tpu.memory_space<hbm>>) dst(%arg15 : memref<128x128xf32, #tpu.memory_space<vmem>>)
      %dma_start3A_223 = arith.constant 1 : i32
      %dma_start3A_224 = arith.constant 0 : i32
      %dma_start3A_225 = tpu.memref_slice %arg12[%dma_start3A_223, %dma_start3A_224] : memref<8x128xi32, #tpu.memory_space<vmem>> -> memref<1x128xi32, #tpu.memory_space<vmem>>
      %dma_start3A_226 = tpu.memref_squeeze %dma_start3A_225 : memref<1x128xi32, #tpu.memory_space<vmem>> -> memref<128xi32, #tpu.memory_space<vmem>>
      %dma_start3A_227 = arith.constant 0 : i32
      %dma_start3A_228 = arith.constant 0 : i32
      %dma_start3A_229 = tpu.memref_slice %arg18[%dma_start3A_227, %dma_start3A_228] : memref<10240x128xf32, #tpu.memory_space<vmem_shared>> -> memref<10240x128xf32, #tpu.memory_space<vmem_shared>>
      tpu.enqueue_indirect_dma source(%arg15 : memref<128x128xf32, #tpu.memory_space<vmem>>) target(%dma_start3A_229 : memref<10240x128xf32, #tpu.memory_space<vmem_shared>>) offsets(%dma_start3A_226 : memref<128xi32, #tpu.memory_space<vmem>>) semaphore(%arg25 : memref<!tpu.dma_semaphore, #tpu.memory_space<semaphore_mem>>) {add = true}
      %dma_wait3A_230 = arith.constant 1 : i32
      %dma_wait3A_231 = arith.constant 0 : i32
      %dma_wait3A_232 = tpu.memref_slice %arg12[%dma_wait3A_230, %dma_wait3A_231] : memref<8x128xi32, #tpu.memory_space<vmem>> -> memref<1x128xi32, #tpu.memory_space<vmem>>
      %dma_wait3A_233 = tpu.memref_squeeze %dma_wait3A_232 : memref<1x128xi32, #tpu.memory_space<vmem>> -> memref<128xi32, #tpu.memory_space<vmem>>
      %dma_wait3A_234 = arith.constant 0 : i32
      %dma_wait3A_235 = arith.constant 0 : i32
      %dma_wait3A_236 = tpu.memref_slice %arg18[%dma_wait3A_234, %dma_wait3A_235] : memref<10240x128xf32, #tpu.memory_space<vmem_shared>> -> memref<10240x128xf32, #tpu.memory_space<vmem_shared>>
      tpu.wait_indirect_dma semaphore(%arg25 : memref<!tpu.dma_semaphore, #tpu.memory_space<semaphore_mem>>) src(%arg15 : memref<128x128xf32, #tpu.memory_space<vmem>>) dst(%dma_wait3A_236 : memref<10240x128xf32, #tpu.memory_space<vmem_shared>>)
      %dma_start3A_237 = arith.constant 3 : i32
      %dma_start3A_238 = arith.constant 0 : i32
      %dma_start3A_239 = tpu.memref_slice %arg10[%dma_start3A_237, %dma_start3A_238] : memref<8x128xi32, #tpu.memory_space<vmem>> -> memref<1x128xi32, #tpu.memory_space<vmem>>
      %dma_start3A_240 = tpu.memref_squeeze %dma_start3A_239 : memref<1x128xi32, #tpu.memory_space<vmem>> -> memref<128xi32, #tpu.memory_space<vmem>>
      %dma_start3A_241 = arith.constant 0 : i32
      %dma_start3A_242 = arith.constant 0 : i32
      %dma_start3A_243 = tpu.memref_slice %arg2[%dma_start3A_241, %dma_start3A_242] : memref<10000x128xf32, #tpu.memory_space<hbm>> -> memref<10000x128xf32, #tpu.memory_space<hbm>>
      tpu.enqueue_indirect_dma source(%dma_start3A_243 : memref<10000x128xf32, #tpu.memory_space<hbm>>) target(%arg15 : memref<128x128xf32, #tpu.memory_space<vmem>>) offsets(%dma_start3A_240 : memref<128xi32, #tpu.memory_space<vmem>>) semaphore(%arg23 : memref<!tpu.dma_semaphore, #tpu.memory_space<semaphore_mem>>)
      %dma_wait3A_244 = arith.constant 1 : i32
      %dma_wait3A_245 = arith.constant 0 : i32
      %dma_wait3A_246 = tpu.memref_slice %arg12[%dma_wait3A_244, %dma_wait3A_245] : memref<8x128xi32, #tpu.memory_space<vmem>> -> memref<1x128xi32, #tpu.memory_space<vmem>>
      %dma_wait3A_247 = tpu.memref_squeeze %dma_wait3A_246 : memref<1x128xi32, #tpu.memory_space<vmem>> -> memref<128xi32, #tpu.memory_space<vmem>>
      %dma_wait3A_248 = arith.constant 0 : i32
      %dma_wait3A_249 = tpu.memref_slice %arg19[%dma_wait3A_248] : memref<10240xf32, #tpu.memory_space<vmem_shared>> -> memref<10240xf32, #tpu.memory_space<vmem_shared>>
      tpu.wait_indirect_dma semaphore(%arg27 : memref<!tpu.dma_semaphore, #tpu.memory_space<semaphore_mem>>) src(%arg16 : memref<128xf32, #tpu.memory_space<vmem>>) dst(%dma_wait3A_249 : memref<10240xf32, #tpu.memory_space<vmem_shared>>)
      %dma_start3A_250 = arith.constant 2 : i32
      %dma_start3A_251 = arith.constant 0 : i32
      %dma_start3A_252 = tpu.memref_slice %arg12[%dma_start3A_250, %dma_start3A_251] : memref<8x128xi32, #tpu.memory_space<vmem>> -> memref<1x128xi32, #tpu.memory_space<vmem>>
      %dma_start3A_253 = tpu.memref_squeeze %dma_start3A_252 : memref<1x128xi32, #tpu.memory_space<vmem>> -> memref<128xi32, #tpu.memory_space<vmem>>
      %dma_start3A_254 = arith.constant 0 : i32
      %dma_start3A_255 = tpu.memref_slice %arg19[%dma_start3A_254] : memref<10240xf32, #tpu.memory_space<vmem_shared>> -> memref<10240xf32, #tpu.memory_space<vmem_shared>>
      tpu.enqueue_indirect_dma source(%arg16 : memref<128xf32, #tpu.memory_space<vmem>>) target(%dma_start3A_255 : memref<10240xf32, #tpu.memory_space<vmem_shared>>) offsets(%dma_start3A_253 : memref<128xi32, #tpu.memory_space<vmem>>) semaphore(%arg26 : memref<!tpu.dma_semaphore, #tpu.memory_space<semaphore_mem>>) {add = true}
      %dma_wait3A_256 = arith.constant 2 : i32
      %dma_wait3A_257 = arith.constant 0 : i32
      %dma_wait3A_258 = tpu.memref_slice %arg10[%dma_wait3A_256, %dma_wait3A_257] : memref<8x128xi32, #tpu.memory_space<vmem>> -> memref<1x128xi32, #tpu.memory_space<vmem>>
      %dma_wait3A_259 = tpu.memref_squeeze %dma_wait3A_258 : memref<1x128xi32, #tpu.memory_space<vmem>> -> memref<128xi32, #tpu.memory_space<vmem>>
      %dma_wait3A_260 = arith.constant 0 : i32
      %dma_wait3A_261 = arith.constant 0 : i32
      %dma_wait3A_262 = tpu.memref_slice %arg2[%dma_wait3A_260, %dma_wait3A_261] : memref<10000x128xf32, #tpu.memory_space<hbm>> -> memref<10000x128xf32, #tpu.memory_space<hbm>>
      tpu.wait_indirect_dma semaphore(%arg22 : memref<!tpu.dma_semaphore, #tpu.memory_space<semaphore_mem>>) src(%dma_wait3A_262 : memref<10000x128xf32, #tpu.memory_space<hbm>>) dst(%arg14 : memref<128x128xf32, #tpu.memory_space<vmem>>)
      %dma_start3A_263 = arith.constant 2 : i32
      %dma_start3A_264 = arith.constant 0 : i32
      %dma_start3A_265 = tpu.memref_slice %arg12[%dma_start3A_263, %dma_start3A_264] : memref<8x128xi32, #tpu.memory_space<vmem>> -> memref<1x128xi32, #tpu.memory_space<vmem>>
      %dma_start3A_266 = tpu.memref_squeeze %dma_start3A_265 : memref<1x128xi32, #tpu.memory_space<vmem>> -> memref<128xi32, #tpu.memory_space<vmem>>
      %dma_start3A_267 = arith.constant 0 : i32
      %dma_start3A_268 = arith.constant 0 : i32
      %dma_start3A_269 = tpu.memref_slice %arg18[%dma_start3A_267, %dma_start3A_268] : memref<10240x128xf32, #tpu.memory_space<vmem_shared>> -> memref<10240x128xf32, #tpu.memory_space<vmem_shared>>
      tpu.enqueue_indirect_dma source(%arg14 : memref<128x128xf32, #tpu.memory_space<vmem>>) target(%dma_start3A_269 : memref<10240x128xf32, #tpu.memory_space<vmem_shared>>) offsets(%dma_start3A_266 : memref<128xi32, #tpu.memory_space<vmem>>) semaphore(%arg24 : memref<!tpu.dma_semaphore, #tpu.memory_space<semaphore_mem>>) {add = true}
      %dma_wait3A_270 = arith.constant 2 : i32
      %dma_wait3A_271 = arith.constant 0 : i32
      %dma_wait3A_272 = tpu.memref_slice %arg12[%dma_wait3A_270, %dma_wait3A_271] : memref<8x128xi32, #tpu.memory_space<vmem>> -> memref<1x128xi32, #tpu.memory_space<vmem>>
      %dma_wait3A_273 = tpu.memref_squeeze %dma_wait3A_272 : memref<1x128xi32, #tpu.memory_space<vmem>> -> memref<128xi32, #tpu.memory_space<vmem>>
      %dma_wait3A_274 = arith.constant 0 : i32
      %dma_wait3A_275 = arith.constant 0 : i32
      %dma_wait3A_276 = tpu.memref_slice %arg18[%dma_wait3A_274, %dma_wait3A_275] : memref<10240x128xf32, #tpu.memory_space<vmem_shared>> -> memref<10240x128xf32, #tpu.memory_space<vmem_shared>>
      tpu.wait_indirect_dma semaphore(%arg24 : memref<!tpu.dma_semaphore, #tpu.memory_space<semaphore_mem>>) src(%arg14 : memref<128x128xf32, #tpu.memory_space<vmem>>) dst(%dma_wait3A_276 : memref<10240x128xf32, #tpu.memory_space<vmem_shared>>)
      %dma_start3A_277 = arith.constant 4 : i32
      %dma_start3A_278 = arith.constant 0 : i32
      %dma_start3A_279 = tpu.memref_slice %arg10[%dma_start3A_277, %dma_start3A_278] : memref<8x128xi32, #tpu.memory_space<vmem>> -> memref<1x128xi32, #tpu.memory_space<vmem>>
      %dma_start3A_280 = tpu.memref_squeeze %dma_start3A_279 : memref<1x128xi32, #tpu.memory_space<vmem>> -> memref<128xi32, #tpu.memory_space<vmem>>
      %dma_start3A_281 = arith.constant 0 : i32
      %dma_start3A_282 = arith.constant 0 : i32
      %dma_start3A_283 = tpu.memref_slice %arg2[%dma_start3A_281, %dma_start3A_282] : memref<10000x128xf32, #tpu.memory_space<hbm>> -> memref<10000x128xf32, #tpu.memory_space<hbm>>
      tpu.enqueue_indirect_dma source(%dma_start3A_283 : memref<10000x128xf32, #tpu.memory_space<hbm>>) target(%arg14 : memref<128x128xf32, #tpu.memory_space<vmem>>) offsets(%dma_start3A_280 : memref<128xi32, #tpu.memory_space<vmem>>) semaphore(%arg22 : memref<!tpu.dma_semaphore, #tpu.memory_space<semaphore_mem>>)
      %dma_wait3A_284 = arith.constant 2 : i32
      %dma_wait3A_285 = arith.constant 0 : i32
      %dma_wait3A_286 = tpu.memref_slice %arg12[%dma_wait3A_284, %dma_wait3A_285] : memref<8x128xi32, #tpu.memory_space<vmem>> -> memref<1x128xi32, #tpu.memory_space<vmem>>
      %dma_wait3A_287 = tpu.memref_squeeze %dma_wait3A_286 : memref<1x128xi32, #tpu.memory_space<vmem>> -> memref<128xi32, #tpu.memory_space<vmem>>
      %dma_wait3A_288 = arith.constant 0 : i32
      %dma_wait3A_289 = tpu.memref_slice %arg19[%dma_wait3A_288] : memref<10240xf32, #tpu.memory_space<vmem_shared>> -> memref<10240xf32, #tpu.memory_space<vmem_shared>>
      tpu.wait_indirect_dma semaphore(%arg26 : memref<!tpu.dma_semaphore, #tpu.memory_space<semaphore_mem>>) src(%arg16 : memref<128xf32, #tpu.memory_space<vmem>>) dst(%dma_wait3A_289 : memref<10240xf32, #tpu.memory_space<vmem_shared>>)
      %dma_start3A_290 = arith.constant 3 : i32
      %dma_start3A_291 = arith.constant 0 : i32
      %dma_start3A_292 = tpu.memref_slice %arg12[%dma_start3A_290, %dma_start3A_291] : memref<8x128xi32, #tpu.memory_space<vmem>> -> memref<1x128xi32, #tpu.memory_space<vmem>>
      %dma_start3A_293 = tpu.memref_squeeze %dma_start3A_292 : memref<1x128xi32, #tpu.memory_space<vmem>> -> memref<128xi32, #tpu.memory_space<vmem>>
      %dma_start3A_294 = arith.constant 0 : i32
      %dma_start3A_295 = tpu.memref_slice %arg19[%dma_start3A_294] : memref<10240xf32, #tpu.memory_space<vmem_shared>> -> memref<10240xf32, #tpu.memory_space<vmem_shared>>
      tpu.enqueue_indirect_dma source(%arg16 : memref<128xf32, #tpu.memory_space<vmem>>) target(%dma_start3A_295 : memref<10240xf32, #tpu.memory_space<vmem_shared>>) offsets(%dma_start3A_293 : memref<128xi32, #tpu.memory_space<vmem>>) semaphore(%arg27 : memref<!tpu.dma_semaphore, #tpu.memory_space<semaphore_mem>>) {add = true}
      %dma_wait3A_296 = arith.constant 3 : i32
      %dma_wait3A_297 = arith.constant 0 : i32
      %dma_wait3A_298 = tpu.memref_slice %arg10[%dma_wait3A_296, %dma_wait3A_297] : memref<8x128xi32, #tpu.memory_space<vmem>> -> memref<1x128xi32, #tpu.memory_space<vmem>>
      %dma_wait3A_299 = tpu.memref_squeeze %dma_wait3A_298 : memref<1x128xi32, #tpu.memory_space<vmem>> -> memref<128xi32, #tpu.memory_space<vmem>>
      %dma_wait3A_300 = arith.constant 0 : i32
      %dma_wait3A_301 = arith.constant 0 : i32
      %dma_wait3A_302 = tpu.memref_slice %arg2[%dma_wait3A_300, %dma_wait3A_301] : memref<10000x128xf32, #tpu.memory_space<hbm>> -> memref<10000x128xf32, #tpu.memory_space<hbm>>
      tpu.wait_indirect_dma semaphore(%arg23 : memref<!tpu.dma_semaphore, #tpu.memory_space<semaphore_mem>>) src(%dma_wait3A_302 : memref<10000x128xf32, #tpu.memory_space<hbm>>) dst(%arg15 : memref<128x128xf32, #tpu.memory_space<vmem>>)
      %dma_start3A_303 = arith.constant 3 : i32
      %dma_start3A_304 = arith.constant 0 : i32
      %dma_start3A_305 = tpu.memref_slice %arg12[%dma_start3A_303, %dma_start3A_304] : memref<8x128xi32, #tpu.memory_space<vmem>> -> memref<1x128xi32, #tpu.memory_space<vmem>>
      %dma_start3A_306 = tpu.memref_squeeze %dma_start3A_305 : memref<1x128xi32, #tpu.memory_space<vmem>> -> memref<128xi32, #tpu.memory_space<vmem>>
      %dma_start3A_307 = arith.constant 0 : i32
      %dma_start3A_308 = arith.constant 0 : i32
      %dma_start3A_309 = tpu.memref_slice %arg18[%dma_start3A_307, %dma_start3A_308] : memref<10240x128xf32, #tpu.memory_space<vmem_shared>> -> memref<10240x128xf32, #tpu.memory_space<vmem_shared>>
      tpu.enqueue_indirect_dma source(%arg15 : memref<128x128xf32, #tpu.memory_space<vmem>>) target(%dma_start3A_309 : memref<10240x128xf32, #tpu.memory_space<vmem_shared>>) offsets(%dma_start3A_306 : memref<128xi32, #tpu.memory_space<vmem>>) semaphore(%arg25 : memref<!tpu.dma_semaphore, #tpu.memory_space<semaphore_mem>>) {add = true}
      %dma_wait3A_310 = arith.constant 3 : i32
      %dma_wait3A_311 = arith.constant 0 : i32
      %dma_wait3A_312 = tpu.memref_slice %arg12[%dma_wait3A_310, %dma_wait3A_311] : memref<8x128xi32, #tpu.memory_space<vmem>> -> memref<1x128xi32, #tpu.memory_space<vmem>>
      %dma_wait3A_313 = tpu.memref_squeeze %dma_wait3A_312 : memref<1x128xi32, #tpu.memory_space<vmem>> -> memref<128xi32, #tpu.memory_space<vmem>>
      %dma_wait3A_314 = arith.constant 0 : i32
      %dma_wait3A_315 = arith.constant 0 : i32
      %dma_wait3A_316 = tpu.memref_slice %arg18[%dma_wait3A_314, %dma_wait3A_315] : memref<10240x128xf32, #tpu.memory_space<vmem_shared>> -> memref<10240x128xf32, #tpu.memory_space<vmem_shared>>
      tpu.wait_indirect_dma semaphore(%arg25 : memref<!tpu.dma_semaphore, #tpu.memory_space<semaphore_mem>>) src(%arg15 : memref<128x128xf32, #tpu.memory_space<vmem>>) dst(%dma_wait3A_316 : memref<10240x128xf32, #tpu.memory_space<vmem_shared>>)
      %dma_start3A_317 = arith.constant 5 : i32
      %dma_start3A_318 = arith.constant 0 : i32
      %dma_start3A_319 = tpu.memref_slice %arg10[%dma_start3A_317, %dma_start3A_318] : memref<8x128xi32, #tpu.memory_space<vmem>> -> memref<1x128xi32, #tpu.memory_space<vmem>>
      %dma_start3A_320 = tpu.memref_squeeze %dma_start3A_319 : memref<1x128xi32, #tpu.memory_space<vmem>> -> memref<128xi32, #tpu.memory_space<vmem>>
      %dma_start3A_321 = arith.constant 0 : i32
      %dma_start3A_322 = arith.constant 0 : i32
      %dma_start3A_323 = tpu.memref_slice %arg2[%dma_start3A_321, %dma_start3A_322] : memref<10000x128xf32, #tpu.memory_space<hbm>> -> memref<10000x128xf32, #tpu.memory_space<hbm>>
      tpu.enqueue_indirect_dma source(%dma_start3A_323 : memref<10000x128xf32, #tpu.memory_space<hbm>>) target(%arg15 : memref<128x128xf32, #tpu.memory_space<vmem>>) offsets(%dma_start3A_320 : memref<128xi32, #tpu.memory_space<vmem>>) semaphore(%arg23 : memref<!tpu.dma_semaphore, #tpu.memory_space<semaphore_mem>>)
      %dma_wait3A_324 = arith.constant 3 : i32
      %dma_wait3A_325 = arith.constant 0 : i32
      %dma_wait3A_326 = tpu.memref_slice %arg12[%dma_wait3A_324, %dma_wait3A_325] : memref<8x128xi32, #tpu.memory_space<vmem>> -> memref<1x128xi32, #tpu.memory_space<vmem>>
      %dma_wait3A_327 = tpu.memref_squeeze %dma_wait3A_326 : memref<1x128xi32, #tpu.memory_space<vmem>> -> memref<128xi32, #tpu.memory_space<vmem>>
      %dma_wait3A_328 = arith.constant 0 : i32
      %dma_wait3A_329 = tpu.memref_slice %arg19[%dma_wait3A_328] : memref<10240xf32, #tpu.memory_space<vmem_shared>> -> memref<10240xf32, #tpu.memory_space<vmem_shared>>
      tpu.wait_indirect_dma semaphore(%arg27 : memref<!tpu.dma_semaphore, #tpu.memory_space<semaphore_mem>>) src(%arg16 : memref<128xf32, #tpu.memory_space<vmem>>) dst(%dma_wait3A_329 : memref<10240xf32, #tpu.memory_space<vmem_shared>>)
      %dma_start3A_330 = arith.constant 4 : i32
      %dma_start3A_331 = arith.constant 0 : i32
      %dma_start3A_332 = tpu.memref_slice %arg12[%dma_start3A_330, %dma_start3A_331] : memref<8x128xi32, #tpu.memory_space<vmem>> -> memref<1x128xi32, #tpu.memory_space<vmem>>
      %dma_start3A_333 = tpu.memref_squeeze %dma_start3A_332 : memref<1x128xi32, #tpu.memory_space<vmem>> -> memref<128xi32, #tpu.memory_space<vmem>>
      %dma_start3A_334 = arith.constant 0 : i32
      %dma_start3A_335 = tpu.memref_slice %arg19[%dma_start3A_334] : memref<10240xf32, #tpu.memory_space<vmem_shared>> -> memref<10240xf32, #tpu.memory_space<vmem_shared>>
      tpu.enqueue_indirect_dma source(%arg16 : memref<128xf32, #tpu.memory_space<vmem>>) target(%dma_start3A_335 : memref<10240xf32, #tpu.memory_space<vmem_shared>>) offsets(%dma_start3A_333 : memref<128xi32, #tpu.memory_space<vmem>>) semaphore(%arg26 : memref<!tpu.dma_semaphore, #tpu.memory_space<semaphore_mem>>) {add = true}
      %dma_wait3A_336 = arith.constant 4 : i32
      %dma_wait3A_337 = arith.constant 0 : i32
      %dma_wait3A_338 = tpu.memref_slice %arg10[%dma_wait3A_336, %dma_wait3A_337] : memref<8x128xi32, #tpu.memory_space<vmem>> -> memref<1x128xi32, #tpu.memory_space<vmem>>
      %dma_wait3A_339 = tpu.memref_squeeze %dma_wait3A_338 : memref<1x128xi32, #tpu.memory_space<vmem>> -> memref<128xi32, #tpu.memory_space<vmem>>
      %dma_wait3A_340 = arith.constant 0 : i32
      %dma_wait3A_341 = arith.constant 0 : i32
      %dma_wait3A_342 = tpu.memref_slice %arg2[%dma_wait3A_340, %dma_wait3A_341] : memref<10000x128xf32, #tpu.memory_space<hbm>> -> memref<10000x128xf32, #tpu.memory_space<hbm>>
      tpu.wait_indirect_dma semaphore(%arg22 : memref<!tpu.dma_semaphore, #tpu.memory_space<semaphore_mem>>) src(%dma_wait3A_342 : memref<10000x128xf32, #tpu.memory_space<hbm>>) dst(%arg14 : memref<128x128xf32, #tpu.memory_space<vmem>>)
      %dma_start3A_343 = arith.constant 4 : i32
      %dma_start3A_344 = arith.constant 0 : i32
      %dma_start3A_345 = tpu.memref_slice %arg12[%dma_start3A_343, %dma_start3A_344] : memref<8x128xi32, #tpu.memory_space<vmem>> -> memref<1x128xi32, #tpu.memory_space<vmem>>
      %dma_start3A_346 = tpu.memref_squeeze %dma_start3A_345 : memref<1x128xi32, #tpu.memory_space<vmem>> -> memref<128xi32, #tpu.memory_space<vmem>>
      %dma_start3A_347 = arith.constant 0 : i32
      %dma_start3A_348 = arith.constant 0 : i32
      %dma_start3A_349 = tpu.memref_slice %arg18[%dma_start3A_347, %dma_start3A_348] : memref<10240x128xf32, #tpu.memory_space<vmem_shared>> -> memref<10240x128xf32, #tpu.memory_space<vmem_shared>>
      tpu.enqueue_indirect_dma source(%arg14 : memref<128x128xf32, #tpu.memory_space<vmem>>) target(%dma_start3A_349 : memref<10240x128xf32, #tpu.memory_space<vmem_shared>>) offsets(%dma_start3A_346 : memref<128xi32, #tpu.memory_space<vmem>>) semaphore(%arg24 : memref<!tpu.dma_semaphore, #tpu.memory_space<semaphore_mem>>) {add = true}
      %dma_wait3A_350 = arith.constant 4 : i32
      %dma_wait3A_351 = arith.constant 0 : i32
      %dma_wait3A_352 = tpu.memref_slice %arg12[%dma_wait3A_350, %dma_wait3A_351] : memref<8x128xi32, #tpu.memory_space<vmem>> -> memref<1x128xi32, #tpu.memory_space<vmem>>
      %dma_wait3A_353 = tpu.memref_squeeze %dma_wait3A_352 : memref<1x128xi32, #tpu.memory_space<vmem>> -> memref<128xi32, #tpu.memory_space<vmem>>
      %dma_wait3A_354 = arith.constant 0 : i32
      %dma_wait3A_355 = arith.constant 0 : i32
      %dma_wait3A_356 = tpu.memref_slice %arg18[%dma_wait3A_354, %dma_wait3A_355] : memref<10240x128xf32, #tpu.memory_space<vmem_shared>> -> memref<10240x128xf32, #tpu.memory_space<vmem_shared>>
      tpu.wait_indirect_dma semaphore(%arg24 : memref<!tpu.dma_semaphore, #tpu.memory_space<semaphore_mem>>) src(%arg14 : memref<128x128xf32, #tpu.memory_space<vmem>>) dst(%dma_wait3A_356 : memref<10240x128xf32, #tpu.memory_space<vmem_shared>>)
      %dma_start3A_357 = arith.constant 6 : i32
      %dma_start3A_358 = arith.constant 0 : i32
      %dma_start3A_359 = tpu.memref_slice %arg10[%dma_start3A_357, %dma_start3A_358] : memref<8x128xi32, #tpu.memory_space<vmem>> -> memref<1x128xi32, #tpu.memory_space<vmem>>
      %dma_start3A_360 = tpu.memref_squeeze %dma_start3A_359 : memref<1x128xi32, #tpu.memory_space<vmem>> -> memref<128xi32, #tpu.memory_space<vmem>>
      %dma_start3A_361 = arith.constant 0 : i32
      %dma_start3A_362 = arith.constant 0 : i32
      %dma_start3A_363 = tpu.memref_slice %arg2[%dma_start3A_361, %dma_start3A_362] : memref<10000x128xf32, #tpu.memory_space<hbm>> -> memref<10000x128xf32, #tpu.memory_space<hbm>>
      tpu.enqueue_indirect_dma source(%dma_start3A_363 : memref<10000x128xf32, #tpu.memory_space<hbm>>) target(%arg14 : memref<128x128xf32, #tpu.memory_space<vmem>>) offsets(%dma_start3A_360 : memref<128xi32, #tpu.memory_space<vmem>>) semaphore(%arg22 : memref<!tpu.dma_semaphore, #tpu.memory_space<semaphore_mem>>)
      %dma_wait3A_364 = arith.constant 4 : i32
      %dma_wait3A_365 = arith.constant 0 : i32
      %dma_wait3A_366 = tpu.memref_slice %arg12[%dma_wait3A_364, %dma_wait3A_365] : memref<8x128xi32, #tpu.memory_space<vmem>> -> memref<1x128xi32, #tpu.memory_space<vmem>>
      %dma_wait3A_367 = tpu.memref_squeeze %dma_wait3A_366 : memref<1x128xi32, #tpu.memory_space<vmem>> -> memref<128xi32, #tpu.memory_space<vmem>>
      %dma_wait3A_368 = arith.constant 0 : i32
      %dma_wait3A_369 = tpu.memref_slice %arg19[%dma_wait3A_368] : memref<10240xf32, #tpu.memory_space<vmem_shared>> -> memref<10240xf32, #tpu.memory_space<vmem_shared>>
      tpu.wait_indirect_dma semaphore(%arg26 : memref<!tpu.dma_semaphore, #tpu.memory_space<semaphore_mem>>) src(%arg16 : memref<128xf32, #tpu.memory_space<vmem>>) dst(%dma_wait3A_369 : memref<10240xf32, #tpu.memory_space<vmem_shared>>)
      %dma_start3A_370 = arith.constant 5 : i32
      %dma_start3A_371 = arith.constant 0 : i32
      %dma_start3A_372 = tpu.memref_slice %arg12[%dma_start3A_370, %dma_start3A_371] : memref<8x128xi32, #tpu.memory_space<vmem>> -> memref<1x128xi32, #tpu.memory_space<vmem>>
      %dma_start3A_373 = tpu.memref_squeeze %dma_start3A_372 : memref<1x128xi32, #tpu.memory_space<vmem>> -> memref<128xi32, #tpu.memory_space<vmem>>
      %dma_start3A_374 = arith.constant 0 : i32
      %dma_start3A_375 = tpu.memref_slice %arg19[%dma_start3A_374] : memref<10240xf32, #tpu.memory_space<vmem_shared>> -> memref<10240xf32, #tpu.memory_space<vmem_shared>>
      tpu.enqueue_indirect_dma source(%arg16 : memref<128xf32, #tpu.memory_space<vmem>>) target(%dma_start3A_375 : memref<10240xf32, #tpu.memory_space<vmem_shared>>) offsets(%dma_start3A_373 : memref<128xi32, #tpu.memory_space<vmem>>) semaphore(%arg27 : memref<!tpu.dma_semaphore, #tpu.memory_space<semaphore_mem>>) {add = true}
      %dma_wait3A_376 = arith.constant 5 : i32
      %dma_wait3A_377 = arith.constant 0 : i32
      %dma_wait3A_378 = tpu.memref_slice %arg10[%dma_wait3A_376, %dma_wait3A_377] : memref<8x128xi32, #tpu.memory_space<vmem>> -> memref<1x128xi32, #tpu.memory_space<vmem>>
      %dma_wait3A_379 = tpu.memref_squeeze %dma_wait3A_378 : memref<1x128xi32, #tpu.memory_space<vmem>> -> memref<128xi32, #tpu.memory_space<vmem>>
      %dma_wait3A_380 = arith.constant 0 : i32
      %dma_wait3A_381 = arith.constant 0 : i32
      %dma_wait3A_382 = tpu.memref_slice %arg2[%dma_wait3A_380, %dma_wait3A_381] : memref<10000x128xf32, #tpu.memory_space<hbm>> -> memref<10000x128xf32, #tpu.memory_space<hbm>>
      tpu.wait_indirect_dma semaphore(%arg23 : memref<!tpu.dma_semaphore, #tpu.memory_space<semaphore_mem>>) src(%dma_wait3A_382 : memref<10000x128xf32, #tpu.memory_space<hbm>>) dst(%arg15 : memref<128x128xf32, #tpu.memory_space<vmem>>)
      %dma_start3A_383 = arith.constant 5 : i32
      %dma_start3A_384 = arith.constant 0 : i32
      %dma_start3A_385 = tpu.memref_slice %arg12[%dma_start3A_383, %dma_start3A_384] : memref<8x128xi32, #tpu.memory_space<vmem>> -> memref<1x128xi32, #tpu.memory_space<vmem>>
      %dma_start3A_386 = tpu.memref_squeeze %dma_start3A_385 : memref<1x128xi32, #tpu.memory_space<vmem>> -> memref<128xi32, #tpu.memory_space<vmem>>
      %dma_start3A_387 = arith.constant 0 : i32
      %dma_start3A_388 = arith.constant 0 : i32
      %dma_start3A_389 = tpu.memref_slice %arg18[%dma_start3A_387, %dma_start3A_388] : memref<10240x128xf32, #tpu.memory_space<vmem_shared>> -> memref<10240x128xf32, #tpu.memory_space<vmem_shared>>
      tpu.enqueue_indirect_dma source(%arg15 : memref<128x128xf32, #tpu.memory_space<vmem>>) target(%dma_start3A_389 : memref<10240x128xf32, #tpu.memory_space<vmem_shared>>) offsets(%dma_start3A_386 : memref<128xi32, #tpu.memory_space<vmem>>) semaphore(%arg25 : memref<!tpu.dma_semaphore, #tpu.memory_space<semaphore_mem>>) {add = true}
      %dma_wait3A_390 = arith.constant 5 : i32
      %dma_wait3A_391 = arith.constant 0 : i32
      %dma_wait3A_392 = tpu.memref_slice %arg12[%dma_wait3A_390, %dma_wait3A_391] : memref<8x128xi32, #tpu.memory_space<vmem>> -> memref<1x128xi32, #tpu.memory_space<vmem>>
      %dma_wait3A_393 = tpu.memref_squeeze %dma_wait3A_392 : memref<1x128xi32, #tpu.memory_space<vmem>> -> memref<128xi32, #tpu.memory_space<vmem>>
      %dma_wait3A_394 = arith.constant 0 : i32
      %dma_wait3A_395 = arith.constant 0 : i32
      %dma_wait3A_396 = tpu.memref_slice %arg18[%dma_wait3A_394, %dma_wait3A_395] : memref<10240x128xf32, #tpu.memory_space<vmem_shared>> -> memref<10240x128xf32, #tpu.memory_space<vmem_shared>>
      tpu.wait_indirect_dma semaphore(%arg25 : memref<!tpu.dma_semaphore, #tpu.memory_space<semaphore_mem>>) src(%arg15 : memref<128x128xf32, #tpu.memory_space<vmem>>) dst(%dma_wait3A_396 : memref<10240x128xf32, #tpu.memory_space<vmem_shared>>)
      %dma_start3A_397 = arith.constant 7 : i32
      %dma_start3A_398 = arith.constant 0 : i32
      %dma_start3A_399 = tpu.memref_slice %arg10[%dma_start3A_397, %dma_start3A_398] : memref<8x128xi32, #tpu.memory_space<vmem>> -> memref<1x128xi32, #tpu.memory_space<vmem>>
      %dma_start3A_400 = tpu.memref_squeeze %dma_start3A_399 : memref<1x128xi32, #tpu.memory_space<vmem>> -> memref<128xi32, #tpu.memory_space<vmem>>
      %dma_start3A_401 = arith.constant 0 : i32
      %dma_start3A_402 = arith.constant 0 : i32
      %dma_start3A_403 = tpu.memref_slice %arg2[%dma_start3A_401, %dma_start3A_402] : memref<10000x128xf32, #tpu.memory_space<hbm>> -> memref<10000x128xf32, #tpu.memory_space<hbm>>
      tpu.enqueue_indirect_dma source(%dma_start3A_403 : memref<10000x128xf32, #tpu.memory_space<hbm>>) target(%arg15 : memref<128x128xf32, #tpu.memory_space<vmem>>) offsets(%dma_start3A_400 : memref<128xi32, #tpu.memory_space<vmem>>) semaphore(%arg23 : memref<!tpu.dma_semaphore, #tpu.memory_space<semaphore_mem>>)
      %dma_wait3A_404 = arith.constant 5 : i32
      %dma_wait3A_405 = arith.constant 0 : i32
      %dma_wait3A_406 = tpu.memref_slice %arg12[%dma_wait3A_404, %dma_wait3A_405] : memref<8x128xi32, #tpu.memory_space<vmem>> -> memref<1x128xi32, #tpu.memory_space<vmem>>
      %dma_wait3A_407 = tpu.memref_squeeze %dma_wait3A_406 : memref<1x128xi32, #tpu.memory_space<vmem>> -> memref<128xi32, #tpu.memory_space<vmem>>
      %dma_wait3A_408 = arith.constant 0 : i32
      %dma_wait3A_409 = tpu.memref_slice %arg19[%dma_wait3A_408] : memref<10240xf32, #tpu.memory_space<vmem_shared>> -> memref<10240xf32, #tpu.memory_space<vmem_shared>>
      tpu.wait_indirect_dma semaphore(%arg27 : memref<!tpu.dma_semaphore, #tpu.memory_space<semaphore_mem>>) src(%arg16 : memref<128xf32, #tpu.memory_space<vmem>>) dst(%dma_wait3A_409 : memref<10240xf32, #tpu.memory_space<vmem_shared>>)
      %dma_start3A_410 = arith.constant 6 : i32
      %dma_start3A_411 = arith.constant 0 : i32
      %dma_start3A_412 = tpu.memref_slice %arg12[%dma_start3A_410, %dma_start3A_411] : memref<8x128xi32, #tpu.memory_space<vmem>> -> memref<1x128xi32, #tpu.memory_space<vmem>>
      %dma_start3A_413 = tpu.memref_squeeze %dma_start3A_412 : memref<1x128xi32, #tpu.memory_space<vmem>> -> memref<128xi32, #tpu.memory_space<vmem>>
      %dma_start3A_414 = arith.constant 0 : i32
      %dma_start3A_415 = tpu.memref_slice %arg19[%dma_start3A_414] : memref<10240xf32, #tpu.memory_space<vmem_shared>> -> memref<10240xf32, #tpu.memory_space<vmem_shared>>
      tpu.enqueue_indirect_dma source(%arg16 : memref<128xf32, #tpu.memory_space<vmem>>) target(%dma_start3A_415 : memref<10240xf32, #tpu.memory_space<vmem_shared>>) offsets(%dma_start3A_413 : memref<128xi32, #tpu.memory_space<vmem>>) semaphore(%arg26 : memref<!tpu.dma_semaphore, #tpu.memory_space<semaphore_mem>>) {add = true}
      %dma_wait3A_416 = arith.constant 6 : i32
      %dma_wait3A_417 = arith.constant 0 : i32
      %dma_wait3A_418 = tpu.memref_slice %arg10[%dma_wait3A_416, %dma_wait3A_417] : memref<8x128xi32, #tpu.memory_space<vmem>> -> memref<1x128xi32, #tpu.memory_space<vmem>>
      %dma_wait3A_419 = tpu.memref_squeeze %dma_wait3A_418 : memref<1x128xi32, #tpu.memory_space<vmem>> -> memref<128xi32, #tpu.memory_space<vmem>>
      %dma_wait3A_420 = arith.constant 0 : i32
      %dma_wait3A_421 = arith.constant 0 : i32
      %dma_wait3A_422 = tpu.memref_slice %arg2[%dma_wait3A_420, %dma_wait3A_421] : memref<10000x128xf32, #tpu.memory_space<hbm>> -> memref<10000x128xf32, #tpu.memory_space<hbm>>
      tpu.wait_indirect_dma semaphore(%arg22 : memref<!tpu.dma_semaphore, #tpu.memory_space<semaphore_mem>>) src(%dma_wait3A_422 : memref<10000x128xf32, #tpu.memory_space<hbm>>) dst(%arg14 : memref<128x128xf32, #tpu.memory_space<vmem>>)
      %dma_start3A_423 = arith.constant 6 : i32
      %dma_start3A_424 = arith.constant 0 : i32
      %dma_start3A_425 = tpu.memref_slice %arg12[%dma_start3A_423, %dma_start3A_424] : memref<8x128xi32, #tpu.memory_space<vmem>> -> memref<1x128xi32, #tpu.memory_space<vmem>>
      %dma_start3A_426 = tpu.memref_squeeze %dma_start3A_425 : memref<1x128xi32, #tpu.memory_space<vmem>> -> memref<128xi32, #tpu.memory_space<vmem>>
      %dma_start3A_427 = arith.constant 0 : i32
      %dma_start3A_428 = arith.constant 0 : i32
      %dma_start3A_429 = tpu.memref_slice %arg18[%dma_start3A_427, %dma_start3A_428] : memref<10240x128xf32, #tpu.memory_space<vmem_shared>> -> memref<10240x128xf32, #tpu.memory_space<vmem_shared>>
      tpu.enqueue_indirect_dma source(%arg14 : memref<128x128xf32, #tpu.memory_space<vmem>>) target(%dma_start3A_429 : memref<10240x128xf32, #tpu.memory_space<vmem_shared>>) offsets(%dma_start3A_426 : memref<128xi32, #tpu.memory_space<vmem>>) semaphore(%arg24 : memref<!tpu.dma_semaphore, #tpu.memory_space<semaphore_mem>>) {add = true}
      %dma_wait3A_430 = arith.constant 6 : i32
      %dma_wait3A_431 = arith.constant 0 : i32
      %dma_wait3A_432 = tpu.memref_slice %arg12[%dma_wait3A_430, %dma_wait3A_431] : memref<8x128xi32, #tpu.memory_space<vmem>> -> memref<1x128xi32, #tpu.memory_space<vmem>>
      %dma_wait3A_433 = tpu.memref_squeeze %dma_wait3A_432 : memref<1x128xi32, #tpu.memory_space<vmem>> -> memref<128xi32, #tpu.memory_space<vmem>>
      %dma_wait3A_434 = arith.constant 0 : i32
      %dma_wait3A_435 = arith.constant 0 : i32
      %dma_wait3A_436 = tpu.memref_slice %arg18[%dma_wait3A_434, %dma_wait3A_435] : memref<10240x128xf32, #tpu.memory_space<vmem_shared>> -> memref<10240x128xf32, #tpu.memory_space<vmem_shared>>
      tpu.wait_indirect_dma semaphore(%arg24 : memref<!tpu.dma_semaphore, #tpu.memory_space<semaphore_mem>>) src(%arg14 : memref<128x128xf32, #tpu.memory_space<vmem>>) dst(%dma_wait3A_436 : memref<10240x128xf32, #tpu.memory_space<vmem_shared>>)
      %dma_wait3A_437 = arith.constant 6 : i32
      %dma_wait3A_438 = arith.constant 0 : i32
      %dma_wait3A_439 = tpu.memref_slice %arg12[%dma_wait3A_437, %dma_wait3A_438] : memref<8x128xi32, #tpu.memory_space<vmem>> -> memref<1x128xi32, #tpu.memory_space<vmem>>
      %dma_wait3A_440 = tpu.memref_squeeze %dma_wait3A_439 : memref<1x128xi32, #tpu.memory_space<vmem>> -> memref<128xi32, #tpu.memory_space<vmem>>
      %dma_wait3A_441 = arith.constant 0 : i32
      %dma_wait3A_442 = tpu.memref_slice %arg19[%dma_wait3A_441] : memref<10240xf32, #tpu.memory_space<vmem_shared>> -> memref<10240xf32, #tpu.memory_space<vmem_shared>>
      tpu.wait_indirect_dma semaphore(%arg26 : memref<!tpu.dma_semaphore, #tpu.memory_space<semaphore_mem>>) src(%arg16 : memref<128xf32, #tpu.memory_space<vmem>>) dst(%dma_wait3A_442 : memref<10240xf32, #tpu.memory_space<vmem_shared>>)
      %dma_start3A_443 = arith.constant 7 : i32
      %dma_start3A_444 = arith.constant 0 : i32
      %dma_start3A_445 = tpu.memref_slice %arg12[%dma_start3A_443, %dma_start3A_444] : memref<8x128xi32, #tpu.memory_space<vmem>> -> memref<1x128xi32, #tpu.memory_space<vmem>>
      %dma_start3A_446 = tpu.memref_squeeze %dma_start3A_445 : memref<1x128xi32, #tpu.memory_space<vmem>> -> memref<128xi32, #tpu.memory_space<vmem>>
      %dma_start3A_447 = arith.constant 0 : i32
      %dma_start3A_448 = tpu.memref_slice %arg19[%dma_start3A_447] : memref<10240xf32, #tpu.memory_space<vmem_shared>> -> memref<10240xf32, #tpu.memory_space<vmem_shared>>
      tpu.enqueue_indirect_dma source(%arg16 : memref<128xf32, #tpu.memory_space<vmem>>) target(%dma_start3A_448 : memref<10240xf32, #tpu.memory_space<vmem_shared>>) offsets(%dma_start3A_446 : memref<128xi32, #tpu.memory_space<vmem>>) semaphore(%arg27 : memref<!tpu.dma_semaphore, #tpu.memory_space<semaphore_mem>>) {add = true}
      %dma_wait3A_449 = arith.constant 7 : i32
      %dma_wait3A_450 = arith.constant 0 : i32
      %dma_wait3A_451 = tpu.memref_slice %arg10[%dma_wait3A_449, %dma_wait3A_450] : memref<8x128xi32, #tpu.memory_space<vmem>> -> memref<1x128xi32, #tpu.memory_space<vmem>>
      %dma_wait3A_452 = tpu.memref_squeeze %dma_wait3A_451 : memref<1x128xi32, #tpu.memory_space<vmem>> -> memref<128xi32, #tpu.memory_space<vmem>>
      %dma_wait3A_453 = arith.constant 0 : i32
      %dma_wait3A_454 = arith.constant 0 : i32
      %dma_wait3A_455 = tpu.memref_slice %arg2[%dma_wait3A_453, %dma_wait3A_454] : memref<10000x128xf32, #tpu.memory_space<hbm>> -> memref<10000x128xf32, #tpu.memory_space<hbm>>
      tpu.wait_indirect_dma semaphore(%arg23 : memref<!tpu.dma_semaphore, #tpu.memory_space<semaphore_mem>>) src(%dma_wait3A_455 : memref<10000x128xf32, #tpu.memory_space<hbm>>) dst(%arg15 : memref<128x128xf32, #tpu.memory_space<vmem>>)
      %dma_start3A_456 = arith.constant 7 : i32
      %dma_start3A_457 = arith.constant 0 : i32
      %dma_start3A_458 = tpu.memref_slice %arg12[%dma_start3A_456, %dma_start3A_457] : memref<8x128xi32, #tpu.memory_space<vmem>> -> memref<1x128xi32, #tpu.memory_space<vmem>>
      %dma_start3A_459 = tpu.memref_squeeze %dma_start3A_458 : memref<1x128xi32, #tpu.memory_space<vmem>> -> memref<128xi32, #tpu.memory_space<vmem>>
      %dma_start3A_460 = arith.constant 0 : i32
      %dma_start3A_461 = arith.constant 0 : i32
      %dma_start3A_462 = tpu.memref_slice %arg18[%dma_start3A_460, %dma_start3A_461] : memref<10240x128xf32, #tpu.memory_space<vmem_shared>> -> memref<10240x128xf32, #tpu.memory_space<vmem_shared>>
      tpu.enqueue_indirect_dma source(%arg15 : memref<128x128xf32, #tpu.memory_space<vmem>>) target(%dma_start3A_462 : memref<10240x128xf32, #tpu.memory_space<vmem_shared>>) offsets(%dma_start3A_459 : memref<128xi32, #tpu.memory_space<vmem>>) semaphore(%arg25 : memref<!tpu.dma_semaphore, #tpu.memory_space<semaphore_mem>>) {add = true}
      %dma_wait3A_463 = arith.constant 7 : i32
      %dma_wait3A_464 = arith.constant 0 : i32
      %dma_wait3A_465 = tpu.memref_slice %arg12[%dma_wait3A_463, %dma_wait3A_464] : memref<8x128xi32, #tpu.memory_space<vmem>> -> memref<1x128xi32, #tpu.memory_space<vmem>>
      %dma_wait3A_466 = tpu.memref_squeeze %dma_wait3A_465 : memref<1x128xi32, #tpu.memory_space<vmem>> -> memref<128xi32, #tpu.memory_space<vmem>>
      %dma_wait3A_467 = arith.constant 0 : i32
      %dma_wait3A_468 = arith.constant 0 : i32
      %dma_wait3A_469 = tpu.memref_slice %arg18[%dma_wait3A_467, %dma_wait3A_468] : memref<10240x128xf32, #tpu.memory_space<vmem_shared>> -> memref<10240x128xf32, #tpu.memory_space<vmem_shared>>
      tpu.wait_indirect_dma semaphore(%arg25 : memref<!tpu.dma_semaphore, #tpu.memory_space<semaphore_mem>>) src(%arg15 : memref<128x128xf32, #tpu.memory_space<vmem>>) dst(%dma_wait3A_469 : memref<10240x128xf32, #tpu.memory_space<vmem_shared>>)
      %dma_wait3A_470 = arith.constant 7 : i32
      %dma_wait3A_471 = arith.constant 0 : i32
      %dma_wait3A_472 = tpu.memref_slice %arg12[%dma_wait3A_470, %dma_wait3A_471] : memref<8x128xi32, #tpu.memory_space<vmem>> -> memref<1x128xi32, #tpu.memory_space<vmem>>
      %dma_wait3A_473 = tpu.memref_squeeze %dma_wait3A_472 : memref<1x128xi32, #tpu.memory_space<vmem>> -> memref<128xi32, #tpu.memory_space<vmem>>
      %dma_wait3A_474 = arith.constant 0 : i32
      %dma_wait3A_475 = tpu.memref_slice %arg19[%dma_wait3A_474] : memref<10240xf32, #tpu.memory_space<vmem_shared>> -> memref<10240xf32, #tpu.memory_space<vmem_shared>>
      tpu.wait_indirect_dma semaphore(%arg27 : memref<!tpu.dma_semaphore, #tpu.memory_space<semaphore_mem>>) src(%arg16 : memref<128xf32, #tpu.memory_space<vmem>>) dst(%dma_wait3A_475 : memref<10240xf32, #tpu.memory_space<vmem_shared>>)
      %add3A_476 = arith.constant 2 : i32
      %add3A_477 = arith.addi %add3A_139, %add3A_476 : i32
      %mul3A_478 = arith.constant 8 : i32
      %mul3A_479 = arith.muli %add3A_477, %mul3A_478 : i32
      %dma_start3A_480 = arith.constant 0 : i32
      %dma_start3A_481 = tpu.memref_slice %arg3[%add3A, %mul3A_479, %dma_start3A_480] : memref<32x96x128xi32, #tpu.memory_space<hbm>> -> memref<1x8x128xi32, #tpu.memory_space<hbm>>
      %dma_start3A_482 = tpu.memref_squeeze %dma_start3A_481 : memref<1x8x128xi32, #tpu.memory_space<hbm>> -> memref<8x128xi32, #tpu.memory_space<hbm>>
      %dma_start3A_483 = arith.constant 0 : i32
      %dma_start3A_484 = tpu.memref_slice %arg3[%add3A, %mul3A_479, %dma_start3A_483] : memref<32x96x128xi32, #tpu.memory_space<hbm>> -> memref<1x8x128xi32, #tpu.memory_space<hbm>>
      %dma_start3A_485 = tpu.memref_squeeze %dma_start3A_484 : memref<1x8x128xi32, #tpu.memory_space<hbm>> -> memref<8x128xi32, #tpu.memory_space<hbm>>
      tpu.enqueue_dma source(%dma_start3A_485 : memref<8x128xi32, #tpu.memory_space<hbm>>) target(%arg10 : memref<8x128xi32, #tpu.memory_space<vmem>>) target_semaphore(%arg20 : memref<!tpu.dma_semaphore, #tpu.memory_space<semaphore_mem>>)
      %add3A_486 = arith.constant 2 : i32
      %add3A_487 = arith.addi %add3A_139, %add3A_486 : i32
      %mul3A_488 = arith.constant 8 : i32
      %mul3A_489 = arith.muli %add3A_487, %mul3A_488 : i32
      %dma_start3A_490 = arith.constant 0 : i32
      %dma_start3A_491 = tpu.memref_slice %arg4[%add3A, %mul3A_489, %dma_start3A_490] : memref<32x96x128xi32, #tpu.memory_space<hbm>> -> memref<1x8x128xi32, #tpu.memory_space<hbm>>
      %dma_start3A_492 = tpu.memref_squeeze %dma_start3A_491 : memref<1x8x128xi32, #tpu.memory_space<hbm>> -> memref<8x128xi32, #tpu.memory_space<hbm>>
      %dma_start3A_493 = arith.constant 0 : i32
      %dma_start3A_494 = tpu.memref_slice %arg4[%add3A, %mul3A_489, %dma_start3A_493] : memref<32x96x128xi32, #tpu.memory_space<hbm>> -> memref<1x8x128xi32, #tpu.memory_space<hbm>>
      %dma_start3A_495 = tpu.memref_squeeze %dma_start3A_494 : memref<1x8x128xi32, #tpu.memory_space<hbm>> -> memref<8x128xi32, #tpu.memory_space<hbm>>
      tpu.enqueue_dma source(%dma_start3A_495 : memref<8x128xi32, #tpu.memory_space<hbm>>) target(%arg12 : memref<8x128xi32, #tpu.memory_space<vmem>>) target_semaphore(%arg20 : memref<!tpu.dma_semaphore, #tpu.memory_space<semaphore_mem>>)
      %mul3A_496 = arith.constant 2 : i32
      %mul3A_497 = arith.muli %scan3A_135, %mul3A_496 : i32
      %add3A_498 = arith.constant 1 : i32
      %add3A_499 = arith.addi %mul3A_497, %add3A_498 : i32
      %mul3A_500 = arith.constant 8 : i32
      %mul3A_501 = arith.muli %add3A_499, %mul3A_500 : i32
      %dma_wait3A_502 = arith.constant 0 : i32
      %dma_wait3A_503 = tpu.memref_slice %arg3[%add3A, %mul3A_501, %dma_wait3A_502] : memref<32x96x128xi32, #tpu.memory_space<hbm>> -> memref<1x8x128xi32, #tpu.memory_space<hbm>>
      %dma_wait3A_504 = tpu.memref_squeeze %dma_wait3A_503 : memref<1x8x128xi32, #tpu.memory_space<hbm>> -> memref<8x128xi32, #tpu.memory_space<hbm>>
      %dma_wait3A_505 = arith.constant 0 : i32
      %dma_wait3A_506 = tpu.memref_slice %arg3[%add3A, %mul3A_501, %dma_wait3A_505] : memref<32x96x128xi32, #tpu.memory_space<hbm>> -> memref<1x8x128xi32, #tpu.memory_space<hbm>>
      %dma_wait3A_507 = tpu.memref_squeeze %dma_wait3A_506 : memref<1x8x128xi32, #tpu.memory_space<hbm>> -> memref<8x128xi32, #tpu.memory_space<hbm>>
      tpu.wait_dma2 semaphore(%arg21 : memref<!tpu.dma_semaphore, #tpu.memory_space<semaphore_mem>>) src(%dma_wait3A_507 : memref<8x128xi32, #tpu.memory_space<hbm>>) dst(%arg11 : memref<8x128xi32, #tpu.memory_space<vmem>>)
      %mul3A_508 = arith.constant 8 : i32
      %mul3A_509 = arith.muli %add3A_499, %mul3A_508 : i32
      %dma_wait3A_510 = arith.constant 0 : i32
      %dma_wait3A_511 = tpu.memref_slice %arg4[%add3A, %mul3A_509, %dma_wait3A_510] : memref<32x96x128xi32, #tpu.memory_space<hbm>> -> memref<1x8x128xi32, #tpu.memory_space<hbm>>
      %dma_wait3A_512 = tpu.memref_squeeze %dma_wait3A_511 : memref<1x8x128xi32, #tpu.memory_space<hbm>> -> memref<8x128xi32, #tpu.memory_space<hbm>>
      %dma_wait3A_513 = arith.constant 0 : i32
      %dma_wait3A_514 = tpu.memref_slice %arg4[%add3A, %mul3A_509, %dma_wait3A_513] : memref<32x96x128xi32, #tpu.memory_space<hbm>> -> memref<1x8x128xi32, #tpu.memory_space<hbm>>
      %dma_wait3A_515 = tpu.memref_squeeze %dma_wait3A_514 : memref<1x8x128xi32, #tpu.memory_space<hbm>> -> memref<8x128xi32, #tpu.memory_space<hbm>>
      tpu.wait_dma2 semaphore(%arg21 : memref<!tpu.dma_semaphore, #tpu.memory_space<semaphore_mem>>) src(%dma_wait3A_515 : memref<8x128xi32, #tpu.memory_space<hbm>>) dst(%arg13 : memref<8x128xi32, #tpu.memory_space<vmem>>)
      %dma_start3A_516 = arith.constant 0 : i32
      %dma_start3A_517 = arith.constant 0 : i32
      %dma_start3A_518 = tpu.memref_slice %arg11[%dma_start3A_516, %dma_start3A_517] : memref<8x128xi32, #tpu.memory_space<vmem>> -> memref<1x128xi32, #tpu.memory_space<vmem>>
      %dma_start3A_519 = tpu.memref_squeeze %dma_start3A_518 : memref<1x128xi32, #tpu.memory_space<vmem>> -> memref<128xi32, #tpu.memory_space<vmem>>
      %dma_start3A_520 = arith.constant 0 : i32
      %dma_start3A_521 = arith.constant 0 : i32
      %dma_start3A_522 = tpu.memref_slice %arg2[%dma_start3A_520, %dma_start3A_521] : memref<10000x128xf32, #tpu.memory_space<hbm>> -> memref<10000x128xf32, #tpu.memory_space<hbm>>
      tpu.enqueue_indirect_dma source(%dma_start3A_522 : memref<10000x128xf32, #tpu.memory_space<hbm>>) target(%arg14 : memref<128x128xf32, #tpu.memory_space<vmem>>) offsets(%dma_start3A_519 : memref<128xi32, #tpu.memory_space<vmem>>) semaphore(%arg22 : memref<!tpu.dma_semaphore, #tpu.memory_space<semaphore_mem>>)
      %dma_start3A_523 = arith.constant 1 : i32
      %dma_start3A_524 = arith.constant 0 : i32
      %dma_start3A_525 = tpu.memref_slice %arg11[%dma_start3A_523, %dma_start3A_524] : memref<8x128xi32, #tpu.memory_space<vmem>> -> memref<1x128xi32, #tpu.memory_space<vmem>>
      %dma_start3A_526 = tpu.memref_squeeze %dma_start3A_525 : memref<1x128xi32, #tpu.memory_space<vmem>> -> memref<128xi32, #tpu.memory_space<vmem>>
      %dma_start3A_527 = arith.constant 0 : i32
      %dma_start3A_528 = arith.constant 0 : i32
      %dma_start3A_529 = tpu.memref_slice %arg2[%dma_start3A_527, %dma_start3A_528] : memref<10000x128xf32, #tpu.memory_space<hbm>> -> memref<10000x128xf32, #tpu.memory_space<hbm>>
      tpu.enqueue_indirect_dma source(%dma_start3A_529 : memref<10000x128xf32, #tpu.memory_space<hbm>>) target(%arg15 : memref<128x128xf32, #tpu.memory_space<vmem>>) offsets(%dma_start3A_526 : memref<128xi32, #tpu.memory_space<vmem>>) semaphore(%arg23 : memref<!tpu.dma_semaphore, #tpu.memory_space<semaphore_mem>>)
      %dma_start3A_530 = arith.constant 0 : i32
      %dma_start3A_531 = arith.constant 0 : i32
      %dma_start3A_532 = tpu.memref_slice %arg13[%dma_start3A_530, %dma_start3A_531] : memref<8x128xi32, #tpu.memory_space<vmem>> -> memref<1x128xi32, #tpu.memory_space<vmem>>
      %dma_start3A_533 = tpu.memref_squeeze %dma_start3A_532 : memref<1x128xi32, #tpu.memory_space<vmem>> -> memref<128xi32, #tpu.memory_space<vmem>>
      %dma_start3A_534 = arith.constant 0 : i32
      %dma_start3A_535 = tpu.memref_slice %arg19[%dma_start3A_534] : memref<10240xf32, #tpu.memory_space<vmem_shared>> -> memref<10240xf32, #tpu.memory_space<vmem_shared>>
      tpu.enqueue_indirect_dma source(%arg16 : memref<128xf32, #tpu.memory_space<vmem>>) target(%dma_start3A_535 : memref<10240xf32, #tpu.memory_space<vmem_shared>>) offsets(%dma_start3A_533 : memref<128xi32, #tpu.memory_space<vmem>>) semaphore(%arg26 : memref<!tpu.dma_semaphore, #tpu.memory_space<semaphore_mem>>) {add = true}
      %dma_wait3A_536 = arith.constant 0 : i32
      %dma_wait3A_537 = arith.constant 0 : i32
      %dma_wait3A_538 = tpu.memref_slice %arg11[%dma_wait3A_536, %dma_wait3A_537] : memref<8x128xi32, #tpu.memory_space<vmem>> -> memref<1x128xi32, #tpu.memory_space<vmem>>
      %dma_wait3A_539 = tpu.memref_squeeze %dma_wait3A_538 : memref<1x128xi32, #tpu.memory_space<vmem>> -> memref<128xi32, #tpu.memory_space<vmem>>
      %dma_wait3A_540 = arith.constant 0 : i32
      %dma_wait3A_541 = arith.constant 0 : i32
      %dma_wait3A_542 = tpu.memref_slice %arg2[%dma_wait3A_540, %dma_wait3A_541] : memref<10000x128xf32, #tpu.memory_space<hbm>> -> memref<10000x128xf32, #tpu.memory_space<hbm>>
      tpu.wait_indirect_dma semaphore(%arg22 : memref<!tpu.dma_semaphore, #tpu.memory_space<semaphore_mem>>) src(%dma_wait3A_542 : memref<10000x128xf32, #tpu.memory_space<hbm>>) dst(%arg14 : memref<128x128xf32, #tpu.memory_space<vmem>>)
      %dma_start3A_543 = arith.constant 0 : i32
      %dma_start3A_544 = arith.constant 0 : i32
      %dma_start3A_545 = tpu.memref_slice %arg13[%dma_start3A_543, %dma_start3A_544] : memref<8x128xi32, #tpu.memory_space<vmem>> -> memref<1x128xi32, #tpu.memory_space<vmem>>
      %dma_start3A_546 = tpu.memref_squeeze %dma_start3A_545 : memref<1x128xi32, #tpu.memory_space<vmem>> -> memref<128xi32, #tpu.memory_space<vmem>>
      %dma_start3A_547 = arith.constant 0 : i32
      %dma_start3A_548 = arith.constant 0 : i32
      %dma_start3A_549 = tpu.memref_slice %arg18[%dma_start3A_547, %dma_start3A_548] : memref<10240x128xf32, #tpu.memory_space<vmem_shared>> -> memref<10240x128xf32, #tpu.memory_space<vmem_shared>>
      tpu.enqueue_indirect_dma source(%arg14 : memref<128x128xf32, #tpu.memory_space<vmem>>) target(%dma_start3A_549 : memref<10240x128xf32, #tpu.memory_space<vmem_shared>>) offsets(%dma_start3A_546 : memref<128xi32, #tpu.memory_space<vmem>>) semaphore(%arg24 : memref<!tpu.dma_semaphore, #tpu.memory_space<semaphore_mem>>) {add = true}
      %dma_wait3A_550 = arith.constant 0 : i32
      %dma_wait3A_551 = arith.constant 0 : i32
      %dma_wait3A_552 = tpu.memref_slice %arg13[%dma_wait3A_550, %dma_wait3A_551] : memref<8x128xi32, #tpu.memory_space<vmem>> -> memref<1x128xi32, #tpu.memory_space<vmem>>
      %dma_wait3A_553 = tpu.memref_squeeze %dma_wait3A_552 : memref<1x128xi32, #tpu.memory_space<vmem>> -> memref<128xi32, #tpu.memory_space<vmem>>
      %dma_wait3A_554 = arith.constant 0 : i32
      %dma_wait3A_555 = arith.constant 0 : i32
      %dma_wait3A_556 = tpu.memref_slice %arg18[%dma_wait3A_554, %dma_wait3A_555] : memref<10240x128xf32, #tpu.memory_space<vmem_shared>> -> memref<10240x128xf32, #tpu.memory_space<vmem_shared>>
      tpu.wait_indirect_dma semaphore(%arg24 : memref<!tpu.dma_semaphore, #tpu.memory_space<semaphore_mem>>) src(%arg14 : memref<128x128xf32, #tpu.memory_space<vmem>>) dst(%dma_wait3A_556 : memref<10240x128xf32, #tpu.memory_space<vmem_shared>>)
      %dma_start3A_557 = arith.constant 2 : i32
      %dma_start3A_558 = arith.constant 0 : i32
      %dma_start3A_559 = tpu.memref_slice %arg11[%dma_start3A_557, %dma_start3A_558] : memref<8x128xi32, #tpu.memory_space<vmem>> -> memref<1x128xi32, #tpu.memory_space<vmem>>
      %dma_start3A_560 = tpu.memref_squeeze %dma_start3A_559 : memref<1x128xi32, #tpu.memory_space<vmem>> -> memref<128xi32, #tpu.memory_space<vmem>>
      %dma_start3A_561 = arith.constant 0 : i32
      %dma_start3A_562 = arith.constant 0 : i32
      %dma_start3A_563 = tpu.memref_slice %arg2[%dma_start3A_561, %dma_start3A_562] : memref<10000x128xf32, #tpu.memory_space<hbm>> -> memref<10000x128xf32, #tpu.memory_space<hbm>>
      tpu.enqueue_indirect_dma source(%dma_start3A_563 : memref<10000x128xf32, #tpu.memory_space<hbm>>) target(%arg14 : memref<128x128xf32, #tpu.memory_space<vmem>>) offsets(%dma_start3A_560 : memref<128xi32, #tpu.memory_space<vmem>>) semaphore(%arg22 : memref<!tpu.dma_semaphore, #tpu.memory_space<semaphore_mem>>)
      %dma_wait3A_564 = arith.constant 0 : i32
      %dma_wait3A_565 = arith.constant 0 : i32
      %dma_wait3A_566 = tpu.memref_slice %arg13[%dma_wait3A_564, %dma_wait3A_565] : memref<8x128xi32, #tpu.memory_space<vmem>> -> memref<1x128xi32, #tpu.memory_space<vmem>>
      %dma_wait3A_567 = tpu.memref_squeeze %dma_wait3A_566 : memref<1x128xi32, #tpu.memory_space<vmem>> -> memref<128xi32, #tpu.memory_space<vmem>>
      %dma_wait3A_568 = arith.constant 0 : i32
      %dma_wait3A_569 = tpu.memref_slice %arg19[%dma_wait3A_568] : memref<10240xf32, #tpu.memory_space<vmem_shared>> -> memref<10240xf32, #tpu.memory_space<vmem_shared>>
      tpu.wait_indirect_dma semaphore(%arg26 : memref<!tpu.dma_semaphore, #tpu.memory_space<semaphore_mem>>) src(%arg16 : memref<128xf32, #tpu.memory_space<vmem>>) dst(%dma_wait3A_569 : memref<10240xf32, #tpu.memory_space<vmem_shared>>)
      %dma_start3A_570 = arith.constant 1 : i32
      %dma_start3A_571 = arith.constant 0 : i32
      %dma_start3A_572 = tpu.memref_slice %arg13[%dma_start3A_570, %dma_start3A_571] : memref<8x128xi32, #tpu.memory_space<vmem>> -> memref<1x128xi32, #tpu.memory_space<vmem>>
      %dma_start3A_573 = tpu.memref_squeeze %dma_start3A_572 : memref<1x128xi32, #tpu.memory_space<vmem>> -> memref<128xi32, #tpu.memory_space<vmem>>
      %dma_start3A_574 = arith.constant 0 : i32
      %dma_start3A_575 = tpu.memref_slice %arg19[%dma_start3A_574] : memref<10240xf32, #tpu.memory_space<vmem_shared>> -> memref<10240xf32, #tpu.memory_space<vmem_shared>>
      tpu.enqueue_indirect_dma source(%arg16 : memref<128xf32, #tpu.memory_space<vmem>>) target(%dma_start3A_575 : memref<10240xf32, #tpu.memory_space<vmem_shared>>) offsets(%dma_start3A_573 : memref<128xi32, #tpu.memory_space<vmem>>) semaphore(%arg27 : memref<!tpu.dma_semaphore, #tpu.memory_space<semaphore_mem>>) {add = true}
      %dma_wait3A_576 = arith.constant 1 : i32
      %dma_wait3A_577 = arith.constant 0 : i32
      %dma_wait3A_578 = tpu.memref_slice %arg11[%dma_wait3A_576, %dma_wait3A_577] : memref<8x128xi32, #tpu.memory_space<vmem>> -> memref<1x128xi32, #tpu.memory_space<vmem>>
      %dma_wait3A_579 = tpu.memref_squeeze %dma_wait3A_578 : memref<1x128xi32, #tpu.memory_space<vmem>> -> memref<128xi32, #tpu.memory_space<vmem>>
      %dma_wait3A_580 = arith.constant 0 : i32
      %dma_wait3A_581 = arith.constant 0 : i32
      %dma_wait3A_582 = tpu.memref_slice %arg2[%dma_wait3A_580, %dma_wait3A_581] : memref<10000x128xf32, #tpu.memory_space<hbm>> -> memref<10000x128xf32, #tpu.memory_space<hbm>>
      tpu.wait_indirect_dma semaphore(%arg23 : memref<!tpu.dma_semaphore, #tpu.memory_space<semaphore_mem>>) src(%dma_wait3A_582 : memref<10000x128xf32, #tpu.memory_space<hbm>>) dst(%arg15 : memref<128x128xf32, #tpu.memory_space<vmem>>)
      %dma_start3A_583 = arith.constant 1 : i32
      %dma_start3A_584 = arith.constant 0 : i32
      %dma_start3A_585 = tpu.memref_slice %arg13[%dma_start3A_583, %dma_start3A_584] : memref<8x128xi32, #tpu.memory_space<vmem>> -> memref<1x128xi32, #tpu.memory_space<vmem>>
      %dma_start3A_586 = tpu.memref_squeeze %dma_start3A_585 : memref<1x128xi32, #tpu.memory_space<vmem>> -> memref<128xi32, #tpu.memory_space<vmem>>
      %dma_start3A_587 = arith.constant 0 : i32
      %dma_start3A_588 = arith.constant 0 : i32
      %dma_start3A_589 = tpu.memref_slice %arg18[%dma_start3A_587, %dma_start3A_588] : memref<10240x128xf32, #tpu.memory_space<vmem_shared>> -> memref<10240x128xf32, #tpu.memory_space<vmem_shared>>
      tpu.enqueue_indirect_dma source(%arg15 : memref<128x128xf32, #tpu.memory_space<vmem>>) target(%dma_start3A_589 : memref<10240x128xf32, #tpu.memory_space<vmem_shared>>) offsets(%dma_start3A_586 : memref<128xi32, #tpu.memory_space<vmem>>) semaphore(%arg25 : memref<!tpu.dma_semaphore, #tpu.memory_space<semaphore_mem>>) {add = true}
      %dma_wait3A_590 = arith.constant 1 : i32
      %dma_wait3A_591 = arith.constant 0 : i32
      %dma_wait3A_592 = tpu.memref_slice %arg13[%dma_wait3A_590, %dma_wait3A_591] : memref<8x128xi32, #tpu.memory_space<vmem>> -> memref<1x128xi32, #tpu.memory_space<vmem>>
      %dma_wait3A_593 = tpu.memref_squeeze %dma_wait3A_592 : memref<1x128xi32, #tpu.memory_space<vmem>> -> memref<128xi32, #tpu.memory_space<vmem>>
      %dma_wait3A_594 = arith.constant 0 : i32
      %dma_wait3A_595 = arith.constant 0 : i32
      %dma_wait3A_596 = tpu.memref_slice %arg18[%dma_wait3A_594, %dma_wait3A_595] : memref<10240x128xf32, #tpu.memory_space<vmem_shared>> -> memref<10240x128xf32, #tpu.memory_space<vmem_shared>>
      tpu.wait_indirect_dma semaphore(%arg25 : memref<!tpu.dma_semaphore, #tpu.memory_space<semaphore_mem>>) src(%arg15 : memref<128x128xf32, #tpu.memory_space<vmem>>) dst(%dma_wait3A_596 : memref<10240x128xf32, #tpu.memory_space<vmem_shared>>)
      %dma_start3A_597 = arith.constant 3 : i32
      %dma_start3A_598 = arith.constant 0 : i32
      %dma_start3A_599 = tpu.memref_slice %arg11[%dma_start3A_597, %dma_start3A_598] : memref<8x128xi32, #tpu.memory_space<vmem>> -> memref<1x128xi32, #tpu.memory_space<vmem>>
      %dma_start3A_600 = tpu.memref_squeeze %dma_start3A_599 : memref<1x128xi32, #tpu.memory_space<vmem>> -> memref<128xi32, #tpu.memory_space<vmem>>
      %dma_start3A_601 = arith.constant 0 : i32
      %dma_start3A_602 = arith.constant 0 : i32
      %dma_start3A_603 = tpu.memref_slice %arg2[%dma_start3A_601, %dma_start3A_602] : memref<10000x128xf32, #tpu.memory_space<hbm>> -> memref<10000x128xf32, #tpu.memory_space<hbm>>
      tpu.enqueue_indirect_dma source(%dma_start3A_603 : memref<10000x128xf32, #tpu.memory_space<hbm>>) target(%arg15 : memref<128x128xf32, #tpu.memory_space<vmem>>) offsets(%dma_start3A_600 : memref<128xi32, #tpu.memory_space<vmem>>) semaphore(%arg23 : memref<!tpu.dma_semaphore, #tpu.memory_space<semaphore_mem>>)
      %dma_wait3A_604 = arith.constant 1 : i32
      %dma_wait3A_605 = arith.constant 0 : i32
      %dma_wait3A_606 = tpu.memref_slice %arg13[%dma_wait3A_604, %dma_wait3A_605] : memref<8x128xi32, #tpu.memory_space<vmem>> -> memref<1x128xi32, #tpu.memory_space<vmem>>
      %dma_wait3A_607 = tpu.memref_squeeze %dma_wait3A_606 : memref<1x128xi32, #tpu.memory_space<vmem>> -> memref<128xi32, #tpu.memory_space<vmem>>
      %dma_wait3A_608 = arith.constant 0 : i32
      %dma_wait3A_609 = tpu.memref_slice %arg19[%dma_wait3A_608] : memref<10240xf32, #tpu.memory_space<vmem_shared>> -> memref<10240xf32, #tpu.memory_space<vmem_shared>>
      tpu.wait_indirect_dma semaphore(%arg27 : memref<!tpu.dma_semaphore, #tpu.memory_space<semaphore_mem>>) src(%arg16 : memref<128xf32, #tpu.memory_space<vmem>>) dst(%dma_wait3A_609 : memref<10240xf32, #tpu.memory_space<vmem_shared>>)
      %dma_start3A_610 = arith.constant 2 : i32
      %dma_start3A_611 = arith.constant 0 : i32
      %dma_start3A_612 = tpu.memref_slice %arg13[%dma_start3A_610, %dma_start3A_611] : memref<8x128xi32, #tpu.memory_space<vmem>> -> memref<1x128xi32, #tpu.memory_space<vmem>>
      %dma_start3A_613 = tpu.memref_squeeze %dma_start3A_612 : memref<1x128xi32, #tpu.memory_space<vmem>> -> memref<128xi32, #tpu.memory_space<vmem>>
      %dma_start3A_614 = arith.constant 0 : i32
      %dma_start3A_615 = tpu.memref_slice %arg19[%dma_start3A_614] : memref<10240xf32, #tpu.memory_space<vmem_shared>> -> memref<10240xf32, #tpu.memory_space<vmem_shared>>
      tpu.enqueue_indirect_dma source(%arg16 : memref<128xf32, #tpu.memory_space<vmem>>) target(%dma_start3A_615 : memref<10240xf32, #tpu.memory_space<vmem_shared>>) offsets(%dma_start3A_613 : memref<128xi32, #tpu.memory_space<vmem>>) semaphore(%arg26 : memref<!tpu.dma_semaphore, #tpu.memory_space<semaphore_mem>>) {add = true}
      %dma_wait3A_616 = arith.constant 2 : i32
      %dma_wait3A_617 = arith.constant 0 : i32
      %dma_wait3A_618 = tpu.memref_slice %arg11[%dma_wait3A_616, %dma_wait3A_617] : memref<8x128xi32, #tpu.memory_space<vmem>> -> memref<1x128xi32, #tpu.memory_space<vmem>>
      %dma_wait3A_619 = tpu.memref_squeeze %dma_wait3A_618 : memref<1x128xi32, #tpu.memory_space<vmem>> -> memref<128xi32, #tpu.memory_space<vmem>>
      %dma_wait3A_620 = arith.constant 0 : i32
      %dma_wait3A_621 = arith.constant 0 : i32
      %dma_wait3A_622 = tpu.memref_slice %arg2[%dma_wait3A_620, %dma_wait3A_621] : memref<10000x128xf32, #tpu.memory_space<hbm>> -> memref<10000x128xf32, #tpu.memory_space<hbm>>
      tpu.wait_indirect_dma semaphore(%arg22 : memref<!tpu.dma_semaphore, #tpu.memory_space<semaphore_mem>>) src(%dma_wait3A_622 : memref<10000x128xf32, #tpu.memory_space<hbm>>) dst(%arg14 : memref<128x128xf32, #tpu.memory_space<vmem>>)
      %dma_start3A_623 = arith.constant 2 : i32
      %dma_start3A_624 = arith.constant 0 : i32
      %dma_start3A_625 = tpu.memref_slice %arg13[%dma_start3A_623, %dma_start3A_624] : memref<8x128xi32, #tpu.memory_space<vmem>> -> memref<1x128xi32, #tpu.memory_space<vmem>>
      %dma_start3A_626 = tpu.memref_squeeze %dma_start3A_625 : memref<1x128xi32, #tpu.memory_space<vmem>> -> memref<128xi32, #tpu.memory_space<vmem>>
      %dma_start3A_627 = arith.constant 0 : i32
      %dma_start3A_628 = arith.constant 0 : i32
      %dma_start3A_629 = tpu.memref_slice %arg18[%dma_start3A_627, %dma_start3A_628] : memref<10240x128xf32, #tpu.memory_space<vmem_shared>> -> memref<10240x128xf32, #tpu.memory_space<vmem_shared>>
      tpu.enqueue_indirect_dma source(%arg14 : memref<128x128xf32, #tpu.memory_space<vmem>>) target(%dma_start3A_629 : memref<10240x128xf32, #tpu.memory_space<vmem_shared>>) offsets(%dma_start3A_626 : memref<128xi32, #tpu.memory_space<vmem>>) semaphore(%arg24 : memref<!tpu.dma_semaphore, #tpu.memory_space<semaphore_mem>>) {add = true}
      %dma_wait3A_630 = arith.constant 2 : i32
      %dma_wait3A_631 = arith.constant 0 : i32
      %dma_wait3A_632 = tpu.memref_slice %arg13[%dma_wait3A_630, %dma_wait3A_631] : memref<8x128xi32, #tpu.memory_space<vmem>> -> memref<1x128xi32, #tpu.memory_space<vmem>>
      %dma_wait3A_633 = tpu.memref_squeeze %dma_wait3A_632 : memref<1x128xi32, #tpu.memory_space<vmem>> -> memref<128xi32, #tpu.memory_space<vmem>>
      %dma_wait3A_634 = arith.constant 0 : i32
      %dma_wait3A_635 = arith.constant 0 : i32
      %dma_wait3A_636 = tpu.memref_slice %arg18[%dma_wait3A_634, %dma_wait3A_635] : memref<10240x128xf32, #tpu.memory_space<vmem_shared>> -> memref<10240x128xf32, #tpu.memory_space<vmem_shared>>
      tpu.wait_indirect_dma semaphore(%arg24 : memref<!tpu.dma_semaphore, #tpu.memory_space<semaphore_mem>>) src(%arg14 : memref<128x128xf32, #tpu.memory_space<vmem>>) dst(%dma_wait3A_636 : memref<10240x128xf32, #tpu.memory_space<vmem_shared>>)
      %dma_start3A_637 = arith.constant 4 : i32
      %dma_start3A_638 = arith.constant 0 : i32
      %dma_start3A_639 = tpu.memref_slice %arg11[%dma_start3A_637, %dma_start3A_638] : memref<8x128xi32, #tpu.memory_space<vmem>> -> memref<1x128xi32, #tpu.memory_space<vmem>>
      %dma_start3A_640 = tpu.memref_squeeze %dma_start3A_639 : memref<1x128xi32, #tpu.memory_space<vmem>> -> memref<128xi32, #tpu.memory_space<vmem>>
      %dma_start3A_641 = arith.constant 0 : i32
      %dma_start3A_642 = arith.constant 0 : i32
      %dma_start3A_643 = tpu.memref_slice %arg2[%dma_start3A_641, %dma_start3A_642] : memref<10000x128xf32, #tpu.memory_space<hbm>> -> memref<10000x128xf32, #tpu.memory_space<hbm>>
      tpu.enqueue_indirect_dma source(%dma_start3A_643 : memref<10000x128xf32, #tpu.memory_space<hbm>>) target(%arg14 : memref<128x128xf32, #tpu.memory_space<vmem>>) offsets(%dma_start3A_640 : memref<128xi32, #tpu.memory_space<vmem>>) semaphore(%arg22 : memref<!tpu.dma_semaphore, #tpu.memory_space<semaphore_mem>>)
      %dma_wait3A_644 = arith.constant 2 : i32
      %dma_wait3A_645 = arith.constant 0 : i32
      %dma_wait3A_646 = tpu.memref_slice %arg13[%dma_wait3A_644, %dma_wait3A_645] : memref<8x128xi32, #tpu.memory_space<vmem>> -> memref<1x128xi32, #tpu.memory_space<vmem>>
      %dma_wait3A_647 = tpu.memref_squeeze %dma_wait3A_646 : memref<1x128xi32, #tpu.memory_space<vmem>> -> memref<128xi32, #tpu.memory_space<vmem>>
      %dma_wait3A_648 = arith.constant 0 : i32
      %dma_wait3A_649 = tpu.memref_slice %arg19[%dma_wait3A_648] : memref<10240xf32, #tpu.memory_space<vmem_shared>> -> memref<10240xf32, #tpu.memory_space<vmem_shared>>
      tpu.wait_indirect_dma semaphore(%arg26 : memref<!tpu.dma_semaphore, #tpu.memory_space<semaphore_mem>>) src(%arg16 : memref<128xf32, #tpu.memory_space<vmem>>) dst(%dma_wait3A_649 : memref<10240xf32, #tpu.memory_space<vmem_shared>>)
      %dma_start3A_650 = arith.constant 3 : i32
      %dma_start3A_651 = arith.constant 0 : i32
      %dma_start3A_652 = tpu.memref_slice %arg13[%dma_start3A_650, %dma_start3A_651] : memref<8x128xi32, #tpu.memory_space<vmem>> -> memref<1x128xi32, #tpu.memory_space<vmem>>
      %dma_start3A_653 = tpu.memref_squeeze %dma_start3A_652 : memref<1x128xi32, #tpu.memory_space<vmem>> -> memref<128xi32, #tpu.memory_space<vmem>>
      %dma_start3A_654 = arith.constant 0 : i32
      %dma_start3A_655 = tpu.memref_slice %arg19[%dma_start3A_654] : memref<10240xf32, #tpu.memory_space<vmem_shared>> -> memref<10240xf32, #tpu.memory_space<vmem_shared>>
      tpu.enqueue_indirect_dma source(%arg16 : memref<128xf32, #tpu.memory_space<vmem>>) target(%dma_start3A_655 : memref<10240xf32, #tpu.memory_space<vmem_shared>>) offsets(%dma_start3A_653 : memref<128xi32, #tpu.memory_space<vmem>>) semaphore(%arg27 : memref<!tpu.dma_semaphore, #tpu.memory_space<semaphore_mem>>) {add = true}
      %dma_wait3A_656 = arith.constant 3 : i32
      %dma_wait3A_657 = arith.constant 0 : i32
      %dma_wait3A_658 = tpu.memref_slice %arg11[%dma_wait3A_656, %dma_wait3A_657] : memref<8x128xi32, #tpu.memory_space<vmem>> -> memref<1x128xi32, #tpu.memory_space<vmem>>
      %dma_wait3A_659 = tpu.memref_squeeze %dma_wait3A_658 : memref<1x128xi32, #tpu.memory_space<vmem>> -> memref<128xi32, #tpu.memory_space<vmem>>
      %dma_wait3A_660 = arith.constant 0 : i32
      %dma_wait3A_661 = arith.constant 0 : i32
      %dma_wait3A_662 = tpu.memref_slice %arg2[%dma_wait3A_660, %dma_wait3A_661] : memref<10000x128xf32, #tpu.memory_space<hbm>> -> memref<10000x128xf32, #tpu.memory_space<hbm>>
      tpu.wait_indirect_dma semaphore(%arg23 : memref<!tpu.dma_semaphore, #tpu.memory_space<semaphore_mem>>) src(%dma_wait3A_662 : memref<10000x128xf32, #tpu.memory_space<hbm>>) dst(%arg15 : memref<128x128xf32, #tpu.memory_space<vmem>>)
      %dma_start3A_663 = arith.constant 3 : i32
      %dma_start3A_664 = arith.constant 0 : i32
      %dma_start3A_665 = tpu.memref_slice %arg13[%dma_start3A_663, %dma_start3A_664] : memref<8x128xi32, #tpu.memory_space<vmem>> -> memref<1x128xi32, #tpu.memory_space<vmem>>
      %dma_start3A_666 = tpu.memref_squeeze %dma_start3A_665 : memref<1x128xi32, #tpu.memory_space<vmem>> -> memref<128xi32, #tpu.memory_space<vmem>>
      %dma_start3A_667 = arith.constant 0 : i32
      %dma_start3A_668 = arith.constant 0 : i32
      %dma_start3A_669 = tpu.memref_slice %arg18[%dma_start3A_667, %dma_start3A_668] : memref<10240x128xf32, #tpu.memory_space<vmem_shared>> -> memref<10240x128xf32, #tpu.memory_space<vmem_shared>>
      tpu.enqueue_indirect_dma source(%arg15 : memref<128x128xf32, #tpu.memory_space<vmem>>) target(%dma_start3A_669 : memref<10240x128xf32, #tpu.memory_space<vmem_shared>>) offsets(%dma_start3A_666 : memref<128xi32, #tpu.memory_space<vmem>>) semaphore(%arg25 : memref<!tpu.dma_semaphore, #tpu.memory_space<semaphore_mem>>) {add = true}
      %dma_wait3A_670 = arith.constant 3 : i32
      %dma_wait3A_671 = arith.constant 0 : i32
      %dma_wait3A_672 = tpu.memref_slice %arg13[%dma_wait3A_670, %dma_wait3A_671] : memref<8x128xi32, #tpu.memory_space<vmem>> -> memref<1x128xi32, #tpu.memory_space<vmem>>
      %dma_wait3A_673 = tpu.memref_squeeze %dma_wait3A_672 : memref<1x128xi32, #tpu.memory_space<vmem>> -> memref<128xi32, #tpu.memory_space<vmem>>
      %dma_wait3A_674 = arith.constant 0 : i32
      %dma_wait3A_675 = arith.constant 0 : i32
      %dma_wait3A_676 = tpu.memref_slice %arg18[%dma_wait3A_674, %dma_wait3A_675] : memref<10240x128xf32, #tpu.memory_space<vmem_shared>> -> memref<10240x128xf32, #tpu.memory_space<vmem_shared>>
      tpu.wait_indirect_dma semaphore(%arg25 : memref<!tpu.dma_semaphore, #tpu.memory_space<semaphore_mem>>) src(%arg15 : memref<128x128xf32, #tpu.memory_space<vmem>>) dst(%dma_wait3A_676 : memref<10240x128xf32, #tpu.memory_space<vmem_shared>>)
      %dma_start3A_677 = arith.constant 5 : i32
      %dma_start3A_678 = arith.constant 0 : i32
      %dma_start3A_679 = tpu.memref_slice %arg11[%dma_start3A_677, %dma_start3A_678] : memref<8x128xi32, #tpu.memory_space<vmem>> -> memref<1x128xi32, #tpu.memory_space<vmem>>
      %dma_start3A_680 = tpu.memref_squeeze %dma_start3A_679 : memref<1x128xi32, #tpu.memory_space<vmem>> -> memref<128xi32, #tpu.memory_space<vmem>>
      %dma_start3A_681 = arith.constant 0 : i32
      %dma_start3A_682 = arith.constant 0 : i32
      %dma_start3A_683 = tpu.memref_slice %arg2[%dma_start3A_681, %dma_start3A_682] : memref<10000x128xf32, #tpu.memory_space<hbm>> -> memref<10000x128xf32, #tpu.memory_space<hbm>>
      tpu.enqueue_indirect_dma source(%dma_start3A_683 : memref<10000x128xf32, #tpu.memory_space<hbm>>) target(%arg15 : memref<128x128xf32, #tpu.memory_space<vmem>>) offsets(%dma_start3A_680 : memref<128xi32, #tpu.memory_space<vmem>>) semaphore(%arg23 : memref<!tpu.dma_semaphore, #tpu.memory_space<semaphore_mem>>)
      %dma_wait3A_684 = arith.constant 3 : i32
      %dma_wait3A_685 = arith.constant 0 : i32
      %dma_wait3A_686 = tpu.memref_slice %arg13[%dma_wait3A_684, %dma_wait3A_685] : memref<8x128xi32, #tpu.memory_space<vmem>> -> memref<1x128xi32, #tpu.memory_space<vmem>>
      %dma_wait3A_687 = tpu.memref_squeeze %dma_wait3A_686 : memref<1x128xi32, #tpu.memory_space<vmem>> -> memref<128xi32, #tpu.memory_space<vmem>>
      %dma_wait3A_688 = arith.constant 0 : i32
      %dma_wait3A_689 = tpu.memref_slice %arg19[%dma_wait3A_688] : memref<10240xf32, #tpu.memory_space<vmem_shared>> -> memref<10240xf32, #tpu.memory_space<vmem_shared>>
      tpu.wait_indirect_dma semaphore(%arg27 : memref<!tpu.dma_semaphore, #tpu.memory_space<semaphore_mem>>) src(%arg16 : memref<128xf32, #tpu.memory_space<vmem>>) dst(%dma_wait3A_689 : memref<10240xf32, #tpu.memory_space<vmem_shared>>)
      %dma_start3A_690 = arith.constant 4 : i32
      %dma_start3A_691 = arith.constant 0 : i32
      %dma_start3A_692 = tpu.memref_slice %arg13[%dma_start3A_690, %dma_start3A_691] : memref<8x128xi32, #tpu.memory_space<vmem>> -> memref<1x128xi32, #tpu.memory_space<vmem>>
      %dma_start3A_693 = tpu.memref_squeeze %dma_start3A_692 : memref<1x128xi32, #tpu.memory_space<vmem>> -> memref<128xi32, #tpu.memory_space<vmem>>
      %dma_start3A_694 = arith.constant 0 : i32
      %dma_start3A_695 = tpu.memref_slice %arg19[%dma_start3A_694] : memref<10240xf32, #tpu.memory_space<vmem_shared>> -> memref<10240xf32, #tpu.memory_space<vmem_shared>>
      tpu.enqueue_indirect_dma source(%arg16 : memref<128xf32, #tpu.memory_space<vmem>>) target(%dma_start3A_695 : memref<10240xf32, #tpu.memory_space<vmem_shared>>) offsets(%dma_start3A_693 : memref<128xi32, #tpu.memory_space<vmem>>) semaphore(%arg26 : memref<!tpu.dma_semaphore, #tpu.memory_space<semaphore_mem>>) {add = true}
      %dma_wait3A_696 = arith.constant 4 : i32
      %dma_wait3A_697 = arith.constant 0 : i32
      %dma_wait3A_698 = tpu.memref_slice %arg11[%dma_wait3A_696, %dma_wait3A_697] : memref<8x128xi32, #tpu.memory_space<vmem>> -> memref<1x128xi32, #tpu.memory_space<vmem>>
      %dma_wait3A_699 = tpu.memref_squeeze %dma_wait3A_698 : memref<1x128xi32, #tpu.memory_space<vmem>> -> memref<128xi32, #tpu.memory_space<vmem>>
      %dma_wait3A_700 = arith.constant 0 : i32
      %dma_wait3A_701 = arith.constant 0 : i32
      %dma_wait3A_702 = tpu.memref_slice %arg2[%dma_wait3A_700, %dma_wait3A_701] : memref<10000x128xf32, #tpu.memory_space<hbm>> -> memref<10000x128xf32, #tpu.memory_space<hbm>>
      tpu.wait_indirect_dma semaphore(%arg22 : memref<!tpu.dma_semaphore, #tpu.memory_space<semaphore_mem>>) src(%dma_wait3A_702 : memref<10000x128xf32, #tpu.memory_space<hbm>>) dst(%arg14 : memref<128x128xf32, #tpu.memory_space<vmem>>)
      %dma_start3A_703 = arith.constant 4 : i32
      %dma_start3A_704 = arith.constant 0 : i32
      %dma_start3A_705 = tpu.memref_slice %arg13[%dma_start3A_703, %dma_start3A_704] : memref<8x128xi32, #tpu.memory_space<vmem>> -> memref<1x128xi32, #tpu.memory_space<vmem>>
      %dma_start3A_706 = tpu.memref_squeeze %dma_start3A_705 : memref<1x128xi32, #tpu.memory_space<vmem>> -> memref<128xi32, #tpu.memory_space<vmem>>
      %dma_start3A_707 = arith.constant 0 : i32
      %dma_start3A_708 = arith.constant 0 : i32
      %dma_start3A_709 = tpu.memref_slice %arg18[%dma_start3A_707, %dma_start3A_708] : memref<10240x128xf32, #tpu.memory_space<vmem_shared>> -> memref<10240x128xf32, #tpu.memory_space<vmem_shared>>
      tpu.enqueue_indirect_dma source(%arg14 : memref<128x128xf32, #tpu.memory_space<vmem>>) target(%dma_start3A_709 : memref<10240x128xf32, #tpu.memory_space<vmem_shared>>) offsets(%dma_start3A_706 : memref<128xi32, #tpu.memory_space<vmem>>) semaphore(%arg24 : memref<!tpu.dma_semaphore, #tpu.memory_space<semaphore_mem>>) {add = true}
      %dma_wait3A_710 = arith.constant 4 : i32
      %dma_wait3A_711 = arith.constant 0 : i32
      %dma_wait3A_712 = tpu.memref_slice %arg13[%dma_wait3A_710, %dma_wait3A_711] : memref<8x128xi32, #tpu.memory_space<vmem>> -> memref<1x128xi32, #tpu.memory_space<vmem>>
      %dma_wait3A_713 = tpu.memref_squeeze %dma_wait3A_712 : memref<1x128xi32, #tpu.memory_space<vmem>> -> memref<128xi32, #tpu.memory_space<vmem>>
      %dma_wait3A_714 = arith.constant 0 : i32
      %dma_wait3A_715 = arith.constant 0 : i32
      %dma_wait3A_716 = tpu.memref_slice %arg18[%dma_wait3A_714, %dma_wait3A_715] : memref<10240x128xf32, #tpu.memory_space<vmem_shared>> -> memref<10240x128xf32, #tpu.memory_space<vmem_shared>>
      tpu.wait_indirect_dma semaphore(%arg24 : memref<!tpu.dma_semaphore, #tpu.memory_space<semaphore_mem>>) src(%arg14 : memref<128x128xf32, #tpu.memory_space<vmem>>) dst(%dma_wait3A_716 : memref<10240x128xf32, #tpu.memory_space<vmem_shared>>)
      %dma_start3A_717 = arith.constant 6 : i32
      %dma_start3A_718 = arith.constant 0 : i32
      %dma_start3A_719 = tpu.memref_slice %arg11[%dma_start3A_717, %dma_start3A_718] : memref<8x128xi32, #tpu.memory_space<vmem>> -> memref<1x128xi32, #tpu.memory_space<vmem>>
      %dma_start3A_720 = tpu.memref_squeeze %dma_start3A_719 : memref<1x128xi32, #tpu.memory_space<vmem>> -> memref<128xi32, #tpu.memory_space<vmem>>
      %dma_start3A_721 = arith.constant 0 : i32
      %dma_start3A_722 = arith.constant 0 : i32
      %dma_start3A_723 = tpu.memref_slice %arg2[%dma_start3A_721, %dma_start3A_722] : memref<10000x128xf32, #tpu.memory_space<hbm>> -> memref<10000x128xf32, #tpu.memory_space<hbm>>
      tpu.enqueue_indirect_dma source(%dma_start3A_723 : memref<10000x128xf32, #tpu.memory_space<hbm>>) target(%arg14 : memref<128x128xf32, #tpu.memory_space<vmem>>) offsets(%dma_start3A_720 : memref<128xi32, #tpu.memory_space<vmem>>) semaphore(%arg22 : memref<!tpu.dma_semaphore, #tpu.memory_space<semaphore_mem>>)
      %dma_wait3A_724 = arith.constant 4 : i32
      %dma_wait3A_725 = arith.constant 0 : i32
      %dma_wait3A_726 = tpu.memref_slice %arg13[%dma_wait3A_724, %dma_wait3A_725] : memref<8x128xi32, #tpu.memory_space<vmem>> -> memref<1x128xi32, #tpu.memory_space<vmem>>
      %dma_wait3A_727 = tpu.memref_squeeze %dma_wait3A_726 : memref<1x128xi32, #tpu.memory_space<vmem>> -> memref<128xi32, #tpu.memory_space<vmem>>
      %dma_wait3A_728 = arith.constant 0 : i32
      %dma_wait3A_729 = tpu.memref_slice %arg19[%dma_wait3A_728] : memref<10240xf32, #tpu.memory_space<vmem_shared>> -> memref<10240xf32, #tpu.memory_space<vmem_shared>>
      tpu.wait_indirect_dma semaphore(%arg26 : memref<!tpu.dma_semaphore, #tpu.memory_space<semaphore_mem>>) src(%arg16 : memref<128xf32, #tpu.memory_space<vmem>>) dst(%dma_wait3A_729 : memref<10240xf32, #tpu.memory_space<vmem_shared>>)
      %dma_start3A_730 = arith.constant 5 : i32
      %dma_start3A_731 = arith.constant 0 : i32
      %dma_start3A_732 = tpu.memref_slice %arg13[%dma_start3A_730, %dma_start3A_731] : memref<8x128xi32, #tpu.memory_space<vmem>> -> memref<1x128xi32, #tpu.memory_space<vmem>>
      %dma_start3A_733 = tpu.memref_squeeze %dma_start3A_732 : memref<1x128xi32, #tpu.memory_space<vmem>> -> memref<128xi32, #tpu.memory_space<vmem>>
      %dma_start3A_734 = arith.constant 0 : i32
      %dma_start3A_735 = tpu.memref_slice %arg19[%dma_start3A_734] : memref<10240xf32, #tpu.memory_space<vmem_shared>> -> memref<10240xf32, #tpu.memory_space<vmem_shared>>
      tpu.enqueue_indirect_dma source(%arg16 : memref<128xf32, #tpu.memory_space<vmem>>) target(%dma_start3A_735 : memref<10240xf32, #tpu.memory_space<vmem_shared>>) offsets(%dma_start3A_733 : memref<128xi32, #tpu.memory_space<vmem>>) semaphore(%arg27 : memref<!tpu.dma_semaphore, #tpu.memory_space<semaphore_mem>>) {add = true}
      %dma_wait3A_736 = arith.constant 5 : i32
      %dma_wait3A_737 = arith.constant 0 : i32
      %dma_wait3A_738 = tpu.memref_slice %arg11[%dma_wait3A_736, %dma_wait3A_737] : memref<8x128xi32, #tpu.memory_space<vmem>> -> memref<1x128xi32, #tpu.memory_space<vmem>>
      %dma_wait3A_739 = tpu.memref_squeeze %dma_wait3A_738 : memref<1x128xi32, #tpu.memory_space<vmem>> -> memref<128xi32, #tpu.memory_space<vmem>>
      %dma_wait3A_740 = arith.constant 0 : i32
      %dma_wait3A_741 = arith.constant 0 : i32
      %dma_wait3A_742 = tpu.memref_slice %arg2[%dma_wait3A_740, %dma_wait3A_741] : memref<10000x128xf32, #tpu.memory_space<hbm>> -> memref<10000x128xf32, #tpu.memory_space<hbm>>
      tpu.wait_indirect_dma semaphore(%arg23 : memref<!tpu.dma_semaphore, #tpu.memory_space<semaphore_mem>>) src(%dma_wait3A_742 : memref<10000x128xf32, #tpu.memory_space<hbm>>) dst(%arg15 : memref<128x128xf32, #tpu.memory_space<vmem>>)
      %dma_start3A_743 = arith.constant 5 : i32
      %dma_start3A_744 = arith.constant 0 : i32
      %dma_start3A_745 = tpu.memref_slice %arg13[%dma_start3A_743, %dma_start3A_744] : memref<8x128xi32, #tpu.memory_space<vmem>> -> memref<1x128xi32, #tpu.memory_space<vmem>>
      %dma_start3A_746 = tpu.memref_squeeze %dma_start3A_745 : memref<1x128xi32, #tpu.memory_space<vmem>> -> memref<128xi32, #tpu.memory_space<vmem>>
      %dma_start3A_747 = arith.constant 0 : i32
      %dma_start3A_748 = arith.constant 0 : i32
      %dma_start3A_749 = tpu.memref_slice %arg18[%dma_start3A_747, %dma_start3A_748] : memref<10240x128xf32, #tpu.memory_space<vmem_shared>> -> memref<10240x128xf32, #tpu.memory_space<vmem_shared>>
      tpu.enqueue_indirect_dma source(%arg15 : memref<128x128xf32, #tpu.memory_space<vmem>>) target(%dma_start3A_749 : memref<10240x128xf32, #tpu.memory_space<vmem_shared>>) offsets(%dma_start3A_746 : memref<128xi32, #tpu.memory_space<vmem>>) semaphore(%arg25 : memref<!tpu.dma_semaphore, #tpu.memory_space<semaphore_mem>>) {add = true}
      %dma_wait3A_750 = arith.constant 5 : i32
      %dma_wait3A_751 = arith.constant 0 : i32
      %dma_wait3A_752 = tpu.memref_slice %arg13[%dma_wait3A_750, %dma_wait3A_751] : memref<8x128xi32, #tpu.memory_space<vmem>> -> memref<1x128xi32, #tpu.memory_space<vmem>>
      %dma_wait3A_753 = tpu.memref_squeeze %dma_wait3A_752 : memref<1x128xi32, #tpu.memory_space<vmem>> -> memref<128xi32, #tpu.memory_space<vmem>>
      %dma_wait3A_754 = arith.constant 0 : i32
      %dma_wait3A_755 = arith.constant 0 : i32
      %dma_wait3A_756 = tpu.memref_slice %arg18[%dma_wait3A_754, %dma_wait3A_755] : memref<10240x128xf32, #tpu.memory_space<vmem_shared>> -> memref<10240x128xf32, #tpu.memory_space<vmem_shared>>
      tpu.wait_indirect_dma semaphore(%arg25 : memref<!tpu.dma_semaphore, #tpu.memory_space<semaphore_mem>>) src(%arg15 : memref<128x128xf32, #tpu.memory_space<vmem>>) dst(%dma_wait3A_756 : memref<10240x128xf32, #tpu.memory_space<vmem_shared>>)
      %dma_start3A_757 = arith.constant 7 : i32
      %dma_start3A_758 = arith.constant 0 : i32
      %dma_start3A_759 = tpu.memref_slice %arg11[%dma_start3A_757, %dma_start3A_758] : memref<8x128xi32, #tpu.memory_space<vmem>> -> memref<1x128xi32, #tpu.memory_space<vmem>>
      %dma_start3A_760 = tpu.memref_squeeze %dma_start3A_759 : memref<1x128xi32, #tpu.memory_space<vmem>> -> memref<128xi32, #tpu.memory_space<vmem>>
      %dma_start3A_761 = arith.constant 0 : i32
      %dma_start3A_762 = arith.constant 0 : i32
      %dma_start3A_763 = tpu.memref_slice %arg2[%dma_start3A_761, %dma_start3A_762] : memref<10000x128xf32, #tpu.memory_space<hbm>> -> memref<10000x128xf32, #tpu.memory_space<hbm>>
      tpu.enqueue_indirect_dma source(%dma_start3A_763 : memref<10000x128xf32, #tpu.memory_space<hbm>>) target(%arg15 : memref<128x128xf32, #tpu.memory_space<vmem>>) offsets(%dma_start3A_760 : memref<128xi32, #tpu.memory_space<vmem>>) semaphore(%arg23 : memref<!tpu.dma_semaphore, #tpu.memory_space<semaphore_mem>>)
      %dma_wait3A_764 = arith.constant 5 : i32
      %dma_wait3A_765 = arith.constant 0 : i32
      %dma_wait3A_766 = tpu.memref_slice %arg13[%dma_wait3A_764, %dma_wait3A_765] : memref<8x128xi32, #tpu.memory_space<vmem>> -> memref<1x128xi32, #tpu.memory_space<vmem>>
      %dma_wait3A_767 = tpu.memref_squeeze %dma_wait3A_766 : memref<1x128xi32, #tpu.memory_space<vmem>> -> memref<128xi32, #tpu.memory_space<vmem>>
      %dma_wait3A_768 = arith.constant 0 : i32
      %dma_wait3A_769 = tpu.memref_slice %arg19[%dma_wait3A_768] : memref<10240xf32, #tpu.memory_space<vmem_shared>> -> memref<10240xf32, #tpu.memory_space<vmem_shared>>
      tpu.wait_indirect_dma semaphore(%arg27 : memref<!tpu.dma_semaphore, #tpu.memory_space<semaphore_mem>>) src(%arg16 : memref<128xf32, #tpu.memory_space<vmem>>) dst(%dma_wait3A_769 : memref<10240xf32, #tpu.memory_space<vmem_shared>>)
      %dma_start3A_770 = arith.constant 6 : i32
      %dma_start3A_771 = arith.constant 0 : i32
      %dma_start3A_772 = tpu.memref_slice %arg13[%dma_start3A_770, %dma_start3A_771] : memref<8x128xi32, #tpu.memory_space<vmem>> -> memref<1x128xi32, #tpu.memory_space<vmem>>
      %dma_start3A_773 = tpu.memref_squeeze %dma_start3A_772 : memref<1x128xi32, #tpu.memory_space<vmem>> -> memref<128xi32, #tpu.memory_space<vmem>>
      %dma_start3A_774 = arith.constant 0 : i32
      %dma_start3A_775 = tpu.memref_slice %arg19[%dma_start3A_774] : memref<10240xf32, #tpu.memory_space<vmem_shared>> -> memref<10240xf32, #tpu.memory_space<vmem_shared>>
      tpu.enqueue_indirect_dma source(%arg16 : memref<128xf32, #tpu.memory_space<vmem>>) target(%dma_start3A_775 : memref<10240xf32, #tpu.memory_space<vmem_shared>>) offsets(%dma_start3A_773 : memref<128xi32, #tpu.memory_space<vmem>>) semaphore(%arg26 : memref<!tpu.dma_semaphore, #tpu.memory_space<semaphore_mem>>) {add = true}
      %dma_wait3A_776 = arith.constant 6 : i32
      %dma_wait3A_777 = arith.constant 0 : i32
      %dma_wait3A_778 = tpu.memref_slice %arg11[%dma_wait3A_776, %dma_wait3A_777] : memref<8x128xi32, #tpu.memory_space<vmem>> -> memref<1x128xi32, #tpu.memory_space<vmem>>
      %dma_wait3A_779 = tpu.memref_squeeze %dma_wait3A_778 : memref<1x128xi32, #tpu.memory_space<vmem>> -> memref<128xi32, #tpu.memory_space<vmem>>
      %dma_wait3A_780 = arith.constant 0 : i32
      %dma_wait3A_781 = arith.constant 0 : i32
      %dma_wait3A_782 = tpu.memref_slice %arg2[%dma_wait3A_780, %dma_wait3A_781] : memref<10000x128xf32, #tpu.memory_space<hbm>> -> memref<10000x128xf32, #tpu.memory_space<hbm>>
      tpu.wait_indirect_dma semaphore(%arg22 : memref<!tpu.dma_semaphore, #tpu.memory_space<semaphore_mem>>) src(%dma_wait3A_782 : memref<10000x128xf32, #tpu.memory_space<hbm>>) dst(%arg14 : memref<128x128xf32, #tpu.memory_space<vmem>>)
      %dma_start3A_783 = arith.constant 6 : i32
      %dma_start3A_784 = arith.constant 0 : i32
      %dma_start3A_785 = tpu.memref_slice %arg13[%dma_start3A_783, %dma_start3A_784] : memref<8x128xi32, #tpu.memory_space<vmem>> -> memref<1x128xi32, #tpu.memory_space<vmem>>
      %dma_start3A_786 = tpu.memref_squeeze %dma_start3A_785 : memref<1x128xi32, #tpu.memory_space<vmem>> -> memref<128xi32, #tpu.memory_space<vmem>>
      %dma_start3A_787 = arith.constant 0 : i32
      %dma_start3A_788 = arith.constant 0 : i32
      %dma_start3A_789 = tpu.memref_slice %arg18[%dma_start3A_787, %dma_start3A_788] : memref<10240x128xf32, #tpu.memory_space<vmem_shared>> -> memref<10240x128xf32, #tpu.memory_space<vmem_shared>>
      tpu.enqueue_indirect_dma source(%arg14 : memref<128x128xf32, #tpu.memory_space<vmem>>) target(%dma_start3A_789 : memref<10240x128xf32, #tpu.memory_space<vmem_shared>>) offsets(%dma_start3A_786 : memref<128xi32, #tpu.memory_space<vmem>>) semaphore(%arg24 : memref<!tpu.dma_semaphore, #tpu.memory_space<semaphore_mem>>) {add = true}
      %dma_wait3A_790 = arith.constant 6 : i32
      %dma_wait3A_791 = arith.constant 0 : i32
      %dma_wait3A_792 = tpu.memref_slice %arg13[%dma_wait3A_790, %dma_wait3A_791] : memref<8x128xi32, #tpu.memory_space<vmem>> -> memref<1x128xi32, #tpu.memory_space<vmem>>
      %dma_wait3A_793 = tpu.memref_squeeze %dma_wait3A_792 : memref<1x128xi32, #tpu.memory_space<vmem>> -> memref<128xi32, #tpu.memory_space<vmem>>
      %dma_wait3A_794 = arith.constant 0 : i32
      %dma_wait3A_795 = arith.constant 0 : i32
      %dma_wait3A_796 = tpu.memref_slice %arg18[%dma_wait3A_794, %dma_wait3A_795] : memref<10240x128xf32, #tpu.memory_space<vmem_shared>> -> memref<10240x128xf32, #tpu.memory_space<vmem_shared>>
      tpu.wait_indirect_dma semaphore(%arg24 : memref<!tpu.dma_semaphore, #tpu.memory_space<semaphore_mem>>) src(%arg14 : memref<128x128xf32, #tpu.memory_space<vmem>>) dst(%dma_wait3A_796 : memref<10240x128xf32, #tpu.memory_space<vmem_shared>>)
      %dma_wait3A_797 = arith.constant 6 : i32
      %dma_wait3A_798 = arith.constant 0 : i32
      %dma_wait3A_799 = tpu.memref_slice %arg13[%dma_wait3A_797, %dma_wait3A_798] : memref<8x128xi32, #tpu.memory_space<vmem>> -> memref<1x128xi32, #tpu.memory_space<vmem>>
      %dma_wait3A_800 = tpu.memref_squeeze %dma_wait3A_799 : memref<1x128xi32, #tpu.memory_space<vmem>> -> memref<128xi32, #tpu.memory_space<vmem>>
      %dma_wait3A_801 = arith.constant 0 : i32
      %dma_wait3A_802 = tpu.memref_slice %arg19[%dma_wait3A_801] : memref<10240xf32, #tpu.memory_space<vmem_shared>> -> memref<10240xf32, #tpu.memory_space<vmem_shared>>
      tpu.wait_indirect_dma semaphore(%arg26 : memref<!tpu.dma_semaphore, #tpu.memory_space<semaphore_mem>>) src(%arg16 : memref<128xf32, #tpu.memory_space<vmem>>) dst(%dma_wait3A_802 : memref<10240xf32, #tpu.memory_space<vmem_shared>>)
      %dma_start3A_803 = arith.constant 7 : i32
      %dma_start3A_804 = arith.constant 0 : i32
      %dma_start3A_805 = tpu.memref_slice %arg13[%dma_start3A_803, %dma_start3A_804] : memref<8x128xi32, #tpu.memory_space<vmem>> -> memref<1x128xi32, #tpu.memory_space<vmem>>
      %dma_start3A_806 = tpu.memref_squeeze %dma_start3A_805 : memref<1x128xi32, #tpu.memory_space<vmem>> -> memref<128xi32, #tpu.memory_space<vmem>>
      %dma_start3A_807 = arith.constant 0 : i32
      %dma_start3A_808 = tpu.memref_slice %arg19[%dma_start3A_807] : memref<10240xf32, #tpu.memory_space<vmem_shared>> -> memref<10240xf32, #tpu.memory_space<vmem_shared>>
      tpu.enqueue_indirect_dma source(%arg16 : memref<128xf32, #tpu.memory_space<vmem>>) target(%dma_start3A_808 : memref<10240xf32, #tpu.memory_space<vmem_shared>>) offsets(%dma_start3A_806 : memref<128xi32, #tpu.memory_space<vmem>>) semaphore(%arg27 : memref<!tpu.dma_semaphore, #tpu.memory_space<semaphore_mem>>) {add = true}
      %dma_wait3A_809 = arith.constant 7 : i32
      %dma_wait3A_810 = arith.constant 0 : i32
      %dma_wait3A_811 = tpu.memref_slice %arg11[%dma_wait3A_809, %dma_wait3A_810] : memref<8x128xi32, #tpu.memory_space<vmem>> -> memref<1x128xi32, #tpu.memory_space<vmem>>
      %dma_wait3A_812 = tpu.memref_squeeze %dma_wait3A_811 : memref<1x128xi32, #tpu.memory_space<vmem>> -> memref<128xi32, #tpu.memory_space<vmem>>
      %dma_wait3A_813 = arith.constant 0 : i32
      %dma_wait3A_814 = arith.constant 0 : i32
      %dma_wait3A_815 = tpu.memref_slice %arg2[%dma_wait3A_813, %dma_wait3A_814] : memref<10000x128xf32, #tpu.memory_space<hbm>> -> memref<10000x128xf32, #tpu.memory_space<hbm>>
      tpu.wait_indirect_dma semaphore(%arg23 : memref<!tpu.dma_semaphore, #tpu.memory_space<semaphore_mem>>) src(%dma_wait3A_815 : memref<10000x128xf32, #tpu.memory_space<hbm>>) dst(%arg15 : memref<128x128xf32, #tpu.memory_space<vmem>>)
      %dma_start3A_816 = arith.constant 7 : i32
      %dma_start3A_817 = arith.constant 0 : i32
      %dma_start3A_818 = tpu.memref_slice %arg13[%dma_start3A_816, %dma_start3A_817] : memref<8x128xi32, #tpu.memory_space<vmem>> -> memref<1x128xi32, #tpu.memory_space<vmem>>
      %dma_start3A_819 = tpu.memref_squeeze %dma_start3A_818 : memref<1x128xi32, #tpu.memory_space<vmem>> -> memref<128xi32, #tpu.memory_space<vmem>>
      %dma_start3A_820 = arith.constant 0 : i32
      %dma_start3A_821 = arith.constant 0 : i32
      %dma_start3A_822 = tpu.memref_slice %arg18[%dma_start3A_820, %dma_start3A_821] : memref<10240x128xf32, #tpu.memory_space<vmem_shared>> -> memref<10240x128xf32, #tpu.memory_space<vmem_shared>>
      tpu.enqueue_indirect_dma source(%arg15 : memref<128x128xf32, #tpu.memory_space<vmem>>) target(%dma_start3A_822 : memref<10240x128xf32, #tpu.memory_space<vmem_shared>>) offsets(%dma_start3A_819 : memref<128xi32, #tpu.memory_space<vmem>>) semaphore(%arg25 : memref<!tpu.dma_semaphore, #tpu.memory_space<semaphore_mem>>) {add = true}
      %dma_wait3A_823 = arith.constant 7 : i32
      %dma_wait3A_824 = arith.constant 0 : i32
      %dma_wait3A_825 = tpu.memref_slice %arg13[%dma_wait3A_823, %dma_wait3A_824] : memref<8x128xi32, #tpu.memory_space<vmem>> -> memref<1x128xi32, #tpu.memory_space<vmem>>
      %dma_wait3A_826 = tpu.memref_squeeze %dma_wait3A_825 : memref<1x128xi32, #tpu.memory_space<vmem>> -> memref<128xi32, #tpu.memory_space<vmem>>
      %dma_wait3A_827 = arith.constant 0 : i32
      %dma_wait3A_828 = arith.constant 0 : i32
      %dma_wait3A_829 = tpu.memref_slice %arg18[%dma_wait3A_827, %dma_wait3A_828] : memref<10240x128xf32, #tpu.memory_space<vmem_shared>> -> memref<10240x128xf32, #tpu.memory_space<vmem_shared>>
      tpu.wait_indirect_dma semaphore(%arg25 : memref<!tpu.dma_semaphore, #tpu.memory_space<semaphore_mem>>) src(%arg15 : memref<128x128xf32, #tpu.memory_space<vmem>>) dst(%dma_wait3A_829 : memref<10240x128xf32, #tpu.memory_space<vmem_shared>>)
      %dma_wait3A_830 = arith.constant 7 : i32
      %dma_wait3A_831 = arith.constant 0 : i32
      %dma_wait3A_832 = tpu.memref_slice %arg13[%dma_wait3A_830, %dma_wait3A_831] : memref<8x128xi32, #tpu.memory_space<vmem>> -> memref<1x128xi32, #tpu.memory_space<vmem>>
      %dma_wait3A_833 = tpu.memref_squeeze %dma_wait3A_832 : memref<1x128xi32, #tpu.memory_space<vmem>> -> memref<128xi32, #tpu.memory_space<vmem>>
      %dma_wait3A_834 = arith.constant 0 : i32
      %dma_wait3A_835 = tpu.memref_slice %arg19[%dma_wait3A_834] : memref<10240xf32, #tpu.memory_space<vmem_shared>> -> memref<10240xf32, #tpu.memory_space<vmem_shared>>
      tpu.wait_indirect_dma semaphore(%arg27 : memref<!tpu.dma_semaphore, #tpu.memory_space<semaphore_mem>>) src(%arg16 : memref<128xf32, #tpu.memory_space<vmem>>) dst(%dma_wait3A_835 : memref<10240xf32, #tpu.memory_space<vmem_shared>>)
      %add3A_836 = arith.constant 2 : i32
      %add3A_837 = arith.addi %add3A_499, %add3A_836 : i32
      %mul3A_838 = arith.constant 8 : i32
      %mul3A_839 = arith.muli %add3A_837, %mul3A_838 : i32
      %dma_start3A_840 = arith.constant 0 : i32
      %dma_start3A_841 = tpu.memref_slice %arg3[%add3A, %mul3A_839, %dma_start3A_840] : memref<32x96x128xi32, #tpu.memory_space<hbm>> -> memref<1x8x128xi32, #tpu.memory_space<hbm>>
      %dma_start3A_842 = tpu.memref_squeeze %dma_start3A_841 : memref<1x8x128xi32, #tpu.memory_space<hbm>> -> memref<8x128xi32, #tpu.memory_space<hbm>>
      %dma_start3A_843 = arith.constant 0 : i32
      %dma_start3A_844 = tpu.memref_slice %arg3[%add3A, %mul3A_839, %dma_start3A_843] : memref<32x96x128xi32, #tpu.memory_space<hbm>> -> memref<1x8x128xi32, #tpu.memory_space<hbm>>
      %dma_start3A_845 = tpu.memref_squeeze %dma_start3A_844 : memref<1x8x128xi32, #tpu.memory_space<hbm>> -> memref<8x128xi32, #tpu.memory_space<hbm>>
      tpu.enqueue_dma source(%dma_start3A_845 : memref<8x128xi32, #tpu.memory_space<hbm>>) target(%arg11 : memref<8x128xi32, #tpu.memory_space<vmem>>) target_semaphore(%arg21 : memref<!tpu.dma_semaphore, #tpu.memory_space<semaphore_mem>>)
      %add3A_846 = arith.constant 2 : i32
      %add3A_847 = arith.addi %add3A_499, %add3A_846 : i32
      %mul3A_848 = arith.constant 8 : i32
      %mul3A_849 = arith.muli %add3A_847, %mul3A_848 : i32
      %dma_start3A_850 = arith.constant 0 : i32
      %dma_start3A_851 = tpu.memref_slice %arg4[%add3A, %mul3A_849, %dma_start3A_850] : memref<32x96x128xi32, #tpu.memory_space<hbm>> -> memref<1x8x128xi32, #tpu.memory_space<hbm>>
      %dma_start3A_852 = tpu.memref_squeeze %dma_start3A_851 : memref<1x8x128xi32, #tpu.memory_space<hbm>> -> memref<8x128xi32, #tpu.memory_space<hbm>>
      %dma_start3A_853 = arith.constant 0 : i32
      %dma_start3A_854 = tpu.memref_slice %arg4[%add3A, %mul3A_849, %dma_start3A_853] : memref<32x96x128xi32, #tpu.memory_space<hbm>> -> memref<1x8x128xi32, #tpu.memory_space<hbm>>
      %dma_start3A_855 = tpu.memref_squeeze %dma_start3A_854 : memref<1x8x128xi32, #tpu.memory_space<hbm>> -> memref<8x128xi32, #tpu.memory_space<hbm>>
      tpu.enqueue_dma source(%dma_start3A_855 : memref<8x128xi32, #tpu.memory_space<hbm>>) target(%arg13 : memref<8x128xi32, #tpu.memory_space<vmem>>) target_semaphore(%arg21 : memref<!tpu.dma_semaphore, #tpu.memory_space<semaphore_mem>>)
    }
    %scan3A_58 = arith.constant 5 : i32
    %dma_wait3A = arith.constant 0 : i32
    %dma_wait3A_59 = arith.constant 0 : i32
    %dma_wait3A_60 = tpu.memref_slice %arg3[%add3A, %dma_wait3A, %dma_wait3A_59] : memref<32x96x128xi32, #tpu.memory_space<hbm>> -> memref<1x8x128xi32, #tpu.memory_space<hbm>>
    %dma_wait3A_61 = tpu.memref_squeeze %dma_wait3A_60 : memref<1x8x128xi32, #tpu.memory_space<hbm>> -> memref<8x128xi32, #tpu.memory_space<hbm>>
    %dma_wait3A_62 = arith.constant 0 : i32
    %dma_wait3A_63 = arith.constant 0 : i32
    %dma_wait3A_64 = tpu.memref_slice %arg3[%add3A, %dma_wait3A_62, %dma_wait3A_63] : memref<32x96x128xi32, #tpu.memory_space<hbm>> -> memref<1x8x128xi32, #tpu.memory_space<hbm>>
    %dma_wait3A_65 = tpu.memref_squeeze %dma_wait3A_64 : memref<1x8x128xi32, #tpu.memory_space<hbm>> -> memref<8x128xi32, #tpu.memory_space<hbm>>
    tpu.wait_dma2 semaphore(%arg20 : memref<!tpu.dma_semaphore, #tpu.memory_space<semaphore_mem>>) src(%dma_wait3A_65 : memref<8x128xi32, #tpu.memory_space<hbm>>) dst(%arg10 : memref<8x128xi32, #tpu.memory_space<vmem>>)
    %dma_wait3A_66 = arith.constant 0 : i32
    %dma_wait3A_67 = arith.constant 0 : i32
    %dma_wait3A_68 = tpu.memref_slice %arg4[%add3A, %dma_wait3A_66, %dma_wait3A_67] : memref<32x96x128xi32, #tpu.memory_space<hbm>> -> memref<1x8x128xi32, #tpu.memory_space<hbm>>
    %dma_wait3A_69 = tpu.memref_squeeze %dma_wait3A_68 : memref<1x8x128xi32, #tpu.memory_space<hbm>> -> memref<8x128xi32, #tpu.memory_space<hbm>>
    %dma_wait3A_70 = arith.constant 0 : i32
    %dma_wait3A_71 = arith.constant 0 : i32
    %dma_wait3A_72 = tpu.memref_slice %arg4[%add3A, %dma_wait3A_70, %dma_wait3A_71] : memref<32x96x128xi32, #tpu.memory_space<hbm>> -> memref<1x8x128xi32, #tpu.memory_space<hbm>>
    %dma_wait3A_73 = tpu.memref_squeeze %dma_wait3A_72 : memref<1x8x128xi32, #tpu.memory_space<hbm>> -> memref<8x128xi32, #tpu.memory_space<hbm>>
    tpu.wait_dma2 semaphore(%arg20 : memref<!tpu.dma_semaphore, #tpu.memory_space<semaphore_mem>>) src(%dma_wait3A_73 : memref<8x128xi32, #tpu.memory_space<hbm>>) dst(%arg12 : memref<8x128xi32, #tpu.memory_space<vmem>>)
    %dma_wait3A_74 = arith.constant 8 : i32
    %dma_wait3A_75 = arith.constant 0 : i32
    %dma_wait3A_76 = tpu.memref_slice %arg3[%add3A, %dma_wait3A_74, %dma_wait3A_75] : memref<32x96x128xi32, #tpu.memory_space<hbm>> -> memref<1x8x128xi32, #tpu.memory_space<hbm>>
    %dma_wait3A_77 = tpu.memref_squeeze %dma_wait3A_76 : memref<1x8x128xi32, #tpu.memory_space<hbm>> -> memref<8x128xi32, #tpu.memory_space<hbm>>
    %dma_wait3A_78 = arith.constant 8 : i32
    %dma_wait3A_79 = arith.constant 0 : i32
    %dma_wait3A_80 = tpu.memref_slice %arg3[%add3A, %dma_wait3A_78, %dma_wait3A_79] : memref<32x96x128xi32, #tpu.memory_space<hbm>> -> memref<1x8x128xi32, #tpu.memory_space<hbm>>
    %dma_wait3A_81 = tpu.memref_squeeze %dma_wait3A_80 : memref<1x8x128xi32, #tpu.memory_space<hbm>> -> memref<8x128xi32, #tpu.memory_space<hbm>>
    tpu.wait_dma2 semaphore(%arg21 : memref<!tpu.dma_semaphore, #tpu.memory_space<semaphore_mem>>) src(%dma_wait3A_81 : memref<8x128xi32, #tpu.memory_space<hbm>>) dst(%arg11 : memref<8x128xi32, #tpu.memory_space<vmem>>)
    %dma_wait3A_82 = arith.constant 8 : i32
    %dma_wait3A_83 = arith.constant 0 : i32
    %dma_wait3A_84 = tpu.memref_slice %arg4[%add3A, %dma_wait3A_82, %dma_wait3A_83] : memref<32x96x128xi32, #tpu.memory_space<hbm>> -> memref<1x8x128xi32, #tpu.memory_space<hbm>>
    %dma_wait3A_85 = tpu.memref_squeeze %dma_wait3A_84 : memref<1x8x128xi32, #tpu.memory_space<hbm>> -> memref<8x128xi32, #tpu.memory_space<hbm>>
    %dma_wait3A_86 = arith.constant 8 : i32
    %dma_wait3A_87 = arith.constant 0 : i32
    %dma_wait3A_88 = tpu.memref_slice %arg4[%add3A, %dma_wait3A_86, %dma_wait3A_87] : memref<32x96x128xi32, #tpu.memory_space<hbm>> -> memref<1x8x128xi32, #tpu.memory_space<hbm>>
    %dma_wait3A_89 = tpu.memref_squeeze %dma_wait3A_88 : memref<1x8x128xi32, #tpu.memory_space<hbm>> -> memref<8x128xi32, #tpu.memory_space<hbm>>
    tpu.wait_dma2 semaphore(%arg21 : memref<!tpu.dma_semaphore, #tpu.memory_space<semaphore_mem>>) src(%dma_wait3A_89 : memref<8x128xi32, #tpu.memory_space<hbm>>) dst(%arg13 : memref<8x128xi32, #tpu.memory_space<vmem>>)
    %barrier3A_90 = arith.constant 0 : index
    tpu.barrier barrier_id(%barrier3A_90)
    %mul3A_91 = arith.constant 640 : i32
    %mul3A_92 = arith.muli %arg1, %mul3A_91 : i32
    %add3A_93 = arith.constant 0 : i32
    %add3A_94 = arith.addi %mul3A_92, %add3A_93 : i32
    "tpu.region"() ({
      %run_scoped3A = tpu.sem_alloc : memref<!tpu.dma_semaphore, #tpu.memory_space<semaphore_mem>>
      %dma_start3A_135 = arith.constant 0 : i32
      %dma_start3A_136 = tpu.memref_slice %arg18[%add3A_94, %dma_start3A_135] : memref<10240x128xf32, #tpu.memory_space<vmem_shared>> -> memref<128x128xf32, #tpu.memory_space<vmem_shared>>
      %dma_start3A_137 = arith.constant 0 : i32
      %dma_start3A_138 = tpu.memref_slice %arg18[%add3A_94, %dma_start3A_137] : memref<10240x128xf32, #tpu.memory_space<vmem_shared>> -> memref<128x128xf32, #tpu.memory_space<vmem_shared>>
      tpu.enqueue_dma source(%dma_start3A_138 : memref<128x128xf32, #tpu.memory_space<vmem_shared>>) target(%arg14 : memref<128x128xf32, #tpu.memory_space<vmem>>) target_semaphore(%run_scoped3A : memref<!tpu.dma_semaphore, #tpu.memory_space<semaphore_mem>>)
      %dma_wait3A_139 = arith.constant 0 : i32
      %dma_wait3A_140 = tpu.memref_slice %arg18[%add3A_94, %dma_wait3A_139] : memref<10240x128xf32, #tpu.memory_space<vmem_shared>> -> memref<128x128xf32, #tpu.memory_space<vmem_shared>>
      %dma_wait3A_141 = arith.constant 0 : i32
      %dma_wait3A_142 = tpu.memref_slice %arg18[%add3A_94, %dma_wait3A_141] : memref<10240x128xf32, #tpu.memory_space<vmem_shared>> -> memref<128x128xf32, #tpu.memory_space<vmem_shared>>
      tpu.wait_dma2 semaphore(%run_scoped3A : memref<!tpu.dma_semaphore, #tpu.memory_space<semaphore_mem>>) src(%dma_wait3A_142 : memref<128x128xf32, #tpu.memory_space<vmem_shared>>) dst(%arg14 : memref<128x128xf32, #tpu.memory_space<vmem>>)
      tpu.yield
    }) : () -> ()
    %mul3A_95 = arith.constant 640 : i32
    %mul3A_96 = arith.muli %arg1, %mul3A_95 : i32
    %add3A_97 = arith.constant 0 : i32
    %add3A_98 = arith.addi %mul3A_96, %add3A_97 : i32
    "tpu.region"() ({
      %run_scoped3A = tpu.sem_alloc : memref<!tpu.dma_semaphore, #tpu.memory_space<semaphore_mem>>
      %dma_start3A_135 = arith.constant 0 : i32
      %dma_start3A_136 = tpu.memref_slice %arg8[%arg0, %add3A_98, %dma_start3A_135] : memref<2x10240x128xf32, #tpu.memory_space<hbm>> -> memref<1x128x128xf32, #tpu.memory_space<hbm>>
      %dma_start3A_137 = tpu.memref_squeeze %dma_start3A_136 : memref<1x128x128xf32, #tpu.memory_space<hbm>> -> memref<128x128xf32, #tpu.memory_space<hbm>>
      %dma_start3A_138 = arith.constant 0 : i32
      %dma_start3A_139 = tpu.memref_slice %arg8[%arg0, %add3A_98, %dma_start3A_138] : memref<2x10240x128xf32, #tpu.memory_space<hbm>> -> memref<1x128x128xf32, #tpu.memory_space<hbm>>
      %dma_start3A_140 = tpu.memref_squeeze %dma_start3A_139 : memref<1x128x128xf32, #tpu.memory_space<hbm>> -> memref<128x128xf32, #tpu.memory_space<hbm>>
      tpu.enqueue_dma source(%arg14 : memref<128x128xf32, #tpu.memory_space<vmem>>) target(%dma_start3A_140 : memref<128x128xf32, #tpu.memory_space<hbm>>) target_semaphore(%run_scoped3A : memref<!tpu.dma_semaphore, #tpu.memory_space<semaphore_mem>>)
      %dma_wait3A_141 = arith.constant 0 : i32
      %dma_wait3A_142 = tpu.memref_slice %arg8[%arg0, %add3A_98, %dma_wait3A_141] : memref<2x10240x128xf32, #tpu.memory_space<hbm>> -> memref<1x128x128xf32, #tpu.memory_space<hbm>>
      %dma_wait3A_143 = tpu.memref_squeeze %dma_wait3A_142 : memref<1x128x128xf32, #tpu.memory_space<hbm>> -> memref<128x128xf32, #tpu.memory_space<hbm>>
      %dma_wait3A_144 = arith.constant 0 : i32
      %dma_wait3A_145 = tpu.memref_slice %arg8[%arg0, %add3A_98, %dma_wait3A_144] : memref<2x10240x128xf32, #tpu.memory_space<hbm>> -> memref<1x128x128xf32, #tpu.memory_space<hbm>>
      %dma_wait3A_146 = tpu.memref_squeeze %dma_wait3A_145 : memref<1x128x128xf32, #tpu.memory_space<hbm>> -> memref<128x128xf32, #tpu.memory_space<hbm>>
      tpu.wait_dma2 semaphore(%run_scoped3A : memref<!tpu.dma_semaphore, #tpu.memory_space<semaphore_mem>>) src(%arg14 : memref<128x128xf32, #tpu.memory_space<vmem>>) dst(%dma_wait3A_146 : memref<128x128xf32, #tpu.memory_space<hbm>>)
      tpu.yield
    }) : () -> ()
    %mul3A_99 = arith.constant 640 : i32
    %mul3A_100 = arith.muli %arg1, %mul3A_99 : i32
    %add3A_101 = arith.constant 128 : i32
    %add3A_102 = arith.addi %mul3A_100, %add3A_101 : i32
    "tpu.region"() ({
      %run_scoped3A = tpu.sem_alloc : memref<!tpu.dma_semaphore, #tpu.memory_space<semaphore_mem>>
      %dma_start3A_135 = arith.constant 0 : i32
      %dma_start3A_136 = tpu.memref_slice %arg18[%add3A_102, %dma_start3A_135] : memref<10240x128xf32, #tpu.memory_space<vmem_shared>> -> memref<128x128xf32, #tpu.memory_space<vmem_shared>>
      %dma_start3A_137 = arith.constant 0 : i32
      %dma_start3A_138 = tpu.memref_slice %arg18[%add3A_102, %dma_start3A_137] : memref<10240x128xf32, #tpu.memory_space<vmem_shared>> -> memref<128x128xf32, #tpu.memory_space<vmem_shared>>
      tpu.enqueue_dma source(%dma_start3A_138 : memref<128x128xf32, #tpu.memory_space<vmem_shared>>) target(%arg14 : memref<128x128xf32, #tpu.memory_space<vmem>>) target_semaphore(%run_scoped3A : memref<!tpu.dma_semaphore, #tpu.memory_space<semaphore_mem>>)
      %dma_wait3A_139 = arith.constant 0 : i32
      %dma_wait3A_140 = tpu.memref_slice %arg18[%add3A_102, %dma_wait3A_139] : memref<10240x128xf32, #tpu.memory_space<vmem_shared>> -> memref<128x128xf32, #tpu.memory_space<vmem_shared>>
      %dma_wait3A_141 = arith.constant 0 : i32
      %dma_wait3A_142 = tpu.memref_slice %arg18[%add3A_102, %dma_wait3A_141] : memref<10240x128xf32, #tpu.memory_space<vmem_shared>> -> memref<128x128xf32, #tpu.memory_space<vmem_shared>>
      tpu.wait_dma2 semaphore(%run_scoped3A : memref<!tpu.dma_semaphore, #tpu.memory_space<semaphore_mem>>) src(%dma_wait3A_142 : memref<128x128xf32, #tpu.memory_space<vmem_shared>>) dst(%arg14 : memref<128x128xf32, #tpu.memory_space<vmem>>)
      tpu.yield
    }) : () -> ()
    %mul3A_103 = arith.constant 640 : i32
    %mul3A_104 = arith.muli %arg1, %mul3A_103 : i32
    %add3A_105 = arith.constant 128 : i32
    %add3A_106 = arith.addi %mul3A_104, %add3A_105 : i32
    "tpu.region"() ({
      %run_scoped3A = tpu.sem_alloc : memref<!tpu.dma_semaphore, #tpu.memory_space<semaphore_mem>>
      %dma_start3A_135 = arith.constant 0 : i32
      %dma_start3A_136 = tpu.memref_slice %arg8[%arg0, %add3A_106, %dma_start3A_135] : memref<2x10240x128xf32, #tpu.memory_space<hbm>> -> memref<1x128x128xf32, #tpu.memory_space<hbm>>
      %dma_start3A_137 = tpu.memref_squeeze %dma_start3A_136 : memref<1x128x128xf32, #tpu.memory_space<hbm>> -> memref<128x128xf32, #tpu.memory_space<hbm>>
      %dma_start3A_138 = arith.constant 0 : i32
      %dma_start3A_139 = tpu.memref_slice %arg8[%arg0, %add3A_106, %dma_start3A_138] : memref<2x10240x128xf32, #tpu.memory_space<hbm>> -> memref<1x128x128xf32, #tpu.memory_space<hbm>>
      %dma_start3A_140 = tpu.memref_squeeze %dma_start3A_139 : memref<1x128x128xf32, #tpu.memory_space<hbm>> -> memref<128x128xf32, #tpu.memory_space<hbm>>
      tpu.enqueue_dma source(%arg14 : memref<128x128xf32, #tpu.memory_space<vmem>>) target(%dma_start3A_140 : memref<128x128xf32, #tpu.memory_space<hbm>>) target_semaphore(%run_scoped3A : memref<!tpu.dma_semaphore, #tpu.memory_space<semaphore_mem>>)
      %dma_wait3A_141 = arith.constant 0 : i32
      %dma_wait3A_142 = tpu.memref_slice %arg8[%arg0, %add3A_106, %dma_wait3A_141] : memref<2x10240x128xf32, #tpu.memory_space<hbm>> -> memref<1x128x128xf32, #tpu.memory_space<hbm>>
      %dma_wait3A_143 = tpu.memref_squeeze %dma_wait3A_142 : memref<1x128x128xf32, #tpu.memory_space<hbm>> -> memref<128x128xf32, #tpu.memory_space<hbm>>
      %dma_wait3A_144 = arith.constant 0 : i32
      %dma_wait3A_145 = tpu.memref_slice %arg8[%arg0, %add3A_106, %dma_wait3A_144] : memref<2x10240x128xf32, #tpu.memory_space<hbm>> -> memref<1x128x128xf32, #tpu.memory_space<hbm>>
      %dma_wait3A_146 = tpu.memref_squeeze %dma_wait3A_145 : memref<1x128x128xf32, #tpu.memory_space<hbm>> -> memref<128x128xf32, #tpu.memory_space<hbm>>
      tpu.wait_dma2 semaphore(%run_scoped3A : memref<!tpu.dma_semaphore, #tpu.memory_space<semaphore_mem>>) src(%arg14 : memref<128x128xf32, #tpu.memory_space<vmem>>) dst(%dma_wait3A_146 : memref<128x128xf32, #tpu.memory_space<hbm>>)
      tpu.yield
    }) : () -> ()
    %mul3A_107 = arith.constant 640 : i32
    %mul3A_108 = arith.muli %arg1, %mul3A_107 : i32
    %add3A_109 = arith.constant 256 : i32
    %add3A_110 = arith.addi %mul3A_108, %add3A_109 : i32
    "tpu.region"() ({
      %run_scoped3A = tpu.sem_alloc : memref<!tpu.dma_semaphore, #tpu.memory_space<semaphore_mem>>
      %dma_start3A_135 = arith.constant 0 : i32
      %dma_start3A_136 = tpu.memref_slice %arg18[%add3A_110, %dma_start3A_135] : memref<10240x128xf32, #tpu.memory_space<vmem_shared>> -> memref<128x128xf32, #tpu.memory_space<vmem_shared>>
      %dma_start3A_137 = arith.constant 0 : i32
      %dma_start3A_138 = tpu.memref_slice %arg18[%add3A_110, %dma_start3A_137] : memref<10240x128xf32, #tpu.memory_space<vmem_shared>> -> memref<128x128xf32, #tpu.memory_space<vmem_shared>>
      tpu.enqueue_dma source(%dma_start3A_138 : memref<128x128xf32, #tpu.memory_space<vmem_shared>>) target(%arg14 : memref<128x128xf32, #tpu.memory_space<vmem>>) target_semaphore(%run_scoped3A : memref<!tpu.dma_semaphore, #tpu.memory_space<semaphore_mem>>)
      %dma_wait3A_139 = arith.constant 0 : i32
      %dma_wait3A_140 = tpu.memref_slice %arg18[%add3A_110, %dma_wait3A_139] : memref<10240x128xf32, #tpu.memory_space<vmem_shared>> -> memref<128x128xf32, #tpu.memory_space<vmem_shared>>
      %dma_wait3A_141 = arith.constant 0 : i32
      %dma_wait3A_142 = tpu.memref_slice %arg18[%add3A_110, %dma_wait3A_141] : memref<10240x128xf32, #tpu.memory_space<vmem_shared>> -> memref<128x128xf32, #tpu.memory_space<vmem_shared>>
      tpu.wait_dma2 semaphore(%run_scoped3A : memref<!tpu.dma_semaphore, #tpu.memory_space<semaphore_mem>>) src(%dma_wait3A_142 : memref<128x128xf32, #tpu.memory_space<vmem_shared>>) dst(%arg14 : memref<128x128xf32, #tpu.memory_space<vmem>>)
      tpu.yield
    }) : () -> ()
    %mul3A_111 = arith.constant 640 : i32
    %mul3A_112 = arith.muli %arg1, %mul3A_111 : i32
    %add3A_113 = arith.constant 256 : i32
    %add3A_114 = arith.addi %mul3A_112, %add3A_113 : i32
    "tpu.region"() ({
      %run_scoped3A = tpu.sem_alloc : memref<!tpu.dma_semaphore, #tpu.memory_space<semaphore_mem>>
      %dma_start3A_135 = arith.constant 0 : i32
      %dma_start3A_136 = tpu.memref_slice %arg8[%arg0, %add3A_114, %dma_start3A_135] : memref<2x10240x128xf32, #tpu.memory_space<hbm>> -> memref<1x128x128xf32, #tpu.memory_space<hbm>>
      %dma_start3A_137 = tpu.memref_squeeze %dma_start3A_136 : memref<1x128x128xf32, #tpu.memory_space<hbm>> -> memref<128x128xf32, #tpu.memory_space<hbm>>
      %dma_start3A_138 = arith.constant 0 : i32
      %dma_start3A_139 = tpu.memref_slice %arg8[%arg0, %add3A_114, %dma_start3A_138] : memref<2x10240x128xf32, #tpu.memory_space<hbm>> -> memref<1x128x128xf32, #tpu.memory_space<hbm>>
      %dma_start3A_140 = tpu.memref_squeeze %dma_start3A_139 : memref<1x128x128xf32, #tpu.memory_space<hbm>> -> memref<128x128xf32, #tpu.memory_space<hbm>>
      tpu.enqueue_dma source(%arg14 : memref<128x128xf32, #tpu.memory_space<vmem>>) target(%dma_start3A_140 : memref<128x128xf32, #tpu.memory_space<hbm>>) target_semaphore(%run_scoped3A : memref<!tpu.dma_semaphore, #tpu.memory_space<semaphore_mem>>)
      %dma_wait3A_141 = arith.constant 0 : i32
      %dma_wait3A_142 = tpu.memref_slice %arg8[%arg0, %add3A_114, %dma_wait3A_141] : memref<2x10240x128xf32, #tpu.memory_space<hbm>> -> memref<1x128x128xf32, #tpu.memory_space<hbm>>
      %dma_wait3A_143 = tpu.memref_squeeze %dma_wait3A_142 : memref<1x128x128xf32, #tpu.memory_space<hbm>> -> memref<128x128xf32, #tpu.memory_space<hbm>>
      %dma_wait3A_144 = arith.constant 0 : i32
      %dma_wait3A_145 = tpu.memref_slice %arg8[%arg0, %add3A_114, %dma_wait3A_144] : memref<2x10240x128xf32, #tpu.memory_space<hbm>> -> memref<1x128x128xf32, #tpu.memory_space<hbm>>
      %dma_wait3A_146 = tpu.memref_squeeze %dma_wait3A_145 : memref<1x128x128xf32, #tpu.memory_space<hbm>> -> memref<128x128xf32, #tpu.memory_space<hbm>>
      tpu.wait_dma2 semaphore(%run_scoped3A : memref<!tpu.dma_semaphore, #tpu.memory_space<semaphore_mem>>) src(%arg14 : memref<128x128xf32, #tpu.memory_space<vmem>>) dst(%dma_wait3A_146 : memref<128x128xf32, #tpu.memory_space<hbm>>)
      tpu.yield
    }) : () -> ()
    %mul3A_115 = arith.constant 640 : i32
    %mul3A_116 = arith.muli %arg1, %mul3A_115 : i32
    %add3A_117 = arith.constant 384 : i32
    %add3A_118 = arith.addi %mul3A_116, %add3A_117 : i32
    "tpu.region"() ({
      %run_scoped3A = tpu.sem_alloc : memref<!tpu.dma_semaphore, #tpu.memory_space<semaphore_mem>>
      %dma_start3A_135 = arith.constant 0 : i32
      %dma_start3A_136 = tpu.memref_slice %arg18[%add3A_118, %dma_start3A_135] : memref<10240x128xf32, #tpu.memory_space<vmem_shared>> -> memref<128x128xf32, #tpu.memory_space<vmem_shared>>
      %dma_start3A_137 = arith.constant 0 : i32
      %dma_start3A_138 = tpu.memref_slice %arg18[%add3A_118, %dma_start3A_137] : memref<10240x128xf32, #tpu.memory_space<vmem_shared>> -> memref<128x128xf32, #tpu.memory_space<vmem_shared>>
      tpu.enqueue_dma source(%dma_start3A_138 : memref<128x128xf32, #tpu.memory_space<vmem_shared>>) target(%arg14 : memref<128x128xf32, #tpu.memory_space<vmem>>) target_semaphore(%run_scoped3A : memref<!tpu.dma_semaphore, #tpu.memory_space<semaphore_mem>>)
      %dma_wait3A_139 = arith.constant 0 : i32
      %dma_wait3A_140 = tpu.memref_slice %arg18[%add3A_118, %dma_wait3A_139] : memref<10240x128xf32, #tpu.memory_space<vmem_shared>> -> memref<128x128xf32, #tpu.memory_space<vmem_shared>>
      %dma_wait3A_141 = arith.constant 0 : i32
      %dma_wait3A_142 = tpu.memref_slice %arg18[%add3A_118, %dma_wait3A_141] : memref<10240x128xf32, #tpu.memory_space<vmem_shared>> -> memref<128x128xf32, #tpu.memory_space<vmem_shared>>
      tpu.wait_dma2 semaphore(%run_scoped3A : memref<!tpu.dma_semaphore, #tpu.memory_space<semaphore_mem>>) src(%dma_wait3A_142 : memref<128x128xf32, #tpu.memory_space<vmem_shared>>) dst(%arg14 : memref<128x128xf32, #tpu.memory_space<vmem>>)
      tpu.yield
    }) : () -> ()
    %mul3A_119 = arith.constant 640 : i32
    %mul3A_120 = arith.muli %arg1, %mul3A_119 : i32
    %add3A_121 = arith.constant 384 : i32
    %add3A_122 = arith.addi %mul3A_120, %add3A_121 : i32
    "tpu.region"() ({
      %run_scoped3A = tpu.sem_alloc : memref<!tpu.dma_semaphore, #tpu.memory_space<semaphore_mem>>
      %dma_start3A_135 = arith.constant 0 : i32
      %dma_start3A_136 = tpu.memref_slice %arg8[%arg0, %add3A_122, %dma_start3A_135] : memref<2x10240x128xf32, #tpu.memory_space<hbm>> -> memref<1x128x128xf32, #tpu.memory_space<hbm>>
      %dma_start3A_137 = tpu.memref_squeeze %dma_start3A_136 : memref<1x128x128xf32, #tpu.memory_space<hbm>> -> memref<128x128xf32, #tpu.memory_space<hbm>>
      %dma_start3A_138 = arith.constant 0 : i32
      %dma_start3A_139 = tpu.memref_slice %arg8[%arg0, %add3A_122, %dma_start3A_138] : memref<2x10240x128xf32, #tpu.memory_space<hbm>> -> memref<1x128x128xf32, #tpu.memory_space<hbm>>
      %dma_start3A_140 = tpu.memref_squeeze %dma_start3A_139 : memref<1x128x128xf32, #tpu.memory_space<hbm>> -> memref<128x128xf32, #tpu.memory_space<hbm>>
      tpu.enqueue_dma source(%arg14 : memref<128x128xf32, #tpu.memory_space<vmem>>) target(%dma_start3A_140 : memref<128x128xf32, #tpu.memory_space<hbm>>) target_semaphore(%run_scoped3A : memref<!tpu.dma_semaphore, #tpu.memory_space<semaphore_mem>>)
      %dma_wait3A_141 = arith.constant 0 : i32
      %dma_wait3A_142 = tpu.memref_slice %arg8[%arg0, %add3A_122, %dma_wait3A_141] : memref<2x10240x128xf32, #tpu.memory_space<hbm>> -> memref<1x128x128xf32, #tpu.memory_space<hbm>>
      %dma_wait3A_143 = tpu.memref_squeeze %dma_wait3A_142 : memref<1x128x128xf32, #tpu.memory_space<hbm>> -> memref<128x128xf32, #tpu.memory_space<hbm>>
      %dma_wait3A_144 = arith.constant 0 : i32
      %dma_wait3A_145 = tpu.memref_slice %arg8[%arg0, %add3A_122, %dma_wait3A_144] : memref<2x10240x128xf32, #tpu.memory_space<hbm>> -> memref<1x128x128xf32, #tpu.memory_space<hbm>>
      %dma_wait3A_146 = tpu.memref_squeeze %dma_wait3A_145 : memref<1x128x128xf32, #tpu.memory_space<hbm>> -> memref<128x128xf32, #tpu.memory_space<hbm>>
      tpu.wait_dma2 semaphore(%run_scoped3A : memref<!tpu.dma_semaphore, #tpu.memory_space<semaphore_mem>>) src(%arg14 : memref<128x128xf32, #tpu.memory_space<vmem>>) dst(%dma_wait3A_146 : memref<128x128xf32, #tpu.memory_space<hbm>>)
      tpu.yield
    }) : () -> ()
    %mul3A_123 = arith.constant 640 : i32
    %mul3A_124 = arith.muli %arg1, %mul3A_123 : i32
    %add3A_125 = arith.constant 512 : i32
    %add3A_126 = arith.addi %mul3A_124, %add3A_125 : i32
    "tpu.region"() ({
      %run_scoped3A = tpu.sem_alloc : memref<!tpu.dma_semaphore, #tpu.memory_space<semaphore_mem>>
      %dma_start3A_135 = arith.constant 0 : i32
      %dma_start3A_136 = tpu.memref_slice %arg18[%add3A_126, %dma_start3A_135] : memref<10240x128xf32, #tpu.memory_space<vmem_shared>> -> memref<128x128xf32, #tpu.memory_space<vmem_shared>>
      %dma_start3A_137 = arith.constant 0 : i32
      %dma_start3A_138 = tpu.memref_slice %arg18[%add3A_126, %dma_start3A_137] : memref<10240x128xf32, #tpu.memory_space<vmem_shared>> -> memref<128x128xf32, #tpu.memory_space<vmem_shared>>
      tpu.enqueue_dma source(%dma_start3A_138 : memref<128x128xf32, #tpu.memory_space<vmem_shared>>) target(%arg14 : memref<128x128xf32, #tpu.memory_space<vmem>>) target_semaphore(%run_scoped3A : memref<!tpu.dma_semaphore, #tpu.memory_space<semaphore_mem>>)
      %dma_wait3A_139 = arith.constant 0 : i32
      %dma_wait3A_140 = tpu.memref_slice %arg18[%add3A_126, %dma_wait3A_139] : memref<10240x128xf32, #tpu.memory_space<vmem_shared>> -> memref<128x128xf32, #tpu.memory_space<vmem_shared>>
      %dma_wait3A_141 = arith.constant 0 : i32
      %dma_wait3A_142 = tpu.memref_slice %arg18[%add3A_126, %dma_wait3A_141] : memref<10240x128xf32, #tpu.memory_space<vmem_shared>> -> memref<128x128xf32, #tpu.memory_space<vmem_shared>>
      tpu.wait_dma2 semaphore(%run_scoped3A : memref<!tpu.dma_semaphore, #tpu.memory_space<semaphore_mem>>) src(%dma_wait3A_142 : memref<128x128xf32, #tpu.memory_space<vmem_shared>>) dst(%arg14 : memref<128x128xf32, #tpu.memory_space<vmem>>)
      tpu.yield
    }) : () -> ()
    %mul3A_127 = arith.constant 640 : i32
    %mul3A_128 = arith.muli %arg1, %mul3A_127 : i32
    %add3A_129 = arith.constant 512 : i32
    %add3A_130 = arith.addi %mul3A_128, %add3A_129 : i32
    "tpu.region"() ({
      %run_scoped3A = tpu.sem_alloc : memref<!tpu.dma_semaphore, #tpu.memory_space<semaphore_mem>>
      %dma_start3A_135 = arith.constant 0 : i32
      %dma_start3A_136 = tpu.memref_slice %arg8[%arg0, %add3A_130, %dma_start3A_135] : memref<2x10240x128xf32, #tpu.memory_space<hbm>> -> memref<1x128x128xf32, #tpu.memory_space<hbm>>
      %dma_start3A_137 = tpu.memref_squeeze %dma_start3A_136 : memref<1x128x128xf32, #tpu.memory_space<hbm>> -> memref<128x128xf32, #tpu.memory_space<hbm>>
      %dma_start3A_138 = arith.constant 0 : i32
      %dma_start3A_139 = tpu.memref_slice %arg8[%arg0, %add3A_130, %dma_start3A_138] : memref<2x10240x128xf32, #tpu.memory_space<hbm>> -> memref<1x128x128xf32, #tpu.memory_space<hbm>>
      %dma_start3A_140 = tpu.memref_squeeze %dma_start3A_139 : memref<1x128x128xf32, #tpu.memory_space<hbm>> -> memref<128x128xf32, #tpu.memory_space<hbm>>
      tpu.enqueue_dma source(%arg14 : memref<128x128xf32, #tpu.memory_space<vmem>>) target(%dma_start3A_140 : memref<128x128xf32, #tpu.memory_space<hbm>>) target_semaphore(%run_scoped3A : memref<!tpu.dma_semaphore, #tpu.memory_space<semaphore_mem>>)
      %dma_wait3A_141 = arith.constant 0 : i32
      %dma_wait3A_142 = tpu.memref_slice %arg8[%arg0, %add3A_130, %dma_wait3A_141] : memref<2x10240x128xf32, #tpu.memory_space<hbm>> -> memref<1x128x128xf32, #tpu.memory_space<hbm>>
      %dma_wait3A_143 = tpu.memref_squeeze %dma_wait3A_142 : memref<1x128x128xf32, #tpu.memory_space<hbm>> -> memref<128x128xf32, #tpu.memory_space<hbm>>
      %dma_wait3A_144 = arith.constant 0 : i32
      %dma_wait3A_145 = tpu.memref_slice %arg8[%arg0, %add3A_130, %dma_wait3A_144] : memref<2x10240x128xf32, #tpu.memory_space<hbm>> -> memref<1x128x128xf32, #tpu.memory_space<hbm>>
      %dma_wait3A_146 = tpu.memref_squeeze %dma_wait3A_145 : memref<1x128x128xf32, #tpu.memory_space<hbm>> -> memref<128x128xf32, #tpu.memory_space<hbm>>
      tpu.wait_dma2 semaphore(%run_scoped3A : memref<!tpu.dma_semaphore, #tpu.memory_space<semaphore_mem>>) src(%arg14 : memref<128x128xf32, #tpu.memory_space<vmem>>) dst(%dma_wait3A_146 : memref<128x128xf32, #tpu.memory_space<hbm>>)
      tpu.yield
    }) : () -> ()
    %mul3A_131 = arith.constant 640 : i32
    %mul3A_132 = arith.muli %arg1, %mul3A_131 : i32
    "tpu.region"() ({
      %run_scoped3A = tpu.sem_alloc : memref<!tpu.dma_semaphore, #tpu.memory_space<semaphore_mem>>
      %dma_start3A_135 = tpu.memref_slice %arg19[%mul3A_132] : memref<10240xf32, #tpu.memory_space<vmem_shared>> -> memref<640xf32, #tpu.memory_space<vmem_shared>>
      %dma_start3A_136 = tpu.memref_slice %arg19[%mul3A_132] : memref<10240xf32, #tpu.memory_space<vmem_shared>> -> memref<640xf32, #tpu.memory_space<vmem_shared>>
      tpu.enqueue_dma source(%dma_start3A_136 : memref<640xf32, #tpu.memory_space<vmem_shared>>) target(%arg17 : memref<640xf32, #tpu.memory_space<vmem>>) target_semaphore(%run_scoped3A : memref<!tpu.dma_semaphore, #tpu.memory_space<semaphore_mem>>)
      %dma_wait3A_137 = tpu.memref_slice %arg19[%mul3A_132] : memref<10240xf32, #tpu.memory_space<vmem_shared>> -> memref<640xf32, #tpu.memory_space<vmem_shared>>
      %dma_wait3A_138 = tpu.memref_slice %arg19[%mul3A_132] : memref<10240xf32, #tpu.memory_space<vmem_shared>> -> memref<640xf32, #tpu.memory_space<vmem_shared>>
      tpu.wait_dma2 semaphore(%run_scoped3A : memref<!tpu.dma_semaphore, #tpu.memory_space<semaphore_mem>>) src(%dma_wait3A_138 : memref<640xf32, #tpu.memory_space<vmem_shared>>) dst(%arg17 : memref<640xf32, #tpu.memory_space<vmem>>)
      tpu.yield
    }) : () -> ()
    %mul3A_133 = arith.constant 640 : i32
    %mul3A_134 = arith.muli %arg1, %mul3A_133 : i32
    "tpu.region"() ({
      %run_scoped3A = tpu.sem_alloc : memref<!tpu.dma_semaphore, #tpu.memory_space<semaphore_mem>>
      %dma_start3A_135 = tpu.memref_slice %arg9[%arg0, %mul3A_134] : memref<2x10240xf32, #tpu.memory_space<hbm>> -> memref<1x640xf32, #tpu.memory_space<hbm>>
      %dma_start3A_136 = tpu.memref_squeeze %dma_start3A_135 : memref<1x640xf32, #tpu.memory_space<hbm>> -> memref<640xf32, #tpu.memory_space<hbm>>
      %dma_start3A_137 = tpu.memref_slice %arg9[%arg0, %mul3A_134] : memref<2x10240xf32, #tpu.memory_space<hbm>> -> memref<1x640xf32, #tpu.memory_space<hbm>>
      %dma_start3A_138 = tpu.memref_squeeze %dma_start3A_137 : memref<1x640xf32, #tpu.memory_space<hbm>> -> memref<640xf32, #tpu.memory_space<hbm>>
      tpu.enqueue_dma source(%arg17 : memref<640xf32, #tpu.memory_space<vmem>>) target(%dma_start3A_138 : memref<640xf32, #tpu.memory_space<hbm>>) target_semaphore(%run_scoped3A : memref<!tpu.dma_semaphore, #tpu.memory_space<semaphore_mem>>)
      %dma_wait3A_139 = tpu.memref_slice %arg9[%arg0, %mul3A_134] : memref<2x10240xf32, #tpu.memory_space<hbm>> -> memref<1x640xf32, #tpu.memory_space<hbm>>
      %dma_wait3A_140 = tpu.memref_squeeze %dma_wait3A_139 : memref<1x640xf32, #tpu.memory_space<hbm>> -> memref<640xf32, #tpu.memory_space<hbm>>
      %dma_wait3A_141 = tpu.memref_slice %arg9[%arg0, %mul3A_134] : memref<2x10240xf32, #tpu.memory_space<hbm>> -> memref<1x640xf32, #tpu.memory_space<hbm>>
      %dma_wait3A_142 = tpu.memref_squeeze %dma_wait3A_141 : memref<1x640xf32, #tpu.memory_space<hbm>> -> memref<640xf32, #tpu.memory_space<hbm>>
      tpu.wait_dma2 semaphore(%run_scoped3A : memref<!tpu.dma_semaphore, #tpu.memory_space<semaphore_mem>>) src(%arg17 : memref<640xf32, #tpu.memory_space<vmem>>) dst(%dma_wait3A_142 : memref<640xf32, #tpu.memory_space<hbm>>)
      tpu.yield
    }) : () -> ()
    return
  }
}

module attributes {stable_mosaic.version = 14 : i64} {
  func.func @body(%arg0: i32, %arg1: memref<1000x128xf32, #tpu.memory_space<vmem>>, %arg2: memref<2x128x128xf32, #tpu.memory_space<vmem>>, %arg3: memref<1000x128xf32, #tpu.memory_space<vmem>>, %arg4: memref<1000x128xf32, #tpu.memory_space<vmem>>) attributes {dimension_semantics = [#tpu.dimension_semantics<arbitrary>], iteration_bounds = array<i64: 10>, scalar_prefetch = 0 : i64, scratch_operands = 0 : i64, tpu.core_type = #tpu.core_type<tc>, window_params = [{transform_indices = @transform_0, window_bounds = array<i64: 1000, 128>}, {pipeline_mode = #tpu.pipeline_mode<synchronous>, transform_indices = @transform_1, window_bounds = array<i64: 2, 128, 128>}, {transform_indices = @transform_2, window_bounds = array<i64: 1000, 128>}, {transform_indices = @transform_3, window_bounds = array<i64: 1000, 128>}]} {
    %get3A = arith.constant 0 : index
    %get3A_0 = arith.constant 0 : index
    %get3A_1 = vector.load %arg1[%get3A, %get3A_0] : memref<1000x128xf32, #tpu.memory_space<vmem>>, vector<1000x128xf32>
    %get3A_2 = arith.constant 0 : index
    %get3A_3 = arith.constant 0 : index
    %get3A_4 = arith.constant 0 : index
    %get3A_5 = vector.load %arg2[%get3A_2, %get3A_3, %get3A_4] : memref<2x128x128xf32, #tpu.memory_space<vmem>>, vector<1x128x128xf32>
    %get3A_6 = vector.shape_cast %get3A_5 : vector<1x128x128xf32> to vector<128x128xf32>
    %dot_general3A = arith.constant dense<0.000000e+00> : vector<1000x128xf32>
    %dot_general3A_7 = tpu.matmul %get3A_1, %get3A_6, %dot_general3A {dimension_numbers = #tpu.dot_dimension_numbers<[1], [0], [0], [1], [0, 0, 1, 1], [], []>, transpose_lhs_hint = false} : vector<1000x128xf32>, vector<128x128xf32>, vector<1000x128xf32> -> vector<1000x128xf32>
    %swap3A = arith.constant 0 : index
    %swap3A_8 = arith.constant 0 : index
    %swap3A_9 = vector.load %arg3[%swap3A, %swap3A_8] : memref<1000x128xf32, #tpu.memory_space<vmem>>, vector<1000x128xf32>
    tpu.vector_store %arg3[%swap3A, %swap3A_8], %dot_general3A_7 {strides = array<i32>} : memref<1000x128xf32, #tpu.memory_space<vmem>>, vector<1000x128xf32>,
    %get3A_10 = arith.constant 1 : index
    %get3A_11 = arith.constant 0 : index
    %get3A_12 = arith.constant 0 : index
    %get3A_13 = vector.load %arg2[%get3A_10, %get3A_11, %get3A_12] : memref<2x128x128xf32, #tpu.memory_space<vmem>>, vector<1x128x128xf32>
    %get3A_14 = vector.shape_cast %get3A_13 : vector<1x128x128xf32> to vector<128x128xf32>
    %dot_general3A_15 = arith.constant dense<0.000000e+00> : vector<1000x128xf32>
    %dot_general3A_16 = tpu.matmul %get3A_1, %get3A_14, %dot_general3A_15 {dimension_numbers = #tpu.dot_dimension_numbers<[1], [0], [0], [1], [0, 0, 1, 1], [], []>, transpose_lhs_hint = false} : vector<1000x128xf32>, vector<128x128xf32>, vector<1000x128xf32> -> vector<1000x128xf32>
    %swap3A_17 = arith.constant 0 : index
    %swap3A_18 = arith.constant 0 : index
    %swap3A_19 = vector.load %arg4[%swap3A_17, %swap3A_18] : memref<1000x128xf32, #tpu.memory_space<vmem>>, vector<1000x128xf32>
    tpu.vector_store %arg4[%swap3A_17, %swap3A_18], %dot_general3A_16 {strides = array<i32>} : memref<1000x128xf32, #tpu.memory_space<vmem>>, vector<1000x128xf32>,
    return
  }
  func.func @transform_0(%arg0: i32) -> (i32, i32) {
    %c0_i32 = arith.constant 0 : i32
    %c0_i32_0 = arith.constant 0 : i32
    return %arg0, %c0_i32 : i32, i32
  }
  func.func @transform_1(%arg0: i32) -> (i32, i32, i32) {
    %c0_i32 = arith.constant 0 : i32
    %c0_i32_0 = arith.constant 0 : i32
    %c0_i32_1 = arith.constant 0 : i32
    %c0_i32_2 = arith.constant 0 : i32
    return %c0_i32, %c0_i32_0, %c0_i32_1 : i32, i32, i32
  }
  func.func @transform_2(%arg0: i32) -> (i32, i32) {
    %c0_i32 = arith.constant 0 : i32
    %c0_i32_0 = arith.constant 0 : i32
    return %arg0, %c0_i32 : i32, i32
  }
  func.func @transform_3(%arg0: i32) -> (i32, i32) {
    %c0_i32 = arith.constant 0 : i32
    %c0_i32_0 = arith.constant 0 : i32
    return %arg0, %c0_i32 : i32, i32
  }
}

module attributes {stable_mosaic.version = 14 : i64} {
  func.func @body(%arg0: i32, %arg1: memref<2x1000x128xf32, #tpu.memory_space<vmem>>, %arg2: memref<2x1000x1xf32, #tpu.memory_space<vmem>>, %arg3: memref<1000x128xf32, #tpu.memory_space<vmem>>, %arg4: memref<1x128xf32, #tpu.memory_space<vmem>>, %arg5: memref<128x8xf32, #tpu.memory_space<vmem>>, %arg6: memref<1000x8xf32, #tpu.memory_space<vmem>>, %arg7: memref<1000x1xf32, #tpu.memory_space<vmem>>) attributes {dimension_semantics = [#tpu.dimension_semantics<arbitrary>], iteration_bounds = array<i64: 10>, scalar_prefetch = 0 : i64, scratch_operands = 0 : i64, tpu.core_type = #tpu.core_type<tc>, window_params = [{transform_indices = @transform_0, window_bounds = array<i64: 2, 1000, 128>}, {transform_indices = @transform_1, window_bounds = array<i64: 2, 1000, 1>}, {transform_indices = @transform_2, window_bounds = array<i64: 1000, 128>}, {pipeline_mode = #tpu.pipeline_mode<synchronous>, transform_indices = @transform_3, window_bounds = array<i64: 1, 128>}, {pipeline_mode = #tpu.pipeline_mode<synchronous>, transform_indices = @transform_4, window_bounds = array<i64: 128, 8>}, {transform_indices = @transform_5, window_bounds = array<i64: 1000, 8>}, {transform_indices = @transform_6, window_bounds = array<i64: 1000, 1>}]} {
    %get3A = arith.constant 0 : index
    %get3A_0 = arith.constant 0 : index
    %get3A_1 = arith.constant 0 : index
    %get3A_2 = vector.load %arg1[%get3A, %get3A_0, %get3A_1] : memref<2x1000x128xf32, #tpu.memory_space<vmem>>, vector<1x1000x128xf32>
    %get3A_3 = vector.shape_cast %get3A_2 : vector<1x1000x128xf32> to vector<1000x128xf32>
    %get3A_4 = arith.constant 1 : index
    %get3A_5 = arith.constant 0 : index
    %get3A_6 = arith.constant 0 : index
    %get3A_7 = vector.load %arg1[%get3A_4, %get3A_5, %get3A_6] : memref<2x1000x128xf32, #tpu.memory_space<vmem>>, vector<1x1000x128xf32>
    %get3A_8 = vector.shape_cast %get3A_7 : vector<1x1000x128xf32> to vector<1000x128xf32>
    %add3A = arith.addf %get3A_3, %get3A_8 : vector<1000x128xf32>
    %get3A_9 = arith.constant 0 : index
    %get3A_10 = arith.constant 0 : index
    %get3A_11 = arith.constant 0 : index
    %get3A_12 = vector.load %arg2[%get3A_9, %get3A_10, %get3A_11] : memref<2x1000x1xf32, #tpu.memory_space<vmem>>, vector<1x1000x1xf32>
    %get3A_13 = vector.shape_cast %get3A_12 : vector<1x1000x1xf32> to vector<1000x1xf32>
    %get3A_14 = arith.constant 1 : index
    %get3A_15 = arith.constant 0 : index
    %get3A_16 = arith.constant 0 : index
    %get3A_17 = vector.load %arg2[%get3A_14, %get3A_15, %get3A_16] : memref<2x1000x1xf32, #tpu.memory_space<vmem>>, vector<1x1000x1xf32>
    %get3A_18 = vector.shape_cast %get3A_17 : vector<1x1000x1xf32> to vector<1000x1xf32>
    %add3A_19 = arith.addf %get3A_13, %get3A_18 : vector<1000x1xf32>
    %max3A = arith.constant 1.000000e+00 : f32
    %max3A_20 = vector.broadcast %max3A : f32 to vector<1000x1xf32>
    %max3A_21 = arith.maximumf %add3A_19, %max3A_20 : vector<1000x1xf32>
    %div3A = vector.broadcast %max3A_21 : vector<1000x1xf32> to vector<1000x128xf32>
    %div3A_22 = arith.divf %add3A, %div3A : vector<1000x128xf32>
    %get3A_23 = arith.constant 0 : index
    %get3A_24 = arith.constant 0 : index
    %get3A_25 = vector.load %arg4[%get3A_23, %get3A_24] : memref<1x128xf32, #tpu.memory_space<vmem>>, vector<1x128xf32>
    %add3A_26 = vector.broadcast %get3A_25 : vector<1x128xf32> to vector<1000x128xf32>
    %add3A_27 = arith.addf %div3A_22, %add3A_26 : vector<1000x128xf32>
    %get3A_28 = arith.constant 0 : index
    %get3A_29 = arith.constant 0 : index
    %get3A_30 = vector.load %arg3[%get3A_28, %get3A_29] : memref<1000x128xf32, #tpu.memory_space<vmem>>, vector<1000x128xf32>
    %add3A_31 = arith.addf %add3A_27, %get3A_30 : vector<1000x128xf32>
    %max3A_32 = arith.constant 0.000000e+00 : f32
    %max3A_33 = vector.broadcast %max3A_32 : f32 to vector<1000x128xf32>
    %max3A_34 = arith.maximumf %add3A_31, %max3A_33 : vector<1000x128xf32>
    %get3A_35 = arith.constant 0 : index
    %get3A_36 = arith.constant 0 : index
    %get3A_37 = vector.load %arg5[%get3A_35, %get3A_36] : memref<128x8xf32, #tpu.memory_space<vmem>>, vector<128x8xf32>
    %dot_general3A = arith.constant dense<0.000000e+00> : vector<1000x8xf32>
    %dot_general3A_38 = tpu.matmul %max3A_34, %get3A_37, %dot_general3A {dimension_numbers = #tpu.dot_dimension_numbers<[1], [0], [0], [1], [0, 0, 1, 1], [], []>, transpose_lhs_hint = false} : vector<1000x128xf32>, vector<128x8xf32>, vector<1000x8xf32> -> vector<1000x8xf32>
    %swap3A = arith.constant 0 : index
    %swap3A_39 = arith.constant 0 : index
    %swap3A_40 = vector.load %arg6[%swap3A, %swap3A_39] : memref<1000x8xf32, #tpu.memory_space<vmem>>, vector<1000x8xf32>
    tpu.vector_store %arg6[%swap3A, %swap3A_39], %dot_general3A_38 {strides = array<i32>} : memref<1000x8xf32, #tpu.memory_space<vmem>>, vector<1000x8xf32>,
    %swap3A_41 = arith.constant 0 : index
    %swap3A_42 = arith.constant 0 : index
    %swap3A_43 = vector.load %arg7[%swap3A_41, %swap3A_42] : memref<1000x1xf32, #tpu.memory_space<vmem>>, vector<1000x1xf32>
    tpu.vector_store %arg7[%swap3A_41, %swap3A_42], %max3A_21 {strides = array<i32>} : memref<1000x1xf32, #tpu.memory_space<vmem>>, vector<1000x1xf32>,
    return
  }
  func.func @transform_0(%arg0: i32) -> (i32, i32, i32) {
    %c0_i32 = arith.constant 0 : i32
    %c0_i32_0 = arith.constant 0 : i32
    %c0_i32_1 = arith.constant 0 : i32
    return %c0_i32, %arg0, %c0_i32_0 : i32, i32, i32
  }
  func.func @transform_1(%arg0: i32) -> (i32, i32, i32) {
    %c0_i32 = arith.constant 0 : i32
    %c0_i32_0 = arith.constant 0 : i32
    %c0_i32_1 = arith.constant 0 : i32
    return %c0_i32, %arg0, %c0_i32_0 : i32, i32, i32
  }
  func.func @transform_2(%arg0: i32) -> (i32, i32) {
    %c0_i32 = arith.constant 0 : i32
    %c0_i32_0 = arith.constant 0 : i32
    return %arg0, %c0_i32 : i32, i32
  }
  func.func @transform_3(%arg0: i32) -> (i32, i32) {
    %c0_i32 = arith.constant 0 : i32
    %c0_i32_0 = arith.constant 0 : i32
    %c0_i32_1 = arith.constant 0 : i32
    return %c0_i32, %c0_i32_0 : i32, i32
  }
  func.func @transform_4(%arg0: i32) -> (i32, i32) {
    %c0_i32 = arith.constant 0 : i32
    %c0_i32_0 = arith.constant 0 : i32
    %c0_i32_1 = arith.constant 0 : i32
    return %c0_i32, %c0_i32_0 : i32, i32
  }
  func.func @transform_5(%arg0: i32) -> (i32, i32) {
    %c0_i32 = arith.constant 0 : i32
    %c0_i32_0 = arith.constant 0 : i32
    return %arg0, %c0_i32 : i32, i32
  }
  func.func @transform_6(%arg0: i32) -> (i32, i32) {
    %c0_i32 = arith.constant 0 : i32
    %c0_i32_0 = arith.constant 0 : i32
    return %arg0, %c0_i32 : i32, i32
  }
}

module attributes {stable_mosaic.version = 14 : i64} {
  func.func @body(%arg0: i32, %arg1: memref<2x1000x1xf32, #tpu.memory_space<vmem>>, %arg2: memref<1000x1xf32, #tpu.memory_space<vmem>>, %arg3: memref<1000x8xf32, #tpu.memory_space<vmem>>, %arg4: memref<1x1xf32, #tpu.memory_space<vmem>>, %arg5: memref<1000x1xf32, #tpu.memory_space<vmem>>, %arg6: memref<1000x1xf32, #tpu.memory_space<vmem>>) attributes {dimension_semantics = [#tpu.dimension_semantics<arbitrary>], iteration_bounds = array<i64: 10>, scalar_prefetch = 0 : i64, scratch_operands = 0 : i64, tpu.core_type = #tpu.core_type<tc>, window_params = [{transform_indices = @transform_0, window_bounds = array<i64: 2, 1000, 1>}, {transform_indices = @transform_1, window_bounds = array<i64: 1000, 1>}, {transform_indices = @transform_2, window_bounds = array<i64: 1000, 8>}, {pipeline_mode = #tpu.pipeline_mode<synchronous>, transform_indices = @transform_3, window_bounds = array<i64: 1, 1>}, {transform_indices = @transform_4, window_bounds = array<i64: 1000, 1>}, {transform_indices = @transform_5, window_bounds = array<i64: 1000, 1>}]} {
    %get3A = arith.constant 0 : index
    %get3A_0 = arith.constant 0 : index
    %get3A_1 = arith.constant 0 : index
    %get3A_2 = vector.load %arg1[%get3A, %get3A_0, %get3A_1] : memref<2x1000x1xf32, #tpu.memory_space<vmem>>, vector<2x1000x1xf32>
    %reduce_sum3A = arith.constant dense<0.000000e+00> : vector<1000x1xf32>
    %reduce_sum3A_3 = vector.multi_reduction <add>, %get3A_2, %reduce_sum3A [0] : vector<2x1000x1xf32> to vector<1000x1xf32>
    %get3A_4 = arith.constant 0 : index
    %get3A_5 = arith.constant 1 : index
    %get3A_6 = vector.load %arg3[%get3A_4, %get3A_5] : memref<1000x8xf32, #tpu.memory_space<vmem>>, vector<1000x1xf32>
    %get3A_7 = arith.constant 0 : index
    %get3A_8 = arith.constant 0 : index
    %get3A_9 = vector.load %arg2[%get3A_7, %get3A_8] : memref<1000x1xf32, #tpu.memory_space<vmem>>, vector<1000x1xf32>
    %div3A = arith.divf %reduce_sum3A_3, %get3A_9 : vector<1000x1xf32>
    %get3A_10 = arith.constant 0 : index
    %get3A_11 = arith.constant 0 : index
    %get3A_12 = vector.load %arg4[%get3A_10, %get3A_11] : memref<1x1xf32, #tpu.memory_space<vmem>>, vector<1x1xf32>
    %get3A_13 = vector.extract %get3A_12[0, 0] : f32 from vector<1x1xf32>
    %add3A = vector.broadcast %get3A_13 : f32 to vector<1000x1xf32>
    %add3A_14 = arith.addf %div3A, %add3A : vector<1000x1xf32>
    %add3A_15 = arith.addf %add3A_14, %get3A_6 : vector<1000x1xf32>
    %swap3A = arith.constant 0 : index
    %swap3A_16 = arith.constant 0 : index
    %swap3A_17 = vector.load %arg5[%swap3A, %swap3A_16] : memref<1000x1xf32, #tpu.memory_space<vmem>>, vector<1000x1xf32>
    tpu.vector_store %arg5[%swap3A, %swap3A_16], %add3A_15 {strides = array<i32>} : memref<1000x1xf32, #tpu.memory_space<vmem>>, vector<1000x1xf32>,
    %logistic3A = arith.negf %add3A_15 : vector<1000x1xf32>
    %logistic3A_18 = math.exp %logistic3A : vector<1000x1xf32>
    %logistic3A_19 = arith.constant 1.000000e+00 : f32
    %logistic3A_20 = vector.broadcast %logistic3A_19 : f32 to vector<1000x1xf32>
    %logistic3A_21 = arith.addf %logistic3A_20, %logistic3A_18 : vector<1000x1xf32>
    %logistic3A_22 = arith.divf %logistic3A_20, %logistic3A_21 : vector<1000x1xf32>
    %swap3A_23 = arith.constant 0 : index
    %swap3A_24 = arith.constant 0 : index
    %swap3A_25 = vector.load %arg6[%swap3A_23, %swap3A_24] : memref<1000x1xf32, #tpu.memory_space<vmem>>, vector<1000x1xf32>
    tpu.vector_store %arg6[%swap3A_23, %swap3A_24], %logistic3A_22 {strides = array<i32>} : memref<1000x1xf32, #tpu.memory_space<vmem>>, vector<1000x1xf32>,
    return
  }
  func.func @transform_0(%arg0: i32) -> (i32, i32, i32) {
    %c0_i32 = arith.constant 0 : i32
    %c0_i32_0 = arith.constant 0 : i32
    %c0_i32_1 = arith.constant 0 : i32
    return %c0_i32, %arg0, %c0_i32_0 : i32, i32, i32
  }
  func.func @transform_1(%arg0: i32) -> (i32, i32) {
    %c0_i32 = arith.constant 0 : i32
    %c0_i32_0 = arith.constant 0 : i32
    return %arg0, %c0_i32 : i32, i32
  }
  func.func @transform_2(%arg0: i32) -> (i32, i32) {
    %c0_i32 = arith.constant 0 : i32
    %c0_i32_0 = arith.constant 0 : i32
    return %arg0, %c0_i32 : i32, i32
  }
  func.func @transform_3(%arg0: i32) -> (i32, i32) {
    %c0_i32 = arith.constant 0 : i32
    %c0_i32_0 = arith.constant 0 : i32
    %c0_i32_1 = arith.constant 0 : i32
    return %c0_i32, %c0_i32_0 : i32, i32
  }
  func.func @transform_4(%arg0: i32) -> (i32, i32) {
    %c0_i32 = arith.constant 0 : i32
    %c0_i32_0 = arith.constant 0 : i32
    return %arg0, %c0_i32 : i32, i32
  }
  func.func @transform_5(%arg0: i32) -> (i32, i32) {
    %c0_i32 = arith.constant 0 : i32
    %c0_i32_0 = arith.constant 0 : i32
    return %arg0, %c0_i32 : i32, i32
  }
}

</mosaic_0001>

<sc_bundles>
// kernel: kernel.10.cloned.1.call-start
scs
__scs_entry_jumppad:
0x0: {  	(pc) =	sbr.rel $0x88, $3  }
0x1: {  	(tag) =	ssettag $0x0;
	lr =	simm.s32 $0x1  }
0x2: {  	[smem:$0x3F99] =	sst lr;
	_ =	strace $0xD0000000  }
0x3: {  	_ = 	snop  }
0x4: {  	_ = 	snop  }
0x5: {  	_ = 	snop  }
0x6: {  	_ = 	snop  }
0x7: {  	_ = 	snop  }
__scs_overlays_trampoline_lowered:
0x8: {  	[smem:$0x3FA8] =	sst s0  }
0x9: {  	[smem:$0x3FA9] =	sst s1  }
0xa: {  	[smem:$0x3FAA] =	sst s2  }
0xb: {  	[smem:$0x3FAB] =	sst s3  }
0xc: {  	[smem:$0x3FAC] =	sst s4  }
0xd: {  	[smem:$0x3FAD] =	sst s5  }
0xe: {  	[smem:$0x3FAE] =	sst s6  }
0xf: {  	[smem:$0x3FAF] =	sst s7  }
0x10: {  	[smem:$0x3FB0] =	sst s8  }
0x11: {  	[smem:$0x3FB1] =	sst s9;
	s0 =	simm.s32 @!p0 $0x0  }
0x12: {  	s1 =	sld [smem:$0x3F97];
	s0 =	simm.s32 @p0 $0x1  }
0x13: {  	[smem:$0x3FB2] =	sst s0;
	s0 =	simm.s32 @!p1 $0x0  }
0x14: {  	s2 =	sld [smem:$0x3F96];
	s0 =	simm.s32 @p1 $0x1  }
0x15: {  	[smem:$0x3FB3] =	sst s0;
	s0 =	simm.s32 @!p2 $0x0  }
0x16: {  	s3 =	sld [smem:$0x3FDB];
	s0 =	simm.s32 @p2 $0x1  }
0x17: {  	s4 =	simm.s32 $0x1BF5;
	[smem:$0x3FB5] =	sst s0  }
0x18: {  	s0 =	sld [smem:$0x3F98];
	_ =	swait.ge [sflag:s4], $0x0  }
0x19: {  	s7 =	sld [smem:$0x3F99]  }
0x1a: {  	s8 =	sadd.s32 $0xFFFFE003, lr  }
0x1b: {  	s9 =	sadd.s32 $0xFFFFFEF7, lr;
	s5 =	simm.s32 $0xFFFFFFFF;
	p2 =	slt.u32 s8, $0xFFFFF086  }
0x1c: {  	p1 =	slt.u32 s9, $0xF7A;
	s5 =	simm.s32 @!p2 $0x0  }
0x1d: {  	s5 =	simm.s32 @p1 $0x1;
	p0 =	seq.s32 s7, s2  }
0x1e: {  	s7 =	smul.u32 @!p0 $0xF7A, s2;
	p2 =	seq.s32 @!p0 s5, $0x0  }
0x1f: {  	s9 =	smul.u32 $0xF7A, s1;
	s8 =	simm.s32 @!p0 $0x1BF5;
	p2 =	por !p2, p0  }
0x20: {  	[sflag:s8] =	ssyncset.s32 @!p0 $0xFFFFF086;
	s6 =	sadd.s32 @!p0 s3, s7;
	s7 =	simm.s32 @!p0 $0x108  }
0x21: {  	s3 =	sadd.s32 s3, s9;
	s6 =	sadd.s32 @!p0 $0x88, s6;
	s7 =	simm.s32 @p2 $0x1082  }
0x22: {  	[simem:s7], [sflag:s8] =	dma.local @!p0 [hbm:s6], $0xF7A  }
0x23: {  	s9 =	sor.u32 $0xD0000000, s2;
	s6 =	simm.s32 $0x108;
	_ =	swait.ge @!p0 [sflag:s8], $0x0  }
0x24: {  	s3 =	sadd.s32 $0x88, s3;
	s6 =	simm.s32 @!p1 $0x1082;
	[sflag:s4] =	ssyncset.s32 $0xFFFFF086  }
0x25: {  	[simem:s6], [sflag:s4] =	dma.local [hbm:s3], $0xF7A  }
0x26: {  	[smem:$0x3F99] =	sst s1;
	(tag) =	ssettag s2;
	_ =	strace s9  }
0x27: {  	s1 =	sld [smem:$0x3FA9]  }
0x28: {  	s2 =	sld [smem:$0x3FAA]  }
0x29: {  	s4 =	sld [smem:$0x3FAC]  }
0x2a: {  	p0 =	seq.s32 s5, $0x0;
	s5 =	sld [smem:$0x3FAD]  }
0x2b: {  	s6 =	sld [smem:$0x3FAE]  }
0x2c: {  	s7 =	sld [smem:$0x3FAF]  }
0x2d: {  	s3 =	simm.s32 $0x108;
	s8 =	sld [smem:$0x3FB0]  }
0x2e: {  	s3 =	simm.s32 @!p0 $0x1082;
	s9 =	sld [smem:$0x3FB1]  }
0x2f: {  	lr =	sadd.s32 s0, s3;
	s0 =	sld [smem:$0x3FA8]  }
0x30: {  	s3 =	sld [smem:$0x3FAB]  }
0x31: {  	[smem:$0x3FB4] =	sst s10  }
0x32: {  	s10 =	sld [smem:$0x3FB2];
	_ =	sdelay $0x3  }
0x33: {  	p0 =	seq.s32 s10, $0x1;
	s10 =	sld [smem:$0x3FB4];
	_ =	sdelay $0x3  }
0x34: {  	[smem:$0x3FB4] =	sst s10  }
0x35: {  	s10 =	sld [smem:$0x3FB3];
	_ =	sdelay $0x3  }
0x36: {  	p1 =	seq.s32 s10, $0x1;
	s10 =	sld [smem:$0x3FB4];
	_ =	sdelay $0x3  }
0x37: {  	[smem:$0x3FB4] =	sst s10  }
0x38: {  	s10 =	sld [smem:$0x3FB5]  }
0x39: {  	_ = 	snop;
	(pc) =	sbr.ind lr, $3  }
0x3a: {  	_ = 	snop  }
0x3b: {  	_ = 	snop  }
0x3c: {  	p2 =	seq.s32 s10, $0x1;
	s10 =	sld [smem:$0x3FB4]  }
0x3d: {  	_ =	shalt  }
0x3e: {  	_ =	shalt  }
0x3f: {  	_ =	shalt  }
0x40: {  	_ =	shalt  }
0x41: {  	_ =	shalt  }
0x42: {  	_ =	shalt  }
0x43: {  	_ =	shalt  }
0x44: {  	_ =	shalt  }
0x45: {  	_ =	shalt  }
0x46: {  	_ =	shalt  }
0x47: {  	_ =	shalt  }
0x48: {  	_ =	shalt  }
0x49: {  	_ =	shalt  }
0x4a: {  	_ =	shalt  }
0x4b: {  	_ =	shalt  }
0x4c: {  	_ =	shalt  }
0x4d: {  	_ =	shalt  }
0x4e: {  	_ =	shalt  }
0x4f: {  	_ =	shalt  }
0x50: {  	_ =	shalt  }
0x51: {  	_ =	shalt  }
0x52: {  	_ =	shalt  }
0x53: {  	_ =	shalt  }
0x54: {  	_ =	shalt  }
0x55: {  	_ =	shalt  }
0x56: {  	_ =	shalt  }
0x57: {  	_ =	shalt  }
0x58: {  	_ =	shalt  }
0x59: {  	_ =	shalt  }
0x5a: {  	_ =	shalt  }
0x5b: {  	_ =	shalt  }
0x5c: {  	_ =	shalt  }
0x5d: {  	_ =	shalt  }
0x5e: {  	_ =	shalt  }
0x5f: {  	_ =	shalt  }
0x60: {  	_ =	shalt  }
0x61: {  	_ =	shalt  }
0x62: {  	_ =	shalt  }
0x63: {  	_ =	shalt  }
0x64: {  	_ =	shalt  }
0x65: {  	_ =	shalt  }
0x66: {  	_ =	shalt  }
0x67: {  	_ =	shalt  }
0x68: {  	_ =	shalt  }
0x69: {  	_ =	shalt  }
0x6a: {  	_ =	shalt  }
0x6b: {  	_ =	shalt  }
0x6c: {  	_ =	shalt  }
0x6d: {  	_ =	shalt  }
0x6e: {  	_ =	shalt  }
0x6f: {  	_ =	shalt  }
0x70: {  	_ =	shalt  }
0x71: {  	_ =	shalt  }
0x72: {  	_ =	shalt  }
0x73: {  	_ =	shalt  }
0x74: {  	_ =	shalt  }
0x75: {  	_ =	shalt  }
0x76: {  	_ =	shalt  }
0x77: {  	_ =	shalt  }
0x78: {  	_ =	shalt  }
0x79: {  	_ =	shalt  }
0x7a: {  	_ =	shalt  }
0x7b: {  	_ =	shalt  }
0x7c: {  	_ =	shalt  }
0x7d: {  	_ =	shalt  }
0x7e: {  	_ =	shalt  }
0x7f: {  	_ =	shalt  }
0x80: {  	_ =	shalt  }
0x81: {  	_ =	shalt  }
0x82: {  	_ =	shalt  }
0x83: {  	_ =	shalt  }
0x84: {  	_ =	shalt  }
0x85: {  	_ =	shalt  }
0x86: {  	_ =	shalt  }
0x87: {  	_ =	shalt  }
.Lfunc_end0:
.L_simem_size_0:
called_computation.1_lowered:
.L_overlay_start_0:
0x88: {  	s2 =	sld [smem:$0x3FD9]  }
0x89: {  	s3 =	sld [smem:$0x3FFE];
	_ =	sdelay $0x1  }
0x8a: {  	s1 =	srdreg.scid  }
0x8b: {  	s0 =	sand.u32 $0x1, s1  }
0x8c: {  	s14 =	sshll.u32 s0, $0xA;
	s2 =	sadd.s32 s3, s2  }
0x8d: {  	s2 =	sadd.s32 s2, s14  }
0x8e: {  	[smem:$0x3FC0] =	sst s2  }
0x8f: {  	_ = 	snop  }
0x90: {  	s2 =	sld [smem:$0x3FD0];
	_ =	sdelay $0x2  }
0x91: {  	s15 =	simm.s32 $0xA;
	s4 =	simm.s32 $0x10  }
0x92: {  	[smem:s4], [sflag:s15] =	dma.local [hbm:s2], $0x1  }
0x93: {  	_ =	swait.eq [sflag:s15], $0x1  }
0x94: {  	[sflag:s15] =	ssyncset.done $0x0  }
0x95: {  	[sflag:s15] =	ssyncadd.s32 $0xFFFFFFFF  }
0x96: {  	s16 =	sld [smem:$0x11];
	(tm) =	ssettm $0x1  }
0x97: {  	s17 =	sld [smem:$0x3FFB];
	_ =	sdelay $0x3  }
0x98: {  	_ =	strace s17  }
0x99: {  	s3 =	sld [smem:$0x3FFC];
	_ =	sdelay $0x3  }
0x9a: {  	_ =	strace s3  }
0x9b: {  	s3 =	sld [smem:$0x3FFD];
	_ =	sdelay $0x3  }
0x9c: {  	_ =	strace s3  }
0x9d: {  	_ =	strace $0x8FFFFFFF  }
0x9e: {  	s18 =	sld [smem:$0x3FDB];
	_ =	sdelay $0x1  }
0x9f: {  	s19 =	simm.s32 $_scs_section_size  }
0xa0: {  	s5 =	simm.s32 $_size__tile_overlayer_lowered;
	s6 =	simm.s32 $_tile_overlayer_lowered  }
0xa1: {  	s22 =	simm.s32 $0x1BFF;
	s21 =	sshll.u32 s6, $0x1;
	s3 =	sadd.s32 s19, s18  }
0xa2: {  	s7 =	simm.s32 $0x0;
	s20 =	sshll.u32 s5, $0x1;
	s5 =	sadd.s32 s21, s3  }
0xa3: {  	[timem:s7], [sflag:s22] =	dma.local [hbm:s5], s20  }
0xa4: {  	_ =	swait.ge [sflag:s22], s20  }
0xa5: {  	s4 =	ssub.s32 $0x0, s20;
	[sflag:s22] =	ssyncset.done $0x0  }
0xa6: {  	[sflag:s22] =	ssyncadd.s32 s4;
	_ =	sdelay $0x1  }
0xa7: {  	s23 =	simm.s32 $0x1B8B  }
0xa8: {  	_ =	swait.ge [sflag:s23], $0x1  }
0xa9: {  	[sflag:s23] =	ssyncset.done $0x0  }
0xaa: {  	s25 =	simm.s32 $0x1B8E;
	s24 =	sld [smem:$0x3FFE];
	[sflag:s23] =	ssyncadd.s32 $0xFFFFFFFF  }
0xab: {  	s26 =	simm.s32 $execute0_lowered;
	[smem:$0x3FD2] =	sst s25  }
0xac: {  	s5 =	sshll.u32 s26, $0x1;
	_ =	strace $0x80000049;
	[dreg:$0x1] =	wrdreg $0xFFFFFFFF  }
0xad: {  	s28 =	simm.s32 $_size_execute0_lowered;
	s3 =	sadd.s32 s3, s5;
	[dreg:$0x0] =	wrdreg $0x0  }
0xae: {  	s5 =	sshll.u32 s28, $0x1;
	[dreg:$0x2] =	wrdreg s3  }
0xaf: {  	[dreg:$0x3] =	wrdreg s5  }
0xb0: {  	[dreg:$0x4] =	wrdreg $0xC0  }
0xb1: {  	_ =	task [dreg:s7], $0x5FFFF  }
0xb2: {  	[dreg:$0x1] =	wrdreg $0xFFFFFFFF  }
0xb3: {  	[dreg:$0x0] =	wrdreg $0x60  }
0xb4: {  	[dreg:$0x2] =	wrdreg s24  }
0xb5: {  	[dreg:$0x3] =	wrdreg s16  }
0xb6: {  	[dreg:$0x4] =	wrdreg $0x63800  }
0xb7: {  	[dreg:$0x5] =	wrdreg $0x9  }
0xb8: {  	_ =	task.clear_ibuf [dreg:s7], $0x6FFFF;
	_ =	strace $0x90000049  }
0xb9: {  	s29 =	simm.s32 $0x9;
	_ =	strace $0x8000004B  }
0xba: {  	_ =	swait.ge [sflag:s29], $0x1  }
0xbb: {  	[sflag:s29] =	ssyncadd.s32 $0xFFFFFFFF  }
0xbc: {  	_ =	strace $0x9000004B  }
0xbd: {  	_ =	sfence  }
0xbe: {  	s30 =	sld [smem:$0x0];
	_ =	sdelay $0x2  }
0xbf: {  	s31 =	sshll.u32 s1, $0xD;
	s1 =	sshrl.u32 s1, $0x2  }
0xc0: {  	s3 =	sand.u32 $0x4000, s31;
	s1 =	sadd.s32 s1, s30  }
0xc1: {  	s0 =	sor.u32 s3, s0;
	s1 =	sshll.u32 s1, $0x11  }
0xc2: {  	s0 =	sor.u32 s1, s0  }
0xc3: {  	s0 =	sadd.s32 $0x8F2B, s0  }
0xc4: {  	[sflag:s0] =	ssyncadd.remote.s32 $0x1  }
0xc5: {  	_ =	sfence.sel $0xFFFF  }
0xc6: {  	[dreg:$0x0] =	wrdreg $0xFFFFFFFF;
	(pc) =	sbr.abs _section_cstart, $3  }
0xc7: {  	[dreg:$0x1] =	wrdreg $0xFFFFFFFF  }
0xc8: {  	_ =	task.clear_ibuf [dreg:s7], $0x2FFFF;
	_ =	strace $0x9FFFFFFF  }
0xc9: {  	(tm) =	ssettm $0x7FFFFFFF  }
tec
execute0_lowered:
.L_overlay_start_1:
0x0: {  	(tag) =	ssettag $0x1  }
0x1: {  	s6 =	rddreg [dreg:$0x0]  }
0x2: {  	s1 =	rddreg [dreg:$0x1]  }
0x3: {  	s2 =	rddreg [dreg:$0x2]  }
0x4: {  	s3 =	srdreg.scid;
	s0 =	rddreg [dreg:$0x3];
	s4 =	simm.s32 $0x0  }
0x5: {  	s12 =	simm.s32 $0x5;
	s13 =	simm.s32 $0x3000;
	s14 =	simm.s32 $0x80  }
0x6: {  	s15 =	simm.s32 $0x6000;
	s16 =	simm.s32 $0x6080;
	s17 =	simm.s32 $0x1  }
0x7: {  	s18 =	simm.s32 $0x3;
	s19 =	simm.s32 $0x2;
	s20 =	simm.s32 $0x4  }
0x8: {  	s21 =	simm.s32 $0x100;
	s22 =	simm.s32 $0x0;
	s7 =	sand.u32 $0x1, s3  }
0x9: {  	s3 =	stileid.u32;
	[smem:$0x7FF] =	sst s4;
	s5 =	sshll.u32 s7, $0x4  }
0xa: {  	s8 =	smul.u32 $0x500, s3;
	_ =	strace $0x8000004A;
	s10 =	sshll.u32 s7, $0x7  }
0xb: {  	s28 =	smul.u32 $0xA00, s3;
	s7 =	ssub.s32 $0x2, s7;
	s5 =	sor.u32 s3, s5  }
0xc: {  	s29 =	sshrl.u32 s7, $0x1;
	s9 =	smul.u32 $0x600, s5;
	s5 =	sadd.s32 $0x18E00, s6  }
0xd: {  	s8 =	sor.u32 s10, s8;
	s30 =	sshrl.u32 s28, $0x2;
	s31 =	ssub.s32 s7, s29  }
0xe: {  	s8 =	sshrl.u32 s8, $0x3;
	s10 =	smax.u32 s31, $0x1;
	s9 =	sadd.s32 s9, s6  }
0xf: {  	s11 =	sadd.s32 s8, s6;
	s6 =	sadd.s32 s30, s2;
	s7 =	sadd.s32 $0xE00, s9  }
0x10: {  	s8 =	sadd.s32 $0xCE00, s9;
	s9 =	sadd.s32 $0x19400, s11;
	s11 =	simm.s32 $0x6100  }
.LBB2_1:
0x11: {  	[tilespmem:s11], [sflag:$0x5] =	stream.linear.gather [hbm4b:s1+s4], $0x280, $0x38;
	[tilespmem:$0x6600] =	vst v63  }
0x12: {  	_ =	swait.ge [sflag:s12], $0x280  }
0x13: {  	[sflag:s12] =	ssyncset.done $0x0  }
0x14: {  	[sflag:s12] =	ssyncadd.s32 $0xFFFFFD80  }
0x15: {  	[spmem:s6] =	stream.linear.scatter [tilespmem:s11], [sflag:$0x5], $0x280, $0x38;
	[tilespmem:$0x6600] =	vst v63  }
0x16: {  	_ =	swait.ge [sflag:s12], $0x280  }
0x17: {  	[sflag:s12] =	ssyncset.done $0x0  }
0x18: {  	[sflag:s12] =	ssyncadd.s32 $0xFFFFFD80  }
0x19: {  	[tilespmem:s4], [sflag:$0x5] =	stream.linear.gather [hbm4b:s7+s4], $0x3000, $0x38;
	[tilespmem:$0x6600] =	vst v63  }
0x1a: {  	_ =	swait.ge [sflag:s12], $0x3000  }
0x1b: {  	[sflag:s12] =	ssyncset.done $0x0  }
0x1c: {  	[sflag:s12] =	ssyncadd.s32 $0xFFFFD000  }
0x1d: {  	[tilespmem:s13], [sflag:$0x5] =	stream.linear.gather [hbm4b:s8+s4], $0x3000, $0x38;
	[tilespmem:$0x6600] =	vst v63  }
0x1e: {  	_ =	swait.ge [sflag:s12], $0x3000  }
0x1f: {  	[sflag:s12] =	ssyncset.done $0x0  }
0x20: {  	[sflag:s12] =	ssyncadd.s32 $0xFFFFD000  }
0x21: {  	[tilespmem:s15], [sflag:$0x1] =	stream.indirect.gather [hbm4b:s5+s14], $0x1, s4, s14, $0xb8;
	[tilespmem:$0x6600] =	vst v63  }
0x22: {  	_ = 	snop  }
0x23: {  	[tilespmem:s16], [sflag:$0x2] =	stream.indirect.gather [hbm4b:s5+s14], $0x1, s14, s14, $0xb8;
	[tilespmem:$0x6600] =	vst v63  }
0x24: {  	[bflag:$0x0] =	sbarrier.arrive $0xFFFF  }
0x25: {  	_ =	swait.ge [sflag:s17], $0x80  }
0x26: {  	[sflag:s17] =	ssyncset.done $0x0  }
0x27: {  	s23 =	simm.s32 $0x3000;
	[sflag:s17] =	ssyncadd.s32 $0xFFFFFF80  }
0x28: {  	[spmem:s2] =	stream.indirect.scatter.add.f32 [tilespmem:s15], [sflag:$0x3], $0x1, s23, s14, $0xb8;
	[tilespmem:$0x6600] =	vst v63  }
0x29: {  	_ =	swait.ge [sflag:s18], $0x80  }
0x2a: {  	[sflag:s18] =	ssyncset.done $0x0  }
0x2b: {  	s30 =	simm.s32 $0x100;
	[sflag:s18] =	ssyncadd.s32 $0xFFFFFF80  }
0x2c: {  	[tilespmem:s15], [sflag:$0x1] =	stream.indirect.gather [hbm4b:s5+s14], $0x1, s30, s14, $0xb8;
	[tilespmem:$0x6600] =	vst v63  }
0x2d: {  	_ =	swait.ge [sflag:s19], $0x80  }
0x2e: {  	[sflag:s19] =	ssyncset.done $0x0  }
0x2f: {  	s31 =	simm.s32 $0x3080;
	[sflag:s19] =	ssyncadd.s32 $0xFFFFFF80  }
0x30: {  	[spmem:s2] =	stream.indirect.scatter.add.f32 [tilespmem:s16], [sflag:$0x4], $0x1, s31, s14, $0xb8;
	[tilespmem:$0x6600] =	vst v63  }
0x31: {  	_ =	swait.ge [sflag:s20], $0x80  }
0x32: {  	[sflag:s20] =	ssyncset.done $0x0  }
0x33: {  	s24 =	simm.s32 $0x180;
	s23 =	simm.s32 $0x400;
	[sflag:s20] =	ssyncadd.s32 $0xFFFFFF80  }
.LBB2_2:
0x34: {  	[tilespmem:s16], [sflag:$0x2] =	stream.indirect.gather [hbm4b:s5+s14], $0x1, s24, s14, $0xb8;
	[tilespmem:$0x6600] =	vst v63  }
0x35: {  	s24 =	smov.u32 s23  }
0x36: {  	p0 =	sne.s32 s23, $0x9C00;
	s23 =	sadd.s32 $0x400, s23;
	_ =	swait.ge [sflag:s17], $0x80  }
0x37: {  	s24 =	sshra.s32 s24, $0x2;
	[sflag:s17] =	ssyncset.done $0x0  }
0x38: {  	s25 =	sadd.s32 $0x3000, s24;
	[sflag:s17] =	ssyncadd.s32 $0xFFFFFF80  }
0x39: {  	[spmem:s2] =	stream.indirect.scatter.add.f32 [tilespmem:s15], [sflag:$0x3], $0x1, s25, s14, $0xb8;
	[tilespmem:$0x6600] =	vst v63  }
0x3a: {  	_ =	swait.ge [sflag:s18], $0x80  }
0x3b: {  	[sflag:s18] =	ssyncset.done $0x0  }
0x3c: {  	s25 =	sadd.s32 $0x100, s24;
	[sflag:s18] =	ssyncadd.s32 $0xFFFFFF80  }
0x3d: {  	[tilespmem:s15], [sflag:$0x1] =	stream.indirect.gather [hbm4b:s5+s14], $0x1, s25, s14, $0xb8;
	[tilespmem:$0x6600] =	vst v63  }
0x3e: {  	_ =	swait.ge [sflag:s19], $0x80  }
0x3f: {  	[sflag:s19] =	ssyncset.done $0x0  }
.Ltmp0:
0x40: {  	s25 =	sadd.s32 $0x3080, s24;
	[sflag:s19] =	ssyncadd.s32 $0xFFFFFF80;
	(pc) =	sbr.rel @p0 .LBB2_2-.Ltmp0, $4  }
0x41: {  	[spmem:s2] =	stream.indirect.scatter.add.f32 [tilespmem:s16], [sflag:$0x4], $0x1, s25, s14, $0xb8;
	[tilespmem:$0x6600] =	vst v63  }
0x42: {  	_ =	swait.ge [sflag:s20], $0x80  }
0x43: {  	[sflag:s20] =	ssyncset.done $0x0  }
0x44: {  	s24 =	sadd.s32 $0x180, s24;
	[sflag:s20] =	ssyncadd.s32 $0xFFFFFF80  }
0x45: {  	[tilespmem:s16], [sflag:$0x2] =	stream.indirect.gather [hbm4b:s5+s14], $0x1, s24, s14, $0xb8;
	[tilespmem:$0x6600] =	vst v63  }
0x46: {  	_ =	swait.ge [sflag:s17], $0x80  }
0x47: {  	[sflag:s17] =	ssyncset.done $0x0  }
0x48: {  	[sflag:s17] =	ssyncadd.s32 $0xFFFFFF80  }
0x49: {  	_ =	swait.ge [sflag:s19], $0x80  }
0x4a: {  	[sflag:s19] =	ssyncset.done $0x0  }
0x4b: {  	[sflag:s19] =	ssyncadd.s32 $0xFFFFFF80  }
0x4c: {  	[bflag:$0x0] =	sbarrier.arrive $0xFFFF  }
0x4d: {  	[tilespmem:s11], [sflag:$0x5] =	stream.linear.gather [spmem:s6], $0x280, $0x38;
	[tilespmem:$0x6600] =	vst v63  }
0x4e: {  	s22 =	sadd.s32 $0x1, s22;
	_ =	swait.ge [sflag:s12], $0x280  }
0x4f: {  	p0 =	sne.s32 s22, s10;
	[sflag:s12] =	ssyncset.done $0x0  }
.Ltmp1:
0x50: {  	[sflag:s12] =	ssyncadd.s32 $0xFFFFFD80;
	(pc) =	sbr.rel @p0 .LBB2_1-.Ltmp1, $4  }
0x51: {  	[hbm4b:s9+s14] =	stream.strided.scatter [tilespmem:s11], [sflag:$0x5], $0x280, s21, s14, $0x38;
	[tilespmem:$0x6600] =	vst v63  }
0x52: {  	_ =	swait.ge [sflag:s12], $0x280  }
0x53: {  	[sflag:s12] =	ssyncset.done $0x0  }
0x54: {  	[sflag:s12] =	ssyncadd.s32 $0xFFFFFD80  }
0x55: {  	_ =	sfence.sel $0x180000  }
0x56: {  	[bflag:$0x0] =	sbarrier.arrive $0xFFFF  }
0x57: {  	p0 =	sne.s32 s3, $0x0;
	_ =	strace $0x9000004A  }
0x58: {  	s0 =	sadd.s32 @!p0 $0x100000, s0;
	[bflag:$0x2] =	sbarrier.arrive $0xFFFF  }
0x59: {  	[sflag:s0] =	ssyncadd.tile.s32 @!p0 $0x1;
	_ =	shalt  }
.Lfunc_end2:
_tile_overlayer_lowered:
.L_overlay_start_2:
0x5a: {  	(tag) =	ssettag $0x2  }
0x5b: {  	s0 =	rddreg [dreg:$0x0];
	s2 =	stileid.u32  }
0x5c: {  	s1 =	rddreg [dreg:$0x1];
	p0 =	sne.s32 s2, $0x0  }
0x5d: {  	s3 =	rddreg [dreg:$0x2];
	[bflag:$0x3] =	sbarrier.arrive $0xFFFF;
	s2 =	simm.s32 @!p0 $0x1C05  }
0x5e: {  	[timem:s3], [sflag:s2] =	dma.local @!p0 [hbm:s0], s1  }
0x5f: {  	s0 =	simm.s32 @!p0 $0x5  }
0x60: {  	_ =	swait.ge @!p0 [sflag:s0], s1  }
0x61: {  	s1 =	ssub.s32 @!p0 $0x0, s1;
	[sflag:s0] =	ssyncset.done @!p0 $0x0  }
0x62: {  	[sflag:s0] =	ssyncadd.s32 @!p0 s1  }
0x63: {  	[bflag:$0x3] =	sbarrier.arrive $0xFFFF  }
0x64: {  	_ =	shalt  }

// kernel: kernel.7.cloned.1.call-start
scs
__scs_entry_jumppad:
0x0: {  	(pc) =	sbr.rel $0x88, $3  }
0x1: {  	(tag) =	ssettag $0x0;
	lr =	simm.s32 $0x1  }
0x2: {  	[smem:$0x3F99] =	sst lr;
	_ =	strace $0xD0000000  }
0x3: {  	_ = 	snop  }
0x4: {  	_ = 	snop  }
0x5: {  	_ = 	snop  }
0x6: {  	_ = 	snop  }
0x7: {  	_ = 	snop  }
__scs_overlays_trampoline_lowered:
0x8: {  	[smem:$0x3FA8] =	sst s0  }
0x9: {  	[smem:$0x3FA9] =	sst s1  }
0xa: {  	[smem:$0x3FAA] =	sst s2  }
0xb: {  	[smem:$0x3FAB] =	sst s3  }
0xc: {  	[smem:$0x3FAC] =	sst s4  }
0xd: {  	[smem:$0x3FAD] =	sst s5  }
0xe: {  	[smem:$0x3FAE] =	sst s6  }
0xf: {  	[smem:$0x3FAF] =	sst s7  }
0x10: {  	[smem:$0x3FB0] =	sst s8  }
0x11: {  	[smem:$0x3FB1] =	sst s9;
	s0 =	simm.s32 @!p0 $0x0  }
0x12: {  	s1 =	sld [smem:$0x3F97];
	s0 =	simm.s32 @p0 $0x1  }
0x13: {  	[smem:$0x3FB2] =	sst s0;
	s0 =	simm.s32 @!p1 $0x0  }
0x14: {  	s2 =	sld [smem:$0x3F96];
	s0 =	simm.s32 @p1 $0x1  }
0x15: {  	[smem:$0x3FB3] =	sst s0;
	s0 =	simm.s32 @!p2 $0x0  }
0x16: {  	s3 =	sld [smem:$0x3FDB];
	s0 =	simm.s32 @p2 $0x1  }
0x17: {  	s4 =	simm.s32 $0x1BF5;
	[smem:$0x3FB5] =	sst s0  }
0x18: {  	s0 =	sld [smem:$0x3F98];
	_ =	swait.ge [sflag:s4], $0x0  }
0x19: {  	s7 =	sld [smem:$0x3F99]  }
0x1a: {  	s8 =	sadd.s32 $0xFFFFE003, lr  }
0x1b: {  	s9 =	sadd.s32 $0xFFFFFEF7, lr;
	s5 =	simm.s32 $0xFFFFFFFF;
	p2 =	slt.u32 s8, $0xFFFFF086  }
0x1c: {  	p1 =	slt.u32 s9, $0xF7A;
	s5 =	simm.s32 @!p2 $0x0  }
0x1d: {  	s5 =	simm.s32 @p1 $0x1;
	p0 =	seq.s32 s7, s2  }
0x1e: {  	s7 =	smul.u32 @!p0 $0xF7A, s2;
	p2 =	seq.s32 @!p0 s5, $0x0  }
0x1f: {  	s9 =	smul.u32 $0xF7A, s1;
	s8 =	simm.s32 @!p0 $0x1BF5;
	p2 =	por !p2, p0  }
0x20: {  	[sflag:s8] =	ssyncset.s32 @!p0 $0xFFFFF086;
	s6 =	sadd.s32 @!p0 s3, s7;
	s7 =	simm.s32 @!p0 $0x108  }
0x21: {  	s3 =	sadd.s32 s3, s9;
	s6 =	sadd.s32 @!p0 $0x88, s6;
	s7 =	simm.s32 @p2 $0x1082  }
0x22: {  	[simem:s7], [sflag:s8] =	dma.local @!p0 [hbm:s6], $0xF7A  }
0x23: {  	s9 =	sor.u32 $0xD0000000, s2;
	s6 =	simm.s32 $0x108;
	_ =	swait.ge @!p0 [sflag:s8], $0x0  }
0x24: {  	s3 =	sadd.s32 $0x88, s3;
	s6 =	simm.s32 @!p1 $0x1082;
	[sflag:s4] =	ssyncset.s32 $0xFFFFF086  }
0x25: {  	[simem:s6], [sflag:s4] =	dma.local [hbm:s3], $0xF7A  }
0x26: {  	[smem:$0x3F99] =	sst s1;
	(tag) =	ssettag s2;
	_ =	strace s9  }
0x27: {  	s1 =	sld [smem:$0x3FA9]  }
0x28: {  	s2 =	sld [smem:$0x3FAA]  }
0x29: {  	s4 =	sld [smem:$0x3FAC]  }
0x2a: {  	p0 =	seq.s32 s5, $0x0;
	s5 =	sld [smem:$0x3FAD]  }
0x2b: {  	s6 =	sld [smem:$0x3FAE]  }
0x2c: {  	s7 =	sld [smem:$0x3FAF]  }
0x2d: {  	s3 =	simm.s32 $0x108;
	s8 =	sld [smem:$0x3FB0]  }
0x2e: {  	s3 =	simm.s32 @!p0 $0x1082;
	s9 =	sld [smem:$0x3FB1]  }
0x2f: {  	lr =	sadd.s32 s0, s3;
	s0 =	sld [smem:$0x3FA8]  }
0x30: {  	s3 =	sld [smem:$0x3FAB]  }
0x31: {  	[smem:$0x3FB4] =	sst s10  }
0x32: {  	s10 =	sld [smem:$0x3FB2];
	_ =	sdelay $0x3  }
0x33: {  	p0 =	seq.s32 s10, $0x1;
	s10 =	sld [smem:$0x3FB4];
	_ =	sdelay $0x3  }
0x34: {  	[smem:$0x3FB4] =	sst s10  }
0x35: {  	s10 =	sld [smem:$0x3FB3];
	_ =	sdelay $0x3  }
0x36: {  	p1 =	seq.s32 s10, $0x1;
	s10 =	sld [smem:$0x3FB4];
	_ =	sdelay $0x3  }
0x37: {  	[smem:$0x3FB4] =	sst s10  }
0x38: {  	s10 =	sld [smem:$0x3FB5]  }
0x39: {  	_ = 	snop;
	(pc) =	sbr.ind lr, $3  }
0x3a: {  	_ = 	snop  }
0x3b: {  	_ = 	snop  }
0x3c: {  	p2 =	seq.s32 s10, $0x1;
	s10 =	sld [smem:$0x3FB4]  }
0x3d: {  	_ =	shalt  }
0x3e: {  	_ =	shalt  }
0x3f: {  	_ =	shalt  }
0x40: {  	_ =	shalt  }
0x41: {  	_ =	shalt  }
0x42: {  	_ =	shalt  }
0x43: {  	_ =	shalt  }
0x44: {  	_ =	shalt  }
0x45: {  	_ =	shalt  }
0x46: {  	_ =	shalt  }
0x47: {  	_ =	shalt  }
0x48: {  	_ =	shalt  }
0x49: {  	_ =	shalt  }
0x4a: {  	_ =	shalt  }
0x4b: {  	_ =	shalt  }
0x4c: {  	_ =	shalt  }
0x4d: {  	_ =	shalt  }
0x4e: {  	_ =	shalt  }
0x4f: {  	_ =	shalt  }
0x50: {  	_ =	shalt  }
0x51: {  	_ =	shalt  }
0x52: {  	_ =	shalt  }
0x53: {  	_ =	shalt  }
0x54: {  	_ =	shalt  }
0x55: {  	_ =	shalt  }
0x56: {  	_ =	shalt  }
0x57: {  	_ =	shalt  }
0x58: {  	_ =	shalt  }
0x59: {  	_ =	shalt  }
0x5a: {  	_ =	shalt  }
0x5b: {  	_ =	shalt  }
0x5c: {  	_ =	shalt  }
0x5d: {  	_ =	shalt  }
0x5e: {  	_ =	shalt  }
0x5f: {  	_ =	shalt  }
0x60: {  	_ =	shalt  }
0x61: {  	_ =	shalt  }
0x62: {  	_ =	shalt  }
0x63: {  	_ =	shalt  }
0x64: {  	_ =	shalt  }
0x65: {  	_ =	shalt  }
0x66: {  	_ =	shalt  }
0x67: {  	_ =	shalt  }
0x68: {  	_ =	shalt  }
0x69: {  	_ =	shalt  }
0x6a: {  	_ =	shalt  }
0x6b: {  	_ =	shalt  }
0x6c: {  	_ =	shalt  }
0x6d: {  	_ =	shalt  }
0x6e: {  	_ =	shalt  }
0x6f: {  	_ =	shalt  }
0x70: {  	_ =	shalt  }
0x71: {  	_ =	shalt  }
0x72: {  	_ =	shalt  }
0x73: {  	_ =	shalt  }
0x74: {  	_ =	shalt  }
0x75: {  	_ =	shalt  }
0x76: {  	_ =	shalt  }
0x77: {  	_ =	shalt  }
0x78: {  	_ =	shalt  }
0x79: {  	_ =	shalt  }
0x7a: {  	_ =	shalt  }
0x7b: {  	_ =	shalt  }
0x7c: {  	_ =	shalt  }
0x7d: {  	_ =	shalt  }
0x7e: {  	_ =	shalt  }
0x7f: {  	_ =	shalt  }
0x80: {  	_ =	shalt  }
0x81: {  	_ =	shalt  }
0x82: {  	_ =	shalt  }
0x83: {  	_ =	shalt  }
0x84: {  	_ =	shalt  }
0x85: {  	_ =	shalt  }
0x86: {  	_ =	shalt  }
0x87: {  	_ =	shalt  }
.Lfunc_end0:
.L_simem_size_0:
called_computation_lowered:
.L_overlay_start_0:
0x88: {  	s2 =	sld [smem:$0x3FD9]  }
0x89: {  	s3 =	sld [smem:$0x3FFE];
	_ =	sdelay $0x1  }
0x8a: {  	s1 =	srdreg.scid  }
0x8b: {  	s0 =	sand.u32 $0x1, s1  }
0x8c: {  	s14 =	sshll.u32 s0, $0xA;
	s2 =	sadd.s32 s3, s2  }
0x8d: {  	s2 =	sadd.s32 s2, s14  }
0x8e: {  	[smem:$0x3FC0] =	sst s2  }
0x8f: {  	_ = 	snop  }
0x90: {  	s2 =	sld [smem:$0x3FD0];
	_ =	sdelay $0x2  }
0x91: {  	s15 =	simm.s32 $0xA;
	s4 =	simm.s32 $0x10  }
0x92: {  	[smem:s4], [sflag:s15] =	dma.local [hbm:s2], $0x1  }
0x93: {  	_ =	swait.eq [sflag:s15], $0x1  }
0x94: {  	[sflag:s15] =	ssyncset.done $0x0  }
0x95: {  	s16 =	sld [smem:$0x10];
	[sflag:s15] =	ssyncadd.s32 $0xFFFFFFFF  }
0x96: {  	s17 =	sld [smem:$0x11];
	(tm) =	ssettm $0x1  }
0x97: {  	s18 =	sld [smem:$0x3FFB];
	_ =	sdelay $0x3  }
0x98: {  	_ =	strace s18  }
0x99: {  	s4 =	sld [smem:$0x3FFC];
	_ =	sdelay $0x3  }
0x9a: {  	_ =	strace s4  }
0x9b: {  	s4 =	sld [smem:$0x3FFD];
	_ =	sdelay $0x3  }
0x9c: {  	_ =	strace s4  }
0x9d: {  	_ =	strace $0x8FFFFFFF  }
0x9e: {  	s19 =	sld [smem:$0x3FDB];
	_ =	sdelay $0x1  }
0x9f: {  	s5 =	simm.s32 $_scs_section_size  }
0xa0: {  	s6 =	simm.s32 $_size__tile_overlayer_lowered;
	s7 =	simm.s32 $_tile_overlayer_lowered  }
0xa1: {  	s22 =	simm.s32 $0x1BFF;
	s21 =	sshll.u32 s7, $0x1;
	s4 =	sadd.s32 s5, s19  }
0xa2: {  	s8 =	simm.s32 $0x0;
	s20 =	sshll.u32 s6, $0x1;
	s6 =	sadd.s32 s21, s4  }
0xa3: {  	[timem:s8], [sflag:s22] =	dma.local [hbm:s6], s20  }
0xa4: {  	_ =	swait.ge [sflag:s22], s20  }
0xa5: {  	s5 =	ssub.s32 $0x0, s20;
	[sflag:s22] =	ssyncset.done $0x0  }
0xa6: {  	[sflag:s22] =	ssyncadd.s32 s5;
	_ =	sdelay $0x1  }
0xa7: {  	s23 =	simm.s32 $0x1B8B  }
0xa8: {  	_ =	swait.ge [sflag:s23], $0x1  }
0xa9: {  	[sflag:s23] =	ssyncset.done $0x0  }
0xaa: {  	s25 =	simm.s32 $0x1B8E;
	s24 =	sld [smem:$0x3FFE];
	[sflag:s23] =	ssyncadd.s32 $0xFFFFFFFF  }
0xab: {  	s26 =	simm.s32 $execute0_lowered;
	[smem:$0x3FD2] =	sst s25  }
0xac: {  	s6 =	sshll.u32 s26, $0x1;
	_ =	strace $0x80000046;
	[dreg:$0x1] =	wrdreg $0xFFFFFFFF  }
0xad: {  	s28 =	simm.s32 $_size_execute0_lowered;
	s4 =	sadd.s32 s4, s6;
	[dreg:$0x0] =	wrdreg $0x0  }
0xae: {  	s6 =	sshll.u32 s28, $0x1;
	[dreg:$0x2] =	wrdreg s4  }
0xaf: {  	[dreg:$0x3] =	wrdreg s6  }
0xb0: {  	[dreg:$0x4] =	wrdreg $0xC0  }
0xb1: {  	_ =	task [dreg:s8], $0x5FFFF  }
0xb2: {  	[dreg:$0x1] =	wrdreg $0xFFFFFFFF  }
0xb3: {  	[dreg:$0x0] =	wrdreg $0x60  }
0xb4: {  	[dreg:$0x2] =	wrdreg s24  }
0xb5: {  	[dreg:$0x3] =	wrdreg s17  }
0xb6: {  	[dreg:$0x4] =	wrdreg s16  }
0xb7: {  	[dreg:$0x5] =	wrdreg $0x93000  }
0xb8: {  	[dreg:$0x6] =	wrdreg $0x1D3000  }
0xb9: {  	[dreg:$0x7] =	wrdreg $0x9  }
0xba: {  	_ =	task.clear_ibuf [dreg:s8], $0x8FFFF;
	_ =	strace $0x90000046  }
0xbb: {  	s29 =	simm.s32 $0x9;
	_ =	strace $0x80000048  }
0xbc: {  	_ =	swait.ge [sflag:s29], $0x1  }
0xbd: {  	[sflag:s29] =	ssyncadd.s32 $0xFFFFFFFF  }
0xbe: {  	_ =	strace $0x90000048  }
0xbf: {  	_ =	sfence  }
0xc0: {  	s30 =	sld [smem:$0x0];
	_ =	sdelay $0x2  }
0xc1: {  	s31 =	sshll.u32 s1, $0xD;
	s1 =	sshrl.u32 s1, $0x2  }
0xc2: {  	s3 =	sand.u32 $0x4000, s31;
	s1 =	sadd.s32 s1, s30  }
0xc3: {  	s0 =	sor.u32 s3, s0;
	s1 =	sshll.u32 s1, $0x11  }
0xc4: {  	s0 =	sor.u32 s1, s0  }
0xc5: {  	s0 =	sadd.s32 $0x8F2B, s0  }
0xc6: {  	[sflag:s0] =	ssyncadd.remote.s32 $0x1  }
0xc7: {  	_ =	sfence.sel $0xFFFF  }
0xc8: {  	[dreg:$0x0] =	wrdreg $0xFFFFFFFF;
	(pc) =	sbr.abs _section_cstart, $3  }
0xc9: {  	[dreg:$0x1] =	wrdreg $0xFFFFFFFF  }
0xca: {  	_ =	task.clear_ibuf [dreg:s8], $0x2FFFF;
	_ =	strace $0x9FFFFFFF  }
0xcb: {  	(tm) =	ssettm $0x7FFFFFFF  }
tec
execute0_lowered:
.L_overlay_start_1:
0x0: {  	(tag) =	ssettag $0x1  }
0x1: {  	s0 =	rddreg [dreg:$0x0]  }
0x2: {  	s3 =	rddreg [dreg:$0x3]  }
0x3: {  	s4 =	rddreg [dreg:$0x4];
	s5 =	simm.s32 $0x0  }
0x4: {  	s1 =	srdreg.scid;
	s20 =	stileid.u32;
	s30 =	simm.s32 $0x9000  }
0x5: {  	[smem:$0x7FF] =	sst s5;
	s13 =	sadd.s32 $0xE00, s0;
	s2 =	smul.u32 $0x500, s20  }
0x6: {  	s14 =	sadd.s32 $0xCE00, s0;
	s15 =	sand.u32 $0x1, s1;
	s1 =	smul.u32 $0x280, s20  }
0x7: {  	s11 =	smul.u32 $0x3000, s20;
	_ =	strace $0x80000047;
	s7 =	sshll.u32 s15, $0x7  }
0x8: {  	s8 =	ssub.s32 $0x2, s15;
	s10 =	smul.u32 $0x30000, s15;
	s22 =	sshll.u32 s15, $0x4  }
0x9: {  	s7 =	sor.u32 s7, s2;
	s21 =	sshrl.u32 s8, $0x1;
	s12 =	sor.u32 s20, s22  }
0xa: {  	s16 =	sshll.u32 s1, $0x7;
	s17 =	smul.u32 $0x3000, s12;
	s18 =	sadd.s32 s11, s10  }
0xb: {  	s2 =	ssub.s32 s8, s21;
	s8 =	sadd.s32 $0x4000, s16;
	s19 =	sor.u32 $0xC00, s18  }
0xc: {  	s23 =	sshrl.u32 s17, $0x3;
	s24 =	sshrl.u32 s19, $0x3;
	s19 =	simm.s32 $0x300  }
0xd: {  	s10 =	sadd.s32 $0x8000, s16;
	s25 =	sadd.s32 s13, s23;
	[dreg:$0xd] =	wrdreg s19  }
0xe: {  	s11 =	sadd.s32 $0xC000, s16;
	s26 =	sadd.s32 s24, s14;
	[dreg:$0x16] =	wrdreg s25  }
0xf: {  	s18 =	sor.u32 $0x800, s18;
	s21 =	sadd.s32 s14, s23;
	[dreg:$0x6] =	wrdreg s26  }
0x10: {  	s18 =	sshrl.u32 s18, $0x3;
	s17 =	sadd.s32 s24, s13;
	[dreg:$0x17] =	wrdreg s21  }
0x11: {  	s12 =	sadd.s32 $0x10000, s16;
	s22 =	sadd.s32 s18, s14;
	[dreg:$0x7] =	wrdreg s17  }
0x12: {  	s16 =	sor.u32 $0x80, s23;
	s23 =	sadd.s32 s18, s13;
	[dreg:$0x8] =	wrdreg s22  }
0x13: {  	s31 =	simm.s32 $0x800;
	s24 =	simm.s32 $0x180;
	[dreg:$0x9] =	wrdreg s23  }
0x14: {  	s29 =	simm.s32 $0xE00;
	s18 =	simm.s32 $0x280;
	[dreg:$0xa] =	wrdreg s24  }
0x15: {  	s28 =	simm.s32 $0xF80;
	s13 =	sadd.s32 s13, s16;
	[dreg:$0xc] =	wrdreg s18  }
0x16: {  	s6 =	sadd.s32 $0x41200, s0;
	s25 =	simm.s32 $0x200;
	[dreg:$0x18] =	wrdreg s13  }
0x17: {  	s15 =	smul.u32 $0x140000, s15;
	s14 =	sadd.s32 s14, s16;
	[dreg:$0xb] =	wrdreg s25  }
0x18: {  	s9 =	smul.u32 $0x50000, s20;
	s21 =	simm.s32 $0x380;
	[dreg:$0x19] =	wrdreg s14  }
0x19: {  	s19 =	sadd.s32 s15, s11;
	s22 =	simm.s32 $0x480;
	[dreg:$0xe] =	wrdreg s21  }
0x1a: {  	s26 =	smul.u32 $0x14000, s20;
	s23 =	simm.s32 $0x500;
	[dreg:$0xf] =	wrdreg s22  }
0x1b: {  	s24 =	sadd.s32 s15, s8;
	s16 =	simm.s32 $0x680;
	[dreg:$0x10] =	wrdreg s23  }
0x1c: {  	s17 =	sadd.s32 s15, s10;
	s18 =	simm.s32 $0x700;
	[dreg:$0x13] =	wrdreg s16  }
0x1d: {  	s10 =	sadd.s32 s10, s3;
	s25 =	simm.s32 $0x580;
	[dreg:$0x14] =	wrdreg s18  }
0x1e: {  	s13 =	sshrl.u32 s19, $0x3;
	s22 =	simm.s32 $0x780;
	s23 =	sshrl.u32 s7, $0x3  }
0x1f: {  	s16 =	sadd.s32 $0x18E00, s0;
	s7 =	simm.s32 $0x5000;
	[smem:$0x7FA] =	sst s10  }
0x20: {  	s20 =	sadd.s32 s26, s15;
	[dreg:$0x11] =	wrdreg s25;
	s26 =	simm.s32 $0x600  }
0x21: {  	s13 =	sadd.s32 s6, s13;
	[dreg:$0x15] =	wrdreg s22;
	s22 =	sadd.s32 s8, s3  }
0x22: {  	s8 =	simm.s32 $0x3;
	s14 =	sshrl.u32 s20, $0x3;
	[dreg:$0x12] =	wrdreg s26  }
0x23: {  	s20 =	sadd.s32 s15, s12;
	[dreg:$0x1d] =	wrdreg s13;
	s12 =	sadd.s32 s12, s3  }
0x24: {  	s26 =	smax.u32 s2, $0x1;
	s2 =	simm.s32 $0x80;
	[smem:$0x7F9] =	sst s22  }
0x25: {  	s13 =	simm.s32 $0x4;
	s15 =	simm.s32 $0x8;
	[smem:$0x7F7] =	sst s26  }
0x26: {  	s14 =	sadd.s32 s6, s14;
	s21 =	sshrl.u32 s20, $0x3;
	[smem:$0x7FC] =	sst s12  }
0x27: {  	s26 =	simm.s32 $0x1000;
	[dreg:$0x1a] =	wrdreg s14;
	s14 =	sshrl.u32 s24, $0x3  }
0x28: {  	s24 =	sshrl.u32 s9, $0x2;
	s9 =	simm.s32 $0x5;
	s14 =	sadd.s32 s6, s14  }
0x29: {  	s20 =	sadd.s32 s24, s3;
	s24 =	simm.s32 $0x9080;
	[dreg:$0x1b] =	wrdreg s14  }
0x2a: {  	s14 =	sshrl.u32 s17, $0x3;
	s17 =	sadd.s32 s1, s4;
	[smem:$0x7F8] =	sst s20  }
0x2b: {  	s1 =	simm.s32 $0x1;
	s14 =	sadd.s32 s6, s14;
	[smem:$0x7FD] =	sst s17  }
0x2c: {  	s6 =	sadd.s32 s6, s21;
	s21 =	simm.s32 $0x2;
	[dreg:$0x1c] =	wrdreg s14  }
0x2d: {  	[dreg:$0x1e] =	wrdreg s6;
	s6 =	sadd.s32 s23, s0;
	s0 =	sadd.s32 $0x40000, s0  }
0x2e: {  	s23 =	sadd.s32 s11, s3;
	s11 =	simm.s32 $0x7;
	[dreg:$0x1f] =	wrdreg s0  }
0x2f: {  	s14 =	simm.s32 $0x6;
	s25 =	sadd.s32 $0x40800, s6;
	[smem:$0x7FB] =	sst s23  }
0x30: {  	s6 =	simm.s32 $0xC00;
	s0 =	simm.s32 $0x0;
	[smem:$0x7F6] =	sst s25  }
.LBB2_1:
0x31: {  	[smem:$0x7F5] =	sst s0  }
0x32: {  	s18 =	simm.s32 $0x9;
	s0 =	rddreg [dreg:$0x1f]  }
0x33: {  	[tilespmem:s26], [sflag:$0x9] =	stream.linear.gather [hbm4b:s0+s5], $0x4000, $0x38;
	[tilespmem:$0x1D580] =	vst v63  }
0x34: {  	_ =	swait.ge [sflag:s18], $0x4000  }
0x35: {  	[sflag:s18] =	ssyncset.done $0x0  }
0x36: {  	[sflag:s18] =	ssyncadd.s32 $0xFFFFC000  }
0x37: {  	[spmem:s20] =	stream.linear.scatter [tilespmem:s26], [sflag:$0x9], $0x4000, $0x38;
	[tilespmem:$0x1D580] =	vst v63  }
0x38: {  	_ =	swait.ge [sflag:s18], $0x4000  }
0x39: {  	[sflag:s18] =	ssyncset.done $0x0  }
0x3a: {  	[sflag:s18] =	ssyncadd.s32 $0xFFFFC000  }
0x3b: {  	[spmem:s22] =	stream.linear.scatter [tilespmem:s26], [sflag:$0x9], $0x4000, $0x38;
	[tilespmem:$0x1D580] =	vst v63  }
0x3c: {  	_ =	swait.ge [sflag:s18], $0x4000  }
0x3d: {  	[sflag:s18] =	ssyncset.done $0x0  }
0x3e: {  	[sflag:s18] =	ssyncadd.s32 $0xFFFFC000  }
0x3f: {  	[spmem:s10] =	stream.linear.scatter [tilespmem:s26], [sflag:$0x9], $0x4000, $0x38;
	[tilespmem:$0x1D580] =	vst v63  }
0x40: {  	_ =	swait.ge [sflag:s18], $0x4000  }
0x41: {  	[sflag:s18] =	ssyncset.done $0x0  }
0x42: {  	[sflag:s18] =	ssyncadd.s32 $0xFFFFC000  }
0x43: {  	[spmem:s23] =	stream.linear.scatter [tilespmem:s26], [sflag:$0x9], $0x4000, $0x38;
	[tilespmem:$0x1D580] =	vst v63  }
0x44: {  	_ =	swait.ge [sflag:s18], $0x4000  }
0x45: {  	[sflag:s18] =	ssyncset.done $0x0  }
0x46: {  	[sflag:s18] =	ssyncadd.s32 $0xFFFFC000  }
0x47: {  	[spmem:s12] =	stream.linear.scatter [tilespmem:s26], [sflag:$0x9], $0x4000, $0x38;
	[tilespmem:$0x1D580] =	vst v63  }
0x48: {  	_ =	swait.ge [sflag:s18], $0x4000  }
0x49: {  	[sflag:s18] =	ssyncset.done $0x0  }
0x4a: {  	[sflag:s18] =	ssyncadd.s32 $0xFFFFC000  }
0x4b: {  	s19 =	rddreg [dreg:$0x1]  }
0x4c: {  	[tilespmem:s24], [sflag:$0x9] =	stream.linear.gather [hbm4b:s19+s5], $0x280, $0x38;
	[tilespmem:$0x1D580] =	vst v63  }
0x4d: {  	_ =	swait.ge [sflag:s18], $0x280  }
0x4e: {  	[sflag:s18] =	ssyncset.done $0x0  }
0x4f: {  	s25 =	smov.u32 s17;
	[sflag:s18] =	ssyncadd.s32 $0xFFFFFD80  }
0x50: {  	[spmem:s25] =	stream.linear.scatter [tilespmem:s24], [sflag:$0x9], $0x280, $0x38;
	[tilespmem:$0x1D580] =	vst v63  }
0x51: {  	_ =	swait.ge [sflag:s18], $0x280  }
0x52: {  	[sflag:s18] =	ssyncset.done $0x0  }
0x53: {  	[sflag:s18] =	ssyncadd.s32 $0xFFFFFD80  }
0x54: {  	s20 =	rddreg [dreg:$0x2]  }
0x55: {  	[tilespmem:s30], [sflag:$0x9] =	stream.linear.gather [hbm4b:s20+s5], $0x80, $0x38;
	[tilespmem:$0x1D580] =	vst v63  }
0x56: {  	_ =	swait.ge [sflag:s18], $0x80  }
0x57: {  	[sflag:s18] =	ssyncset.done $0x0  }
0x58: {  	s22 =	rddreg [dreg:$0x16];
	[sflag:s18] =	ssyncadd.s32 $0xFFFFFF80  }
0x59: {  	[tilespmem:s5], [sflag:$0x1] =	stream.linear.gather [hbm4b:s22+s5], $0x400, $0x38;
	[tilespmem:$0x1D580] =	vst v63  }
0x5a: {  	s23 =	rddreg [dreg:$0x17]  }
0x5b: {  	[tilespmem:s31], [sflag:$0x1] =	stream.linear.gather [hbm4b:s23+s5], $0x400, $0x38;
	[tilespmem:$0x1D580] =	vst v63  }
0x5c: {  	s24 =	rddreg [dreg:$0x18];
	s18 =	simm.s32 $0x400  }
0x5d: {  	[tilespmem:s18], [sflag:$0x2] =	stream.linear.gather [hbm4b:s24+s5], $0x400, $0x38;
	[tilespmem:$0x1D580] =	vst v63  }
0x5e: {  	s25 =	rddreg [dreg:$0x19]  }
0x5f: {  	[tilespmem:s6], [sflag:$0x2] =	stream.linear.gather [hbm4b:s25+s5], $0x400, $0x38;
	[tilespmem:$0x1D580] =	vst v63  }
0x60: {  	[bflag:$0x0] =	sbarrier.arrive $0xFFFF  }
0x61: {  	_ =	swait.ge [sflag:s1], $0x400  }
0x62: {  	[sflag:s1] =	ssyncset.done $0x0  }
0x63: {  	[sflag:s1] =	ssyncadd.s32 $0xFFFFFC00  }
0x64: {  	_ =	swait.ge [sflag:s1], $0x400  }
0x65: {  	[sflag:s1] =	ssyncset.done $0x0  }
0x66: {  	[sflag:s1] =	ssyncadd.s32 $0xFFFFFC00  }
0x67: {  	[tilespmem:s26], [sflag:$0x3] =	stream.indirect.gather [hbm4b:s16+s2], $0x80, s5, s2, $0xb8;
	[tilespmem:$0x1D580] =	vst v63  }
0x68: {  	_ = 	snop  }
0x69: {  	[tilespmem:s7], [sflag:$0x4] =	stream.indirect.gather [hbm4b:s16+s2], $0x80, s2, s2, $0xb8;
	[tilespmem:$0x1D580] =	vst v63  }
0x6a: {  	_ = 	snop  }
0x6b: {  	[spmem:s4] =	stream.indirect.scatter.add.f32 [tilespmem:s30], [sflag:$0x7], $0x1, s31, s2, $0xb8;
	[tilespmem:$0x1D580] =	vst v63  }
0x6c: {  	_ =	swait.ge [sflag:s8], $0x4000  }
0x6d: {  	[sflag:s8] =	ssyncset.done $0x0  }
0x6e: {  	[sflag:s8] =	ssyncadd.s32 $0xFFFFC000  }
0x6f: {  	[spmem:s3] =	stream.indirect.scatter.add.f32 [tilespmem:s26], [sflag:$0x5], $0x80, s31, s2, $0xb8;
	[tilespmem:$0x1D580] =	vst v63  }
0x70: {  	_ =	swait.ge [sflag:s9], $0x4000  }
0x71: {  	[sflag:s9] =	ssyncset.done $0x0  }
0x72: {  	s0 =	simm.s32 $0x100;
	[sflag:s9] =	ssyncadd.s32 $0xFFFFC000  }
0x73: {  	[tilespmem:s26], [sflag:$0x3] =	stream.indirect.gather [hbm4b:s16+s2], $0x80, s0, s2, $0xb8;
	[tilespmem:$0x1D580] =	vst v63  }
0x74: {  	_ =	swait.ge [sflag:s11], $0x80  }
0x75: {  	[sflag:s11] =	ssyncset.done $0x0  }
0x76: {  	s10 =	simm.s32 $0x880;
	[sflag:s11] =	ssyncadd.s32 $0xFFFFFF80  }
0x77: {  	[spmem:s4] =	stream.indirect.scatter.add.f32 [tilespmem:s30], [sflag:$0x8], $0x1, s10, s2, $0xb8;
	[tilespmem:$0x1D580] =	vst v63  }
0x78: {  	_ =	swait.ge [sflag:s13], $0x4000  }
0x79: {  	[sflag:s13] =	ssyncset.done $0x0  }
0x7a: {  	[sflag:s13] =	ssyncadd.s32 $0xFFFFC000  }
0x7b: {  	[spmem:s3] =	stream.indirect.scatter.add.f32 [tilespmem:s7], [sflag:$0x6], $0x80, s10, s2, $0xb8;
	[tilespmem:$0x1D580] =	vst v63  }
0x7c: {  	_ =	swait.ge [sflag:s14], $0x4000  }
0x7d: {  	[sflag:s14] =	ssyncset.done $0x0  }
0x7e: {  	s12 =	rddreg [dreg:$0xa];
	[sflag:s14] =	ssyncadd.s32 $0xFFFFC000  }
0x7f: {  	[tilespmem:s7], [sflag:$0x4] =	stream.indirect.gather [hbm4b:s16+s2], $0x80, s12, s2, $0xb8;
	[tilespmem:$0x1D580] =	vst v63  }
0x80: {  	_ =	swait.ge [sflag:s15], $0x80  }
0x81: {  	[sflag:s15] =	ssyncset.done $0x0  }
0x82: {  	s17 =	simm.s32 $0x900;
	[sflag:s15] =	ssyncadd.s32 $0xFFFFFF80  }
0x83: {  	[spmem:s4] =	stream.indirect.scatter.add.f32 [tilespmem:s30], [sflag:$0x7], $0x1, s17, s2, $0xb8;
	[tilespmem:$0x1D580] =	vst v63  }
0x84: {  	_ =	swait.ge [sflag:s8], $0x4000  }
0x85: {  	[sflag:s8] =	ssyncset.done $0x0  }
0x86: {  	[sflag:s8] =	ssyncadd.s32 $0xFFFFC000  }
0x87: {  	[spmem:s3] =	stream.indirect.scatter.add.f32 [tilespmem:s26], [sflag:$0x5], $0x80, s17, s2, $0xb8;
	[tilespmem:$0x1D580] =	vst v63  }
0x88: {  	_ =	swait.ge [sflag:s9], $0x4000  }
0x89: {  	[sflag:s9] =	ssyncset.done $0x0  }
0x8a: {  	s19 =	rddreg [dreg:$0xb];
	[sflag:s9] =	ssyncadd.s32 $0xFFFFC000  }
0x8b: {  	[tilespmem:s26], [sflag:$0x3] =	stream.indirect.gather [hbm4b:s16+s2], $0x80, s19, s2, $0xb8;
	[tilespmem:$0x1D580] =	vst v63  }
0x8c: {  	_ =	swait.ge [sflag:s11], $0x80  }
0x8d: {  	[sflag:s11] =	ssyncset.done $0x0  }
0x8e: {  	s20 =	simm.s32 $0x980;
	[sflag:s11] =	ssyncadd.s32 $0xFFFFFF80  }
0x8f: {  	[spmem:s4] =	stream.indirect.scatter.add.f32 [tilespmem:s30], [sflag:$0x8], $0x1, s20, s2, $0xb8;
	[tilespmem:$0x1D580] =	vst v63  }
0x90: {  	_ =	swait.ge [sflag:s13], $0x4000  }
0x91: {  	[sflag:s13] =	ssyncset.done $0x0  }
0x92: {  	[sflag:s13] =	ssyncadd.s32 $0xFFFFC000  }
0x93: {  	[spmem:s3] =	stream.indirect.scatter.add.f32 [tilespmem:s7], [sflag:$0x6], $0x80, s20, s2, $0xb8;
	[tilespmem:$0x1D580] =	vst v63  }
0x94: {  	_ =	swait.ge [sflag:s14], $0x4000  }
0x95: {  	[sflag:s14] =	ssyncset.done $0x0  }
0x96: {  	s22 =	rddreg [dreg:$0xc];
	[sflag:s14] =	ssyncadd.s32 $0xFFFFC000  }
0x97: {  	[tilespmem:s7], [sflag:$0x4] =	stream.indirect.gather [hbm4b:s16+s2], $0x80, s22, s2, $0xb8;
	[tilespmem:$0x1D580] =	vst v63  }
0x98: {  	_ =	swait.ge [sflag:s15], $0x80  }
0x99: {  	[sflag:s15] =	ssyncset.done $0x0  }
0x9a: {  	s23 =	simm.s32 $0xA00;
	[sflag:s15] =	ssyncadd.s32 $0xFFFFFF80  }
0x9b: {  	[spmem:s4] =	stream.indirect.scatter.add.f32 [tilespmem:s30], [sflag:$0x7], $0x1, s23, s2, $0xb8;
	[tilespmem:$0x1D580] =	vst v63  }
0x9c: {  	_ =	swait.ge [sflag:s8], $0x4000  }
0x9d: {  	[sflag:s8] =	ssyncset.done $0x0  }
0x9e: {  	[sflag:s8] =	ssyncadd.s32 $0xFFFFC000  }
0x9f: {  	[spmem:s3] =	stream.indirect.scatter.add.f32 [tilespmem:s26], [sflag:$0x5], $0x80, s23, s2, $0xb8;
	[tilespmem:$0x1D580] =	vst v63  }
0xa0: {  	_ =	swait.ge [sflag:s9], $0x4000  }
0xa1: {  	[sflag:s9] =	ssyncset.done $0x0  }
0xa2: {  	s24 =	rddreg [dreg:$0xd];
	[sflag:s9] =	ssyncadd.s32 $0xFFFFC000  }
0xa3: {  	[tilespmem:s26], [sflag:$0x3] =	stream.indirect.gather [hbm4b:s16+s2], $0x80, s24, s2, $0xb8;
	[tilespmem:$0x1D580] =	vst v63  }
0xa4: {  	_ =	swait.ge [sflag:s11], $0x80  }
0xa5: {  	[sflag:s11] =	ssyncset.done $0x0  }
0xa6: {  	s25 =	simm.s32 $0xA80;
	[sflag:s11] =	ssyncadd.s32 $0xFFFFFF80  }
0xa7: {  	[spmem:s4] =	stream.indirect.scatter.add.f32 [tilespmem:s30], [sflag:$0x8], $0x1, s25, s2, $0xb8;
	[tilespmem:$0x1D580] =	vst v63  }
0xa8: {  	_ =	swait.ge [sflag:s13], $0x4000  }
0xa9: {  	[sflag:s13] =	ssyncset.done $0x0  }
0xaa: {  	[sflag:s13] =	ssyncadd.s32 $0xFFFFC000  }
0xab: {  	[spmem:s3] =	stream.indirect.scatter.add.f32 [tilespmem:s7], [sflag:$0x6], $0x80, s25, s2, $0xb8;
	[tilespmem:$0x1D580] =	vst v63  }
0xac: {  	_ =	swait.ge [sflag:s14], $0x4000  }
0xad: {  	[sflag:s14] =	ssyncset.done $0x0  }
0xae: {  	s0 =	rddreg [dreg:$0xe];
	[sflag:s14] =	ssyncadd.s32 $0xFFFFC000  }
0xaf: {  	[tilespmem:s7], [sflag:$0x4] =	stream.indirect.gather [hbm4b:s16+s2], $0x80, s0, s2, $0xb8;
	[tilespmem:$0x1D580] =	vst v63  }
0xb0: {  	_ =	swait.ge [sflag:s15], $0x80  }
0xb1: {  	[sflag:s15] =	ssyncset.done $0x0  }
0xb2: {  	s10 =	simm.s32 $0xB00;
	[sflag:s15] =	ssyncadd.s32 $0xFFFFFF80  }
0xb3: {  	[spmem:s4] =	stream.indirect.scatter.add.f32 [tilespmem:s30], [sflag:$0x7], $0x1, s10, s2, $0xb8;
	[tilespmem:$0x1D580] =	vst v63  }
0xb4: {  	_ =	swait.ge [sflag:s8], $0x4000  }
0xb5: {  	[sflag:s8] =	ssyncset.done $0x0  }
0xb6: {  	[sflag:s8] =	ssyncadd.s32 $0xFFFFC000  }
0xb7: {  	[spmem:s3] =	stream.indirect.scatter.add.f32 [tilespmem:s26], [sflag:$0x5], $0x80, s10, s2, $0xb8;
	[tilespmem:$0x1D580] =	vst v63  }
0xb8: {  	_ =	swait.ge [sflag:s9], $0x4000  }
0xb9: {  	[sflag:s9] =	ssyncset.done $0x0  }
0xba: {  	[sflag:s9] =	ssyncadd.s32 $0xFFFFC000  }
0xbb: {  	_ =	swait.ge [sflag:s11], $0x80  }
0xbc: {  	[sflag:s11] =	ssyncset.done $0x0  }
0xbd: {  	s0 =	simm.s32 $0xB80;
	[sflag:s11] =	ssyncadd.s32 $0xFFFFFF80  }
0xbe: {  	[spmem:s4] =	stream.indirect.scatter.add.f32 [tilespmem:s30], [sflag:$0x8], $0x1, s0, s2, $0xb8;
	[tilespmem:$0x1D580] =	vst v63  }
0xbf: {  	_ =	swait.ge [sflag:s13], $0x4000  }
0xc0: {  	[sflag:s13] =	ssyncset.done $0x0  }
0xc1: {  	[sflag:s13] =	ssyncadd.s32 $0xFFFFC000  }
0xc2: {  	[spmem:s3] =	stream.indirect.scatter.add.f32 [tilespmem:s7], [sflag:$0x6], $0x80, s0, s2, $0xb8;
	[tilespmem:$0x1D580] =	vst v63  }
0xc3: {  	_ =	swait.ge [sflag:s14], $0x4000  }
0xc4: {  	[sflag:s14] =	ssyncset.done $0x0  }
0xc5: {  	[sflag:s14] =	ssyncadd.s32 $0xFFFFC000  }
0xc6: {  	_ =	swait.ge [sflag:s15], $0x80  }
0xc7: {  	s12 =	rddreg [dreg:$0x9];
	[sflag:s15] =	ssyncset.done $0x0  }
0xc8: {  	s19 =	rddreg [dreg:$0x8];
	[sflag:s15] =	ssyncadd.s32 $0xFFFFFF80;
	s17 =	sadd.s32 $0x0, s12  }
0xc9: {  	[tilespmem:s5], [sflag:$0x1] =	stream.linear.gather [hbm4b:s17+s5], $0x400, $0x38;
	[tilespmem:$0x1D580] =	vst v63  }
0xca: {  	s20 =	sadd.s32 $0x0, s19  }
0xcb: {  	[tilespmem:s31], [sflag:$0x1] =	stream.linear.gather [hbm4b:s20+s5], $0x400, $0x38;
	[tilespmem:$0x1D580] =	vst v63  }
0xcc: {  	_ =	swait.ge [sflag:s21], $0x400  }
0xcd: {  	[sflag:s21] =	ssyncset.done $0x0  }
0xce: {  	[sflag:s21] =	ssyncadd.s32 $0xFFFFFC00  }
0xcf: {  	_ =	swait.ge [sflag:s21], $0x400  }
0xd0: {  	[sflag:s21] =	ssyncset.done $0x0  }
0xd1: {  	[sflag:s21] =	ssyncadd.s32 $0xFFFFFC00  }
0xd2: {  	[tilespmem:s26], [sflag:$0x3] =	stream.indirect.gather [hbm4b:s16+s2], $0x80, s18, s2, $0xb8;
	[tilespmem:$0x1D580] =	vst v63  }
0xd3: {  	s22 =	rddreg [dreg:$0xf]  }
0xd4: {  	[tilespmem:s7], [sflag:$0x4] =	stream.indirect.gather [hbm4b:s16+s2], $0x80, s22, s2, $0xb8;
	[tilespmem:$0x1D580] =	vst v63  }
0xd5: {  	_ = 	snop  }
0xd6: {  	[spmem:s4] =	stream.indirect.scatter.add.f32 [tilespmem:s30], [sflag:$0x7], $0x1, s6, s2, $0xb8;
	[tilespmem:$0x1D580] =	vst v63  }
0xd7: {  	_ =	swait.ge [sflag:s8], $0x4000  }
0xd8: {  	[sflag:s8] =	ssyncset.done $0x0  }
0xd9: {  	[sflag:s8] =	ssyncadd.s32 $0xFFFFC000  }
0xda: {  	[spmem:s3] =	stream.indirect.scatter.add.f32 [tilespmem:s26], [sflag:$0x5], $0x80, s6, s2, $0xb8;
	[tilespmem:$0x1D580] =	vst v63  }
0xdb: {  	_ =	swait.ge [sflag:s9], $0x4000  }
0xdc: {  	[sflag:s9] =	ssyncset.done $0x0  }
0xdd: {  	s23 =	rddreg [dreg:$0x10];
	[sflag:s9] =	ssyncadd.s32 $0xFFFFC000  }
0xde: {  	[tilespmem:s26], [sflag:$0x3] =	stream.indirect.gather [hbm4b:s16+s2], $0x80, s23, s2, $0xb8;
	[tilespmem:$0x1D580] =	vst v63  }
0xdf: {  	_ =	swait.ge [sflag:s11], $0x80  }
0xe0: {  	[sflag:s11] =	ssyncset.done $0x0  }
0xe1: {  	s12 =	simm.s32 $0xC80;
	[sflag:s11] =	ssyncadd.s32 $0xFFFFFF80  }
0xe2: {  	[spmem:s4] =	stream.indirect.scatter.add.f32 [tilespmem:s30], [sflag:$0x8], $0x1, s12, s2, $0xb8;
	[tilespmem:$0x1D580] =	vst v63  }
0xe3: {  	_ =	swait.ge [sflag:s13], $0x4000  }
0xe4: {  	[sflag:s13] =	ssyncset.done $0x0  }
0xe5: {  	[sflag:s13] =	ssyncadd.s32 $0xFFFFC000  }
0xe6: {  	[spmem:s3] =	stream.indirect.scatter.add.f32 [tilespmem:s7], [sflag:$0x6], $0x80, s12, s2, $0xb8;
	[tilespmem:$0x1D580] =	vst v63  }
0xe7: {  	_ =	swait.ge [sflag:s14], $0x4000  }
0xe8: {  	[sflag:s14] =	ssyncset.done $0x0  }
0xe9: {  	s24 =	rddreg [dreg:$0x11];
	[sflag:s14] =	ssyncadd.s32 $0xFFFFC000  }
0xea: {  	[tilespmem:s7], [sflag:$0x4] =	stream.indirect.gather [hbm4b:s16+s2], $0x80, s24, s2, $0xb8;
	[tilespmem:$0x1D580] =	vst v63  }
0xeb: {  	_ =	swait.ge [sflag:s15], $0x80  }
0xec: {  	[sflag:s15] =	ssyncset.done $0x0  }
0xed: {  	s19 =	simm.s32 $0xD00;
	[sflag:s15] =	ssyncadd.s32 $0xFFFFFF80  }
0xee: {  	[spmem:s4] =	stream.indirect.scatter.add.f32 [tilespmem:s30], [sflag:$0x7], $0x1, s19, s2, $0xb8;
	[tilespmem:$0x1D580] =	vst v63  }
0xef: {  	_ =	swait.ge [sflag:s8], $0x4000  }
0xf0: {  	[sflag:s8] =	ssyncset.done $0x0  }
0xf1: {  	[sflag:s8] =	ssyncadd.s32 $0xFFFFC000  }
0xf2: {  	[spmem:s3] =	stream.indirect.scatter.add.f32 [tilespmem:s26], [sflag:$0x5], $0x80, s19, s2, $0xb8;
	[tilespmem:$0x1D580] =	vst v63  }
0xf3: {  	_ =	swait.ge [sflag:s9], $0x4000  }
0xf4: {  	[sflag:s9] =	ssyncset.done $0x0  }
0xf5: {  	s25 =	rddreg [dreg:$0x12];
	[sflag:s9] =	ssyncadd.s32 $0xFFFFC000  }
0xf6: {  	[tilespmem:s26], [sflag:$0x3] =	stream.indirect.gather [hbm4b:s16+s2], $0x80, s25, s2, $0xb8;
	[tilespmem:$0x1D580] =	vst v63  }
0xf7: {  	_ =	swait.ge [sflag:s11], $0x80  }
0xf8: {  	[sflag:s11] =	ssyncset.done $0x0  }
0xf9: {  	s20 =	simm.s32 $0xD80;
	[sflag:s11] =	ssyncadd.s32 $0xFFFFFF80  }
0xfa: {  	[spmem:s4] =	stream.indirect.scatter.add.f32 [tilespmem:s30], [sflag:$0x8], $0x1, s20, s2, $0xb8;
	[tilespmem:$0x1D580] =	vst v63  }
0xfb: {  	_ =	swait.ge [sflag:s13], $0x4000  }
0xfc: {  	[sflag:s13] =	ssyncset.done $0x0  }
0xfd: {  	[sflag:s13] =	ssyncadd.s32 $0xFFFFC000  }
0xfe: {  	[spmem:s3] =	stream.indirect.scatter.add.f32 [tilespmem:s7], [sflag:$0x6], $0x80, s20, s2, $0xb8;
	[tilespmem:$0x1D580] =	vst v63  }
0xff: {  	_ =	swait.ge [sflag:s14], $0x4000  }
0x100: {  	[sflag:s14] =	ssyncset.done $0x0  }
0x101: {  	s10 =	rddreg [dreg:$0x13];
	[sflag:s14] =	ssyncadd.s32 $0xFFFFC000  }
0x102: {  	[tilespmem:s7], [sflag:$0x4] =	stream.indirect.gather [hbm4b:s16+s2], $0x80, s10, s2, $0xb8;
	[tilespmem:$0x1D580] =	vst v63  }
0x103: {  	_ =	swait.ge [sflag:s15], $0x80  }
0x104: {  	[sflag:s15] =	ssyncset.done $0x0  }
0x105: {  	[sflag:s15] =	ssyncadd.s32 $0xFFFFFF80  }
0x106: {  	[spmem:s4] =	stream.indirect.scatter.add.f32 [tilespmem:s30], [sflag:$0x7], $0x1, s29, s2, $0xb8;
	[tilespmem:$0x1D580] =	vst v63  }
0x107: {  	_ =	swait.ge [sflag:s8], $0x4000  }
0x108: {  	[sflag:s8] =	ssyncset.done $0x0  }
0x109: {  	[sflag:s8] =	ssyncadd.s32 $0xFFFFC000  }
0x10a: {  	[spmem:s3] =	stream.indirect.scatter.add.f32 [tilespmem:s26], [sflag:$0x5], $0x80, s29, s2, $0xb8;
	[tilespmem:$0x1D580] =	vst v63  }
0x10b: {  	_ =	swait.ge [sflag:s9], $0x4000  }
0x10c: {  	[sflag:s9] =	ssyncset.done $0x0  }
0x10d: {  	s22 =	rddreg [dreg:$0x14];
	[sflag:s9] =	ssyncadd.s32 $0xFFFFC000  }
0x10e: {  	[tilespmem:s26], [sflag:$0x3] =	stream.indirect.gather [hbm4b:s16+s2], $0x80, s22, s2, $0xb8;
	[tilespmem:$0x1D580] =	vst v63  }
0x10f: {  	_ =	swait.ge [sflag:s11], $0x80  }
0x110: {  	[sflag:s11] =	ssyncset.done $0x0  }
0x111: {  	s22 =	simm.s32 $0xE80;
	[sflag:s11] =	ssyncadd.s32 $0xFFFFFF80  }
0x112: {  	[spmem:s4] =	stream.indirect.scatter.add.f32 [tilespmem:s30], [sflag:$0x8], $0x1, s22, s2, $0xb8;
	[tilespmem:$0x1D580] =	vst v63  }
0x113: {  	_ =	swait.ge [sflag:s13], $0x4000  }
0x114: {  	[sflag:s13] =	ssyncset.done $0x0  }
0x115: {  	[sflag:s13] =	ssyncadd.s32 $0xFFFFC000  }
0x116: {  	[spmem:s3] =	stream.indirect.scatter.add.f32 [tilespmem:s7], [sflag:$0x6], $0x80, s22, s2, $0xb8;
	[tilespmem:$0x1D580] =	vst v63  }
0x117: {  	_ =	swait.ge [sflag:s14], $0x4000  }
0x118: {  	[sflag:s14] =	ssyncset.done $0x0  }
0x119: {  	s23 =	rddreg [dreg:$0x15];
	[sflag:s14] =	ssyncadd.s32 $0xFFFFC000  }
0x11a: {  	[tilespmem:s7], [sflag:$0x4] =	stream.indirect.gather [hbm4b:s16+s2], $0x80, s23, s2, $0xb8;
	[tilespmem:$0x1D580] =	vst v63  }
0x11b: {  	_ =	swait.ge [sflag:s15], $0x80  }
0x11c: {  	[sflag:s15] =	ssyncset.done $0x0  }
0x11d: {  	s23 =	simm.s32 $0xF00;
	[sflag:s15] =	ssyncadd.s32 $0xFFFFFF80  }
0x11e: {  	[spmem:s4] =	stream.indirect.scatter.add.f32 [tilespmem:s30], [sflag:$0x7], $0x1, s23, s2, $0xb8;
	[tilespmem:$0x1D580] =	vst v63  }
0x11f: {  	_ =	swait.ge [sflag:s8], $0x4000  }
0x120: {  	[sflag:s8] =	ssyncset.done $0x0  }
0x121: {  	[sflag:s8] =	ssyncadd.s32 $0xFFFFC000  }
0x122: {  	[spmem:s3] =	stream.indirect.scatter.add.f32 [tilespmem:s26], [sflag:$0x5], $0x80, s23, s2, $0xb8;
	[tilespmem:$0x1D580] =	vst v63  }
0x123: {  	_ =	swait.ge [sflag:s9], $0x4000  }
0x124: {  	[sflag:s9] =	ssyncset.done $0x0  }
0x125: {  	[sflag:s9] =	ssyncadd.s32 $0xFFFFC000  }
0x126: {  	_ =	swait.ge [sflag:s11], $0x80  }
0x127: {  	[sflag:s11] =	ssyncset.done $0x0  }
0x128: {  	[sflag:s11] =	ssyncadd.s32 $0xFFFFFF80  }
0x129: {  	[spmem:s4] =	stream.indirect.scatter.add.f32 [tilespmem:s30], [sflag:$0x8], $0x1, s28, s2, $0xb8;
	[tilespmem:$0x1D580] =	vst v63  }
0x12a: {  	_ =	swait.ge [sflag:s13], $0x4000  }
0x12b: {  	[sflag:s13] =	ssyncset.done $0x0  }
0x12c: {  	[sflag:s13] =	ssyncadd.s32 $0xFFFFC000  }
0x12d: {  	[spmem:s3] =	stream.indirect.scatter.add.f32 [tilespmem:s7], [sflag:$0x6], $0x80, s28, s2, $0xb8;
	[tilespmem:$0x1D580] =	vst v63  }
0x12e: {  	_ =	swait.ge [sflag:s14], $0x4000  }
0x12f: {  	[sflag:s14] =	ssyncset.done $0x0  }
0x130: {  	[sflag:s14] =	ssyncadd.s32 $0xFFFFC000  }
0x131: {  	_ =	swait.ge [sflag:s15], $0x80  }
0x132: {  	s24 =	rddreg [dreg:$0x7];
	[sflag:s15] =	ssyncset.done $0x0  }
0x133: {  	s25 =	rddreg [dreg:$0x6];
	[sflag:s15] =	ssyncadd.s32 $0xFFFFFF80;
	s17 =	sadd.s32 $0x0, s24  }
0x134: {  	[tilespmem:s18], [sflag:$0x2] =	stream.linear.gather [hbm4b:s17+s5], $0x400, $0x38;
	[tilespmem:$0x1D580] =	vst v63  }
0x135: {  	s24 =	sadd.s32 $0x0, s25;
	s17 =	simm.s32 $0x100  }
.LBB2_2:
0x136: {  	[tilespmem:s6], [sflag:$0x2] =	stream.linear.gather [hbm4b:s24+s5], $0x400, $0x38;
	[tilespmem:$0x1D580] =	vst v63  }
0x137: {  	_ =	swait.ge [sflag:s1], $0x400  }
0x138: {  	[sflag:s1] =	ssyncset.done $0x0  }
0x139: {  	[sflag:s1] =	ssyncadd.s32 $0xFFFFFC00  }
0x13a: {  	_ =	swait.ge [sflag:s1], $0x400  }
0x13b: {  	[sflag:s1] =	ssyncset.done $0x0  }
0x13c: {  	[sflag:s1] =	ssyncadd.s32 $0xFFFFFC00  }
0x13d: {  	[tilespmem:s26], [sflag:$0x3] =	stream.indirect.gather [hbm4b:s16+s2], $0x80, s5, s2, $0xb8;
	[tilespmem:$0x1D580] =	vst v63  }
0x13e: {  	_ = 	snop  }
0x13f: {  	[tilespmem:s7], [sflag:$0x4] =	stream.indirect.gather [hbm4b:s16+s2], $0x80, s2, s2, $0xb8;
	[tilespmem:$0x1D580] =	vst v63  }
0x140: {  	_ = 	snop  }
0x141: {  	[spmem:s4] =	stream.indirect.scatter.add.f32 [tilespmem:s30], [sflag:$0x7], $0x1, s31, s2, $0xb8;
	[tilespmem:$0x1D580] =	vst v63  }
0x142: {  	_ =	swait.ge [sflag:s8], $0x4000  }
0x143: {  	[sflag:s8] =	ssyncset.done $0x0  }
0x144: {  	[sflag:s8] =	ssyncadd.s32 $0xFFFFC000  }
0x145: {  	[spmem:s3] =	stream.indirect.scatter.add.f32 [tilespmem:s26], [sflag:$0x5], $0x80, s31, s2, $0xb8;
	[tilespmem:$0x1D580] =	vst v63  }
0x146: {  	_ =	swait.ge [sflag:s9], $0x4000  }
0x147: {  	[sflag:s9] =	ssyncset.done $0x0  }
0x148: {  	s18 =	simm.s32 $0x100;
	[sflag:s9] =	ssyncadd.s32 $0xFFFFC000  }
0x149: {  	[tilespmem:s26], [sflag:$0x3] =	stream.indirect.gather [hbm4b:s16+s2], $0x80, s18, s2, $0xb8;
	[tilespmem:$0x1D580] =	vst v63  }
0x14a: {  	_ =	swait.ge [sflag:s11], $0x80  }
0x14b: {  	[sflag:s11] =	ssyncset.done $0x0  }
0x14c: {  	s10 =	simm.s32 $0x880;
	[sflag:s11] =	ssyncadd.s32 $0xFFFFFF80  }
0x14d: {  	[spmem:s4] =	stream.indirect.scatter.add.f32 [tilespmem:s30], [sflag:$0x8], $0x1, s10, s2, $0xb8;
	[tilespmem:$0x1D580] =	vst v63  }
0x14e: {  	_ =	swait.ge [sflag:s13], $0x4000  }
0x14f: {  	[sflag:s13] =	ssyncset.done $0x0  }
0x150: {  	[sflag:s13] =	ssyncadd.s32 $0xFFFFC000  }
0x151: {  	[spmem:s3] =	stream.indirect.scatter.add.f32 [tilespmem:s7], [sflag:$0x6], $0x80, s10, s2, $0xb8;
	[tilespmem:$0x1D580] =	vst v63  }
0x152: {  	_ =	swait.ge [sflag:s14], $0x4000  }
0x153: {  	[sflag:s14] =	ssyncset.done $0x0  }
0x154: {  	s25 =	rddreg [dreg:$0xa];
	[sflag:s14] =	ssyncadd.s32 $0xFFFFC000  }
0x155: {  	[tilespmem:s7], [sflag:$0x4] =	stream.indirect.gather [hbm4b:s16+s2], $0x80, s25, s2, $0xb8;
	[tilespmem:$0x1D580] =	vst v63  }
0x156: {  	_ =	swait.ge [sflag:s15], $0x80  }
0x157: {  	[sflag:s15] =	ssyncset.done $0x0  }
0x158: {  	s25 =	simm.s32 $0x900;
	[sflag:s15] =	ssyncadd.s32 $0xFFFFFF80  }
0x159: {  	[spmem:s4] =	stream.indirect.scatter.add.f32 [tilespmem:s30], [sflag:$0x7], $0x1, s25, s2, $0xb8;
	[tilespmem:$0x1D580] =	vst v63  }
0x15a: {  	_ =	swait.ge [sflag:s8], $0x4000  }
0x15b: {  	[sflag:s8] =	ssyncset.done $0x0  }
0x15c: {  	[sflag:s8] =	ssyncadd.s32 $0xFFFFC000  }
0x15d: {  	[spmem:s3] =	stream.indirect.scatter.add.f32 [tilespmem:s26], [sflag:$0x5], $0x80, s25, s2, $0xb8;
	[tilespmem:$0x1D580] =	vst v63  }
0x15e: {  	_ =	swait.ge [sflag:s9], $0x4000  }
0x15f: {  	[sflag:s9] =	ssyncset.done $0x0  }
0x160: {  	s18 =	rddreg [dreg:$0xb];
	[sflag:s9] =	ssyncadd.s32 $0xFFFFC000  }
0x161: {  	[tilespmem:s26], [sflag:$0x3] =	stream.indirect.gather [hbm4b:s16+s2], $0x80, s18, s2, $0xb8;
	[tilespmem:$0x1D580] =	vst v63  }
0x162: {  	_ =	swait.ge [sflag:s11], $0x80  }
0x163: {  	[sflag:s11] =	ssyncset.done $0x0  }
0x164: {  	s25 =	simm.s32 $0x980;
	[sflag:s11] =	ssyncadd.s32 $0xFFFFFF80  }
0x165: {  	[spmem:s4] =	stream.indirect.scatter.add.f32 [tilespmem:s30], [sflag:$0x8], $0x1, s25, s2, $0xb8;
	[tilespmem:$0x1D580] =	vst v63  }
0x166: {  	_ =	swait.ge [sflag:s13], $0x4000  }
0x167: {  	[sflag:s13] =	ssyncset.done $0x0  }
0x168: {  	[sflag:s13] =	ssyncadd.s32 $0xFFFFC000  }
0x169: {  	[spmem:s3] =	stream.indirect.scatter.add.f32 [tilespmem:s7], [sflag:$0x6], $0x80, s25, s2, $0xb8;
	[tilespmem:$0x1D580] =	vst v63  }
0x16a: {  	_ =	swait.ge [sflag:s14], $0x4000  }
0x16b: {  	[sflag:s14] =	ssyncset.done $0x0  }
0x16c: {  	s18 =	rddreg [dreg:$0xc];
	[sflag:s14] =	ssyncadd.s32 $0xFFFFC000  }
0x16d: {  	[tilespmem:s7], [sflag:$0x4] =	stream.indirect.gather [hbm4b:s16+s2], $0x80, s18, s2, $0xb8;
	[tilespmem:$0x1D580] =	vst v63  }
0x16e: {  	_ =	swait.ge [sflag:s15], $0x80  }
0x16f: {  	[sflag:s15] =	ssyncset.done $0x0  }
0x170: {  	s25 =	simm.s32 $0xA00;
	[sflag:s15] =	ssyncadd.s32 $0xFFFFFF80  }
0x171: {  	[spmem:s4] =	stream.indirect.scatter.add.f32 [tilespmem:s30], [sflag:$0x7], $0x1, s25, s2, $0xb8;
	[tilespmem:$0x1D580] =	vst v63  }
0x172: {  	_ =	swait.ge [sflag:s8], $0x4000  }
0x173: {  	[sflag:s8] =	ssyncset.done $0x0  }
0x174: {  	[sflag:s8] =	ssyncadd.s32 $0xFFFFC000  }
0x175: {  	[spmem:s3] =	stream.indirect.scatter.add.f32 [tilespmem:s26], [sflag:$0x5], $0x80, s25, s2, $0xb8;
	[tilespmem:$0x1D580] =	vst v63  }
0x176: {  	_ =	swait.ge [sflag:s9], $0x4000  }
0x177: {  	[sflag:s9] =	ssyncset.done $0x0  }
0x178: {  	s18 =	rddreg [dreg:$0xd];
	[sflag:s9] =	ssyncadd.s32 $0xFFFFC000  }
0x179: {  	[tilespmem:s26], [sflag:$0x3] =	stream.indirect.gather [hbm4b:s16+s2], $0x80, s18, s2, $0xb8;
	[tilespmem:$0x1D580] =	vst v63  }
0x17a: {  	_ =	swait.ge [sflag:s11], $0x80  }
0x17b: {  	[sflag:s11] =	ssyncset.done $0x0  }
0x17c: {  	s25 =	simm.s32 $0xA80;
	[sflag:s11] =	ssyncadd.s32 $0xFFFFFF80  }
0x17d: {  	[spmem:s4] =	stream.indirect.scatter.add.f32 [tilespmem:s30], [sflag:$0x8], $0x1, s25, s2, $0xb8;
	[tilespmem:$0x1D580] =	vst v63  }
0x17e: {  	_ =	swait.ge [sflag:s13], $0x4000  }
0x17f: {  	[sflag:s13] =	ssyncset.done $0x0  }
0x180: {  	[sflag:s13] =	ssyncadd.s32 $0xFFFFC000  }
0x181: {  	[spmem:s3] =	stream.indirect.scatter.add.f32 [tilespmem:s7], [sflag:$0x6], $0x80, s25, s2, $0xb8;
	[tilespmem:$0x1D580] =	vst v63  }
0x182: {  	_ =	swait.ge [sflag:s14], $0x4000  }
0x183: {  	[sflag:s14] =	ssyncset.done $0x0  }
0x184: {  	s18 =	rddreg [dreg:$0xe];
	[sflag:s14] =	ssyncadd.s32 $0xFFFFC000  }
0x185: {  	[tilespmem:s7], [sflag:$0x4] =	stream.indirect.gather [hbm4b:s16+s2], $0x80, s18, s2, $0xb8;
	[tilespmem:$0x1D580] =	vst v63  }
0x186: {  	_ =	swait.ge [sflag:s15], $0x80  }
0x187: {  	[sflag:s15] =	ssyncset.done $0x0  }
0x188: {  	s25 =	simm.s32 $0xB00;
	[sflag:s15] =	ssyncadd.s32 $0xFFFFFF80  }
0x189: {  	[spmem:s4] =	stream.indirect.scatter.add.f32 [tilespmem:s30], [sflag:$0x7], $0x1, s25, s2, $0xb8;
	[tilespmem:$0x1D580] =	vst v63  }
0x18a: {  	_ =	swait.ge [sflag:s8], $0x4000  }
0x18b: {  	[sflag:s8] =	ssyncset.done $0x0  }
0x18c: {  	[sflag:s8] =	ssyncadd.s32 $0xFFFFC000  }
0x18d: {  	[spmem:s3] =	stream.indirect.scatter.add.f32 [tilespmem:s26], [sflag:$0x5], $0x80, s25, s2, $0xb8;
	[tilespmem:$0x1D580] =	vst v63  }
0x18e: {  	_ =	swait.ge [sflag:s9], $0x4000  }
0x18f: {  	[sflag:s9] =	ssyncset.done $0x0  }
0x190: {  	[sflag:s9] =	ssyncadd.s32 $0xFFFFC000  }
0x191: {  	_ =	swait.ge [sflag:s11], $0x80  }
0x192: {  	[sflag:s11] =	ssyncset.done $0x0  }
0x193: {  	[sflag:s11] =	ssyncadd.s32 $0xFFFFFF80  }
0x194: {  	[spmem:s4] =	stream.indirect.scatter.add.f32 [tilespmem:s30], [sflag:$0x8], $0x1, s0, s2, $0xb8;
	[tilespmem:$0x1D580] =	vst v63  }
0x195: {  	_ =	swait.ge [sflag:s13], $0x4000  }
0x196: {  	[sflag:s13] =	ssyncset.done $0x0  }
0x197: {  	[sflag:s13] =	ssyncadd.s32 $0xFFFFC000  }
0x198: {  	[spmem:s3] =	stream.indirect.scatter.add.f32 [tilespmem:s7], [sflag:$0x6], $0x80, s0, s2, $0xb8;
	[tilespmem:$0x1D580] =	vst v63  }
0x199: {  	_ =	swait.ge [sflag:s14], $0x4000  }
0x19a: {  	[sflag:s14] =	ssyncset.done $0x0  }
0x19b: {  	[sflag:s14] =	ssyncadd.s32 $0xFFFFC000  }
0x19c: {  	_ =	swait.ge [sflag:s15], $0x80  }
0x19d: {  	s24 =	smov.u32 s17;
	s18 =	rddreg [dreg:$0x9];
	[sflag:s15] =	ssyncset.done $0x0  }
0x19e: {  	s10 =	rddreg [dreg:$0x8];
	[sflag:s15] =	ssyncadd.s32 $0xFFFFFF80;
	s25 =	sadd.s32 s24, s18  }
0x19f: {  	[tilespmem:s5], [sflag:$0x1] =	stream.linear.gather [hbm4b:s25+s5], $0x400, $0x38;
	[tilespmem:$0x1D580] =	vst v63  }
0x1a0: {  	s18 =	sadd.s32 s24, s10  }
0x1a1: {  	[tilespmem:s31], [sflag:$0x1] =	stream.linear.gather [hbm4b:s18+s5], $0x400, $0x38;
	[tilespmem:$0x1D580] =	vst v63  }
0x1a2: {  	_ =	swait.ge [sflag:s21], $0x400  }
0x1a3: {  	[sflag:s21] =	ssyncset.done $0x0  }
0x1a4: {  	[sflag:s21] =	ssyncadd.s32 $0xFFFFFC00  }
0x1a5: {  	_ =	swait.ge [sflag:s21], $0x400  }
0x1a6: {  	[sflag:s21] =	ssyncset.done $0x0  }
0x1a7: {  	s10 =	simm.s32 $0x400;
	[sflag:s21] =	ssyncadd.s32 $0xFFFFFC00  }
0x1a8: {  	[tilespmem:s26], [sflag:$0x3] =	stream.indirect.gather [hbm4b:s16+s2], $0x80, s10, s2, $0xb8;
	[tilespmem:$0x1D580] =	vst v63  }
0x1a9: {  	s25 =	rddreg [dreg:$0xf]  }
0x1aa: {  	[tilespmem:s7], [sflag:$0x4] =	stream.indirect.gather [hbm4b:s16+s2], $0x80, s25, s2, $0xb8;
	[tilespmem:$0x1D580] =	vst v63  }
0x1ab: {  	_ = 	snop  }
0x1ac: {  	[spmem:s4] =	stream.indirect.scatter.add.f32 [tilespmem:s30], [sflag:$0x7], $0x1, s6, s2, $0xb8;
	[tilespmem:$0x1D580] =	vst v63  }
0x1ad: {  	_ =	swait.ge [sflag:s8], $0x4000  }
0x1ae: {  	[sflag:s8] =	ssyncset.done $0x0  }
0x1af: {  	[sflag:s8] =	ssyncadd.s32 $0xFFFFC000  }
0x1b0: {  	[spmem:s3] =	stream.indirect.scatter.add.f32 [tilespmem:s26], [sflag:$0x5], $0x80, s6, s2, $0xb8;
	[tilespmem:$0x1D580] =	vst v63  }
0x1b1: {  	_ =	swait.ge [sflag:s9], $0x4000  }
0x1b2: {  	[sflag:s9] =	ssyncset.done $0x0  }
0x1b3: {  	s25 =	rddreg [dreg:$0x10];
	[sflag:s9] =	ssyncadd.s32 $0xFFFFC000  }
0x1b4: {  	[tilespmem:s26], [sflag:$0x3] =	stream.indirect.gather [hbm4b:s16+s2], $0x80, s25, s2, $0xb8;
	[tilespmem:$0x1D580] =	vst v63  }
0x1b5: {  	_ =	swait.ge [sflag:s11], $0x80  }
0x1b6: {  	[sflag:s11] =	ssyncset.done $0x0  }
0x1b7: {  	[sflag:s11] =	ssyncadd.s32 $0xFFFFFF80  }
0x1b8: {  	[spmem:s4] =	stream.indirect.scatter.add.f32 [tilespmem:s30], [sflag:$0x8], $0x1, s12, s2, $0xb8;
	[tilespmem:$0x1D580] =	vst v63  }
0x1b9: {  	_ =	swait.ge [sflag:s13], $0x4000  }
0x1ba: {  	[sflag:s13] =	ssyncset.done $0x0  }
0x1bb: {  	[sflag:s13] =	ssyncadd.s32 $0xFFFFC000  }
0x1bc: {  	[spmem:s3] =	stream.indirect.scatter.add.f32 [tilespmem:s7], [sflag:$0x6], $0x80, s12, s2, $0xb8;
	[tilespmem:$0x1D580] =	vst v63  }
0x1bd: {  	_ =	swait.ge [sflag:s14], $0x4000  }
0x1be: {  	[sflag:s14] =	ssyncset.done $0x0  }
0x1bf: {  	s25 =	rddreg [dreg:$0x11];
	[sflag:s14] =	ssyncadd.s32 $0xFFFFC000  }
0x1c0: {  	[tilespmem:s7], [sflag:$0x4] =	stream.indirect.gather [hbm4b:s16+s2], $0x80, s25, s2, $0xb8;
	[tilespmem:$0x1D580] =	vst v63  }
0x1c1: {  	_ =	swait.ge [sflag:s15], $0x80  }
0x1c2: {  	[sflag:s15] =	ssyncset.done $0x0  }
0x1c3: {  	[sflag:s15] =	ssyncadd.s32 $0xFFFFFF80  }
0x1c4: {  	[spmem:s4] =	stream.indirect.scatter.add.f32 [tilespmem:s30], [sflag:$0x7], $0x1, s19, s2, $0xb8;
	[tilespmem:$0x1D580] =	vst v63  }
0x1c5: {  	_ =	swait.ge [sflag:s8], $0x4000  }
0x1c6: {  	[sflag:s8] =	ssyncset.done $0x0  }
0x1c7: {  	[sflag:s8] =	ssyncadd.s32 $0xFFFFC000  }
0x1c8: {  	[spmem:s3] =	stream.indirect.scatter.add.f32 [tilespmem:s26], [sflag:$0x5], $0x80, s19, s2, $0xb8;
	[tilespmem:$0x1D580] =	vst v63  }
0x1c9: {  	_ =	swait.ge [sflag:s9], $0x4000  }
0x1ca: {  	[sflag:s9] =	ssyncset.done $0x0  }
0x1cb: {  	s25 =	rddreg [dreg:$0x12];
	[sflag:s9] =	ssyncadd.s32 $0xFFFFC000  }
0x1cc: {  	[tilespmem:s26], [sflag:$0x3] =	stream.indirect.gather [hbm4b:s16+s2], $0x80, s25, s2, $0xb8;
	[tilespmem:$0x1D580] =	vst v63  }
0x1cd: {  	_ =	swait.ge [sflag:s11], $0x80  }
0x1ce: {  	[sflag:s11] =	ssyncset.done $0x0  }
0x1cf: {  	[sflag:s11] =	ssyncadd.s32 $0xFFFFFF80  }
0x1d0: {  	[spmem:s4] =	stream.indirect.scatter.add.f32 [tilespmem:s30], [sflag:$0x8], $0x1, s20, s2, $0xb8;
	[tilespmem:$0x1D580] =	vst v63  }
0x1d1: {  	_ =	swait.ge [sflag:s13], $0x4000  }
0x1d2: {  	[sflag:s13] =	ssyncset.done $0x0  }
0x1d3: {  	[sflag:s13] =	ssyncadd.s32 $0xFFFFC000  }
0x1d4: {  	[spmem:s3] =	stream.indirect.scatter.add.f32 [tilespmem:s7], [sflag:$0x6], $0x80, s20, s2, $0xb8;
	[tilespmem:$0x1D580] =	vst v63  }
0x1d5: {  	_ =	swait.ge [sflag:s14], $0x4000  }
0x1d6: {  	[sflag:s14] =	ssyncset.done $0x0  }
0x1d7: {  	s25 =	rddreg [dreg:$0x13];
	[sflag:s14] =	ssyncadd.s32 $0xFFFFC000  }
0x1d8: {  	[tilespmem:s7], [sflag:$0x4] =	stream.indirect.gather [hbm4b:s16+s2], $0x80, s25, s2, $0xb8;
	[tilespmem:$0x1D580] =	vst v63  }
0x1d9: {  	_ =	swait.ge [sflag:s15], $0x80  }
0x1da: {  	[sflag:s15] =	ssyncset.done $0x0  }
0x1db: {  	[sflag:s15] =	ssyncadd.s32 $0xFFFFFF80  }
0x1dc: {  	[spmem:s4] =	stream.indirect.scatter.add.f32 [tilespmem:s30], [sflag:$0x7], $0x1, s29, s2, $0xb8;
	[tilespmem:$0x1D580] =	vst v63  }
0x1dd: {  	_ =	swait.ge [sflag:s8], $0x4000  }
0x1de: {  	[sflag:s8] =	ssyncset.done $0x0  }
0x1df: {  	[sflag:s8] =	ssyncadd.s32 $0xFFFFC000  }
0x1e0: {  	[spmem:s3] =	stream.indirect.scatter.add.f32 [tilespmem:s26], [sflag:$0x5], $0x80, s29, s2, $0xb8;
	[tilespmem:$0x1D580] =	vst v63  }
0x1e1: {  	_ =	swait.ge [sflag:s9], $0x4000  }
0x1e2: {  	[sflag:s9] =	ssyncset.done $0x0  }
0x1e3: {  	s25 =	rddreg [dreg:$0x14];
	[sflag:s9] =	ssyncadd.s32 $0xFFFFC000  }
0x1e4: {  	[tilespmem:s26], [sflag:$0x3] =	stream.indirect.gather [hbm4b:s16+s2], $0x80, s25, s2, $0xb8;
	[tilespmem:$0x1D580] =	vst v63  }
0x1e5: {  	_ =	swait.ge [sflag:s11], $0x80  }
0x1e6: {  	[sflag:s11] =	ssyncset.done $0x0  }
0x1e7: {  	[sflag:s11] =	ssyncadd.s32 $0xFFFFFF80  }
0x1e8: {  	[spmem:s4] =	stream.indirect.scatter.add.f32 [tilespmem:s30], [sflag:$0x8], $0x1, s22, s2, $0xb8;
	[tilespmem:$0x1D580] =	vst v63  }
0x1e9: {  	_ =	swait.ge [sflag:s13], $0x4000  }
0x1ea: {  	[sflag:s13] =	ssyncset.done $0x0  }
0x1eb: {  	[sflag:s13] =	ssyncadd.s32 $0xFFFFC000  }
0x1ec: {  	[spmem:s3] =	stream.indirect.scatter.add.f32 [tilespmem:s7], [sflag:$0x6], $0x80, s22, s2, $0xb8;
	[tilespmem:$0x1D580] =	vst v63  }
0x1ed: {  	_ =	swait.ge [sflag:s14], $0x4000  }
0x1ee: {  	[sflag:s14] =	ssyncset.done $0x0  }
0x1ef: {  	s25 =	rddreg [dreg:$0x15];
	[sflag:s14] =	ssyncadd.s32 $0xFFFFC000  }
0x1f0: {  	[tilespmem:s7], [sflag:$0x4] =	stream.indirect.gather [hbm4b:s16+s2], $0x80, s25, s2, $0xb8;
	[tilespmem:$0x1D580] =	vst v63  }
0x1f1: {  	_ =	swait.ge [sflag:s15], $0x80  }
0x1f2: {  	[sflag:s15] =	ssyncset.done $0x0  }
0x1f3: {  	[sflag:s15] =	ssyncadd.s32 $0xFFFFFF80  }
0x1f4: {  	[spmem:s4] =	stream.indirect.scatter.add.f32 [tilespmem:s30], [sflag:$0x7], $0x1, s23, s2, $0xb8;
	[tilespmem:$0x1D580] =	vst v63  }
0x1f5: {  	_ =	swait.ge [sflag:s8], $0x4000  }
0x1f6: {  	[sflag:s8] =	ssyncset.done $0x0  }
0x1f7: {  	[sflag:s8] =	ssyncadd.s32 $0xFFFFC000  }
0x1f8: {  	[spmem:s3] =	stream.indirect.scatter.add.f32 [tilespmem:s26], [sflag:$0x5], $0x80, s23, s2, $0xb8;
	[tilespmem:$0x1D580] =	vst v63  }
0x1f9: {  	_ =	swait.ge [sflag:s9], $0x4000  }
0x1fa: {  	[sflag:s9] =	ssyncset.done $0x0  }
0x1fb: {  	[sflag:s9] =	ssyncadd.s32 $0xFFFFC000  }
0x1fc: {  	_ =	swait.ge [sflag:s11], $0x80  }
0x1fd: {  	[sflag:s11] =	ssyncset.done $0x0  }
0x1fe: {  	[sflag:s11] =	ssyncadd.s32 $0xFFFFFF80  }
0x1ff: {  	[spmem:s4] =	stream.indirect.scatter.add.f32 [tilespmem:s30], [sflag:$0x8], $0x1, s28, s2, $0xb8;
	[tilespmem:$0x1D580] =	vst v63  }
0x200: {  	_ =	swait.ge [sflag:s13], $0x4000  }
0x201: {  	[sflag:s13] =	ssyncset.done $0x0  }
0x202: {  	[sflag:s13] =	ssyncadd.s32 $0xFFFFC000  }
0x203: {  	[spmem:s3] =	stream.indirect.scatter.add.f32 [tilespmem:s7], [sflag:$0x6], $0x80, s28, s2, $0xb8;
	[tilespmem:$0x1D580] =	vst v63  }
0x204: {  	_ =	swait.ge [sflag:s14], $0x4000  }
0x205: {  	[sflag:s14] =	ssyncset.done $0x0  }
0x206: {  	p0 =	sne.s32 s17, $0x400;
	[sflag:s14] =	ssyncadd.s32 $0xFFFFC000  }
.Ltmp0:
0x207: {  	_ =	swait.ge [sflag:s15], $0x80;
	(pc) =	sbr.rel @p0 .LBB2_2-.Ltmp0, $4  }
0x208: {  	s18 =	rddreg [dreg:$0x7]  }
0x209: {  	s17 =	sadd.s32 $0x100, s17;
	[sflag:s15] =	ssyncset.done $0x0;
	s25 =	rddreg [dreg:$0x6]  }
0x20a: {  	[sflag:s15] =	ssyncadd.s32 $0xFFFFFF80;
	s18 =	sadd.s32 s24, s18;
	s24 =	sadd.s32 s24, s25  }
0x20b: {  	[tilespmem:s10], [sflag:$0x2] =	stream.linear.gather [hbm4b:s18+s5], $0x400, $0x38;
	[tilespmem:$0x1D580] =	vst v63  }
0x20c: {  	[tilespmem:s6], [sflag:$0x2] =	stream.linear.gather [hbm4b:s24+s5], $0x400, $0x38;
	[tilespmem:$0x1D580] =	vst v63  }
0x20d: {  	_ =	swait.ge [sflag:s1], $0x400  }
0x20e: {  	[sflag:s1] =	ssyncset.done $0x0  }
0x20f: {  	[sflag:s1] =	ssyncadd.s32 $0xFFFFFC00  }
0x210: {  	_ =	swait.ge [sflag:s1], $0x400  }
0x211: {  	[sflag:s1] =	ssyncset.done $0x0  }
0x212: {  	[sflag:s1] =	ssyncadd.s32 $0xFFFFFC00  }
0x213: {  	_ =	swait.ge [sflag:s21], $0x400  }
0x214: {  	[sflag:s21] =	ssyncset.done $0x0  }
0x215: {  	[sflag:s21] =	ssyncadd.s32 $0xFFFFFC00  }
0x216: {  	_ =	swait.ge [sflag:s21], $0x400  }
0x217: {  	[sflag:s21] =	ssyncset.done $0x0  }
0x218: {  	[sflag:s21] =	ssyncadd.s32 $0xFFFFFC00  }
0x219: {  	[bflag:$0x0] =	sbarrier.arrive $0xFFFF  }
0x21a: {  	s20 =	sld [smem:$0x7F8];
	_ =	sdelay $0x1  }
0x21b: {  	s18 =	simm.s32 $0x9  }
0x21c: {  	[tilespmem:s26], [sflag:$0x9] =	stream.linear.gather [spmem:s20], $0x4000, $0x38;
	[tilespmem:$0x1D580] =	vst v63  }
0x21d: {  	_ =	swait.ge [sflag:s18], $0x4000  }
0x21e: {  	[sflag:s18] =	ssyncset.done $0x0  }
0x21f: {  	s17 =	rddreg [dreg:$0x1a];
	[sflag:s18] =	ssyncadd.s32 $0xFFFFC000  }
0x220: {  	[hbm4b:s17+s5] =	stream.linear.scatter [tilespmem:s26], [sflag:$0x9], $0x4000, $0x38;
	[tilespmem:$0x1D580] =	vst v63  }
0x221: {  	_ =	swait.ge [sflag:s18], $0x4000  }
0x222: {  	s22 =	sld [smem:$0x7F9]  }
0x223: {  	[sflag:s18] =	ssyncset.done $0x0  }
0x224: {  	[sflag:s18] =	ssyncadd.s32 $0xFFFFC000  }
0x225: {  	[tilespmem:s26], [sflag:$0x9] =	stream.linear.gather [spmem:s22], $0x4000, $0x38;
	[tilespmem:$0x1D580] =	vst v63  }
0x226: {  	_ =	swait.ge [sflag:s18], $0x4000  }
0x227: {  	[sflag:s18] =	ssyncset.done $0x0  }
0x228: {  	s23 =	rddreg [dreg:$0x1b];
	[sflag:s18] =	ssyncadd.s32 $0xFFFFC000  }
0x229: {  	[hbm4b:s23+s5] =	stream.linear.scatter [tilespmem:s26], [sflag:$0x9], $0x4000, $0x38;
	[tilespmem:$0x1D580] =	vst v63  }
0x22a: {  	_ =	swait.ge [sflag:s18], $0x4000  }
0x22b: {  	s10 =	sld [smem:$0x7FA]  }
0x22c: {  	[sflag:s18] =	ssyncset.done $0x0  }
0x22d: {  	[sflag:s18] =	ssyncadd.s32 $0xFFFFC000  }
0x22e: {  	[tilespmem:s26], [sflag:$0x9] =	stream.linear.gather [spmem:s10], $0x4000, $0x38;
	[tilespmem:$0x1D580] =	vst v63  }
0x22f: {  	_ =	swait.ge [sflag:s18], $0x4000  }
0x230: {  	[sflag:s18] =	ssyncset.done $0x0  }
0x231: {  	s24 =	rddreg [dreg:$0x1c];
	[sflag:s18] =	ssyncadd.s32 $0xFFFFC000  }
0x232: {  	[hbm4b:s24+s5] =	stream.linear.scatter [tilespmem:s26], [sflag:$0x9], $0x4000, $0x38;
	[tilespmem:$0x1D580] =	vst v63  }
0x233: {  	_ =	swait.ge [sflag:s18], $0x4000  }
0x234: {  	s23 =	sld [smem:$0x7FB]  }
0x235: {  	[sflag:s18] =	ssyncset.done $0x0  }
0x236: {  	[sflag:s18] =	ssyncadd.s32 $0xFFFFC000  }
0x237: {  	[tilespmem:s26], [sflag:$0x9] =	stream.linear.gather [spmem:s23], $0x4000, $0x38;
	[tilespmem:$0x1D580] =	vst v63  }
0x238: {  	_ =	swait.ge [sflag:s18], $0x4000  }
0x239: {  	[sflag:s18] =	ssyncset.done $0x0  }
0x23a: {  	s25 =	rddreg [dreg:$0x1d];
	[sflag:s18] =	ssyncadd.s32 $0xFFFFC000  }
0x23b: {  	[hbm4b:s25+s5] =	stream.linear.scatter [tilespmem:s26], [sflag:$0x9], $0x4000, $0x38;
	[tilespmem:$0x1D580] =	vst v63  }
0x23c: {  	_ =	swait.ge [sflag:s18], $0x4000  }
0x23d: {  	s12 =	sld [smem:$0x7FC]  }
0x23e: {  	[sflag:s18] =	ssyncset.done $0x0  }
0x23f: {  	[sflag:s18] =	ssyncadd.s32 $0xFFFFC000  }
0x240: {  	[tilespmem:s26], [sflag:$0x9] =	stream.linear.gather [spmem:s12], $0x4000, $0x38;
	[tilespmem:$0x1D580] =	vst v63  }
0x241: {  	_ =	swait.ge [sflag:s18], $0x4000  }
0x242: {  	[sflag:s18] =	ssyncset.done $0x0  }
0x243: {  	s0 =	rddreg [dreg:$0x1e];
	[sflag:s18] =	ssyncadd.s32 $0xFFFFC000  }
0x244: {  	[hbm4b:s0+s5] =	stream.linear.scatter [tilespmem:s26], [sflag:$0x9], $0x4000, $0x38;
	[tilespmem:$0x1D580] =	vst v63  }
0x245: {  	_ =	swait.ge [sflag:s18], $0x4000  }
0x246: {  	s17 =	sld [smem:$0x7FD]  }
0x247: {  	[sflag:s18] =	ssyncset.done $0x0  }
0x248: {  	s24 =	simm.s32 $0x9080;
	[sflag:s18] =	ssyncadd.s32 $0xFFFFC000  }
0x249: {  	[tilespmem:s24], [sflag:$0x9] =	stream.linear.gather [spmem:s17], $0x280, $0x38;
	[tilespmem:$0x1D580] =	vst v63  }
0x24a: {  	_ =	swait.ge [sflag:s18], $0x280  }
0x24b: {  	s25 =	sld [smem:$0x7F6]  }
0x24c: {  	[sflag:s18] =	ssyncset.done $0x0  }
0x24d: {  	s19 =	simm.s32 $0x100;
	[sflag:s18] =	ssyncadd.s32 $0xFFFFFD80  }
0x24e: {  	[hbm4b:s25+s2] =	stream.strided.scatter [tilespmem:s24], [sflag:$0x9], $0x280, s19, s2, $0x38;
	[tilespmem:$0x1D580] =	vst v63  }
0x24f: {  	_ =	swait.ge [sflag:s18], $0x280  }
0x250: {  	s0 =	sld [smem:$0x7F5]  }
0x251: {  	s19 =	sld [smem:$0x7F7];
	_ =	sdelay $0x1  }
0x252: {  	s0 =	sadd.s32 $0x1, s0  }
0x253: {  	p0 =	sne.s32 s0, s19  }
.Ltmp1:
0x254: {  	_ = 	snop;
	(pc) =	sbr.rel @p0 .LBB2_1-.Ltmp1, $3  }
0x255: {  	_ =	sdelay $0x1  }
0x256: {  	s25 =	simm.s32 $0x9;
	[sflag:s18] =	ssyncset.done $0x0  }
0x257: {  	[sflag:s25] =	ssyncadd.s32 $0xFFFFFD80  }
0x258: {  	_ =	sfence.sel $0x180000  }
0x259: {  	[bflag:$0x0] =	sbarrier.arrive $0xFFFF  }
0x25a: {  	_ =	strace $0x90000047  }
0x25b: {  	s0 =	stileid.u32;
	[bflag:$0x2] =	sbarrier.arrive $0xFFFF  }
0x25c: {  	p0 =	sne.s32 s0, $0x0;
	s0 =	rddreg [dreg:$0x5]  }
0x25d: {  	s0 =	sadd.s32 @!p0 $0x100000, s0  }
0x25e: {  	[sflag:s0] =	ssyncadd.tile.s32 @!p0 $0x1;
	_ =	shalt  }
.Lfunc_end2:
_tile_overlayer_lowered:
.L_overlay_start_2:
0x25f: {  	(tag) =	ssettag $0x2  }
0x260: {  	s0 =	rddreg [dreg:$0x0];
	s2 =	stileid.u32  }
0x261: {  	s1 =	rddreg [dreg:$0x1];
	p0 =	sne.s32 s2, $0x0  }
0x262: {  	s3 =	rddreg [dreg:$0x2];
	[bflag:$0x3] =	sbarrier.arrive $0xFFFF;
	s2 =	simm.s32 @!p0 $0x1C09  }
0x263: {  	[timem:s3], [sflag:s2] =	dma.local @!p0 [hbm:s0], s1  }
0x264: {  	s0 =	simm.s32 @!p0 $0x9  }
0x265: {  	_ =	swait.ge @!p0 [sflag:s0], s1  }
0x266: {  	s1 =	ssub.s32 @!p0 $0x0, s1;
	[sflag:s0] =	ssyncset.done @!p0 $0x0  }
0x267: {  	[sflag:s0] =	ssyncadd.s32 @!p0 s1  }
0x268: {  	[bflag:$0x3] =	sbarrier.arrive $0xFFFF  }
0x269: {  	_ =	shalt  }

</sc_bundles>
